<compile_context>
chip_gen: v7x
topology: tpu7x:2x2x1
jax: 0.10.2.dev20260603
libtpu: 0.0.44.dev20260713+nightly
codegen_flags: <defaults>
</compile_context>

<pallas_src>
import functools

import jax
import jax.numpy as jnp
from jax import lax
from jax.experimental import pallas as pl
from jax.experimental.pallas import tpu as pltpu
from jax.experimental.pallas import tpu_sc as plsc

N_NODES = 10000
D = 128
N_EDGES = 320000

NSC = 2
NTILE = 16
WPT = D // (2 * NTILE) // 2

WORDS = D // NTILE // 2

CHUNK = 8192
ROWS = CHUNK // 128
PER_SC = 163840
NCHUNK = PER_SC // CHUNK
E_PAD = PER_SC * NSC

ROW_BLOCK = 1000


def _mlp_body(x_ref, w1_ref, b1_ref, w2_ref, b2_ref, ht_ref):
    h1 = jnp.dot(x_ref[...], w1_ref[...], preferred_element_type=jnp.float32)
    h1 = jnp.maximum(h1 + b1_ref[...], 0.0)
    h2 = jnp.dot(h1, w2_ref[...], preferred_element_type=jnp.float32)
    ht_ref[...] = jnp.maximum(h2 + b2_ref[...], 0.0).T.astype(jnp.bfloat16)


def _mlp_t(x, W1, b1, W2, b2):
    return pl.pallas_call(
        _mlp_body,
        out_shape=jax.ShapeDtypeStruct((D, N_NODES), jnp.bfloat16),
    )(x, W1, b1.reshape(1, D), W2, b2.reshape(1, D))


def _edge_dot_body(ht_hbm, src_hbm, dst_hbm, pred_hbm,
                   acc_spmem, table, sidx0, sidx1, didx0, didx1,
                   partial, zrows, idrows, sem_s0, sem_s1, sem_d0, sem_d1):
    cid = lax.axis_index("c")
    sid = lax.axis_index("s")
    ebase_sc = cid * PER_SC
    rowbase_sc = cid * (PER_SC // 128)
    sidx = (sidx0, sidx1)
    didx = (didx0, didx1)
    sem_s = (sem_s0, sem_s1)
    sem_d = (sem_d0, sem_d1)
    rpt = ROWS // NTILE

    for j in range(WORDS):
        pltpu.sync_copy(ht_hbm.at[sid * WORDS + j],
                        table.at[pl.ds(j * N_NODES, N_NODES)])

    l16 = lax.iota(jnp.int32, 16)
    for rr in range(ROWS // 16):
        idrows[pl.ds(rr * 16, 16)] = l16 + (rr * 16)
    for rr in range(rpt):
        for j in range(128 // 16):
            zrows[rr, pl.ds(j * 16, 16)] = jnp.zeros((16,), jnp.float32)
    pltpu.sync_copy(zrows, acc_spmem.at[pl.ds(sid * rpt, rpt)])

    pltpu.async_copy(src_hbm.at[pl.ds(ebase_sc, CHUNK)], sidx0, sem_s0)
    pltpu.async_copy(dst_hbm.at[pl.ds(ebase_sc, CHUNK)], didx0, sem_d0)

    def compute_partial(six, dix):
        def row_body(r, rcarry):
            for gg in range(8):
                gb = r * 128 + gg * 16
                sids = six[pl.ds(gb, 16)]
                dids = dix[pl.ds(gb, 16)]
                acc = None
                for j in range(WORDS):
                    va = plsc.load_gather(table, [sids + (j * N_NODES)])
                    vb = plsc.load_gather(table, [dids + (j * N_NODES)])
                    a0, a1 = plsc.unpack(plsc.bitcast(va, jnp.bfloat16),
                                         format=plsc.PackFormat.INTERLEAVED)
                    b0, b1 = plsc.unpack(plsc.bitcast(vb, jnp.bfloat16),
                                         format=plsc.PackFormat.INTERLEAVED)
                    term = a0 * b0 + a1 * b1
                    acc = term if acc is None else acc + term
                partial[r, pl.ds(gg * 16, 16)] = acc
            return rcarry

        lax.fori_loop(0, ROWS, row_body, 0)

    def pair_body(c2, carry):
        for b in range(2):
            c = c2 * 2 + b
            nb = 1 - b

            @pl.when(c + 1 < NCHUNK)
            def _():
                eoff = ebase_sc + (c + 1) * CHUNK
                pltpu.async_copy(src_hbm.at[pl.ds(eoff, CHUNK)],
                                 sidx[nb], sem_s[nb])
                pltpu.async_copy(dst_hbm.at[pl.ds(eoff, CHUNK)],
                                 didx[nb], sem_d[nb])

            pltpu.make_async_copy(
                src_hbm.at[pl.ds(ebase_sc, CHUNK)], sidx[b], sem_s[b]).wait()
            pltpu.make_async_copy(
                dst_hbm.at[pl.ds(ebase_sc, CHUNK)], didx[b], sem_d[b]).wait()

            compute_partial(sidx[b], didx[b])

            plsc.subcore_barrier()
            pltpu.sync_copy(partial, acc_spmem.at[idrows], add=True)
            plsc.subcore_barrier()
            rbase = sid * rpt
            pltpu.sync_copy(
                acc_spmem.at[pl.ds(rbase, rpt)],
                pred_hbm.at[pl.ds(rowbase_sc + c * ROWS + rbase, rpt)])
            pltpu.sync_copy(zrows, acc_spmem.at[pl.ds(rbase, rpt)])
        return carry

    lax.fori_loop(0, NCHUNK // 2, pair_body, 0)


def _edge_dots(ht, src, dst):
    mesh = plsc.VectorSubcoreMesh(core_axis_name="c", subcore_axis_name="s")
    k = functools.partial(
        pl.kernel,
        out_type=jax.ShapeDtypeStruct((E_PAD // 128, 128), jnp.float32),
        mesh=mesh,
        scratch_types=[
            pltpu.VMEM_SHARED((ROWS, 128), jnp.float32),
            pltpu.VMEM((WORDS * N_NODES,), jnp.int32),
            pltpu.VMEM((CHUNK,), jnp.int32),
            pltpu.VMEM((CHUNK,), jnp.int32),
            pltpu.VMEM((CHUNK,), jnp.int32),
            pltpu.VMEM((CHUNK,), jnp.int32),
            pltpu.VMEM((ROWS, 128), jnp.float32),
            pltpu.VMEM((ROWS // NTILE, 128), jnp.float32),
            pltpu.VMEM((ROWS,), jnp.int32),
            pltpu.SemaphoreType.DMA,
            pltpu.SemaphoreType.DMA,
            pltpu.SemaphoreType.DMA,
            pltpu.SemaphoreType.DMA,
        ],
        compiler_params=pltpu.CompilerParams(
            needs_layout_passes=False, use_tc_tiling_on_sc=False),
    )(_edge_dot_body)
    return k(ht, src, dst)


def kernel(x, edge_index, edge_label, W1, b1, W2, b2):
    ht_bf = _mlp_t(x, W1, b1, W2, b2)
    ht = lax.bitcast_convert_type(
        ht_bf.reshape(D // 2, 2, N_NODES).transpose(0, 2, 1), jnp.int32)
    ei = edge_index.astype(jnp.int32)
    pad = E_PAD - N_EDGES
    src = jnp.pad(ei[0], (0, pad))
    dst = jnp.pad(ei[1], (0, pad))
    pred2d = _edge_dots(ht, src, dst)
    return (pred2d.reshape(E_PAD)[:N_EDGES], edge_label)

# --- scband reference (transcript-rebuilt; emitter-appended) ---
"""Pipeline reference for scband-gnntransductive-edge-head-80659485819067 (READ-ONLY COPY).

The authoritative reference and input builder live on the scoring server;
editing this copy changes nothing except your own understanding.
"""

import jax, jax.numpy as jnp
import numpy as np

N_NODES = 10000
N_EDGES = 320000
D = 128

def setup_inputs(seed: int = 0) -> dict:
    key = jax.random.key(seed)
    k1, k2, k3, k4, k5, k6, k7 = jax.random.split(key, 7)
    x = jax.random.normal(k1, (N_NODES, D), dtype=jnp.float32)
    edge_index = jax.random.randint(k2, (2, N_EDGES), 0, N_NODES, dtype=jnp.int64)
    edge_label = jax.random.randint(k3, (N_EDGES,), 0, 2, dtype=jnp.int64)
    scale = 1.0 / np.sqrt(D)
    W1 = jax.random.normal(k4, (D, D), dtype=jnp.float32) * scale
    b1 = jnp.zeros((D,), dtype=jnp.float32)
    W2 = jax.random.normal(k5, (D, D), dtype=jnp.float32) * scale
    b2 = jnp.zeros((D,), dtype=jnp.float32)
    return {"x": x, "edge_index": edge_index, "edge_label": edge_label,
            "W1": W1, "b1": b1, "W2": W2, "b2": b2}

def reference(x, edge_index, edge_label, W1, b1, W2, b2):
    # layer_post_mp: MLP(dim_in -> dim_in, layers_post_mp=2, has_act=True)
    h = jax.nn.relu(jnp.dot(x, W1) + b1)
    h = jax.nn.relu(jnp.dot(h, W2) + b2)
    # _apply_index: gather node embeddings at edge endpoints (embedding lookup)
    pred_nodes = jnp.take(h, edge_index, axis=0)  # [2, E, D]
    nodes_first = pred_nodes[0]
    nodes_second = pred_nodes[1]
    # decode_module for 'dot': sum(v1 * v2, dim=-1)
    pred = jnp.sum(nodes_first * nodes_second, axis=-1)  # [E]
    return (pred, edge_label)

if __name__ == "__main__":
    import jax
    _d = setup_inputs()
    print(jax.jit(kernel)(*tuple(_d.values())))

</pallas_src>

<mosaic_0001>
#map = affine_map<(d0, d1) -> (0, 0)>
#map1 = affine_map<(d0, d1) -> (0)>
module attributes {stable_mosaic.version = 14 : i64} {
  func.func @_edge_dot_body(%arg0: i32, %arg1: i32, %arg2: memref<64x10000xi32, #tpu.memory_space<hbm>>, %arg3: memref<327680xi32, #tpu.memory_space<hbm>>, %arg4: memref<327680xi32, #tpu.memory_space<hbm>>, %arg5: memref<2560x128xf32, #tpu.memory_space<hbm>>, %arg6: memref<64x128xf32, #tpu.memory_space<vmem_shared>>, %arg7: memref<40000xi32, #tpu.memory_space<vmem>>, %arg8: memref<8192xi32, #tpu.memory_space<vmem>>, %arg9: memref<8192xi32, #tpu.memory_space<vmem>>, %arg10: memref<8192xi32, #tpu.memory_space<vmem>>, %arg11: memref<8192xi32, #tpu.memory_space<vmem>>, %arg12: memref<64x128xf32, #tpu.memory_space<vmem>>, %arg13: memref<4x128xf32, #tpu.memory_space<vmem>>, %arg14: memref<64xi32, #tpu.memory_space<vmem>>, %arg15: memref<!tpu.dma_semaphore, #tpu.memory_space<semaphore_mem>>, %arg16: memref<!tpu.dma_semaphore, #tpu.memory_space<semaphore_mem>>, %arg17: memref<!tpu.dma_semaphore, #tpu.memory_space<semaphore_mem>>, %arg18: memref<!tpu.dma_semaphore, #tpu.memory_space<semaphore_mem>>) attributes {dimension_semantics = [#tpu.dimension_semantics<core_parallel>, #tpu.dimension_semantics<subcore_parallel>], iteration_bounds = array<i64: 2, 16>, scalar_prefetch = 0 : i64, scratch_operands = 13 : i64, tpu.core_type = #tpu.core_type<sc_vector_subcore>, window_params = [{transform_indices = #map}, {transform_indices = #map1}, {transform_indices = #map1}, {transform_indices = #map}]} {
    %mul3A = arith.constant 163840 : i32
    %mul3A_0 = arith.muli %arg0, %mul3A : i32
    %mul3A_1 = arith.constant 1280 : i32
    %mul3A_2 = arith.muli %arg0, %mul3A_1 : i32
    %mul3A_3 = arith.constant 4 : i32
    %mul3A_4 = arith.muli %arg1, %mul3A_3 : i32
    %add3A = arith.constant 0 : i32
    %add3A_5 = arith.addi %mul3A_4, %add3A : i32
    "tpu.region"() ({
      %run_scoped3A = tpu.sem_alloc : memref<!tpu.dma_semaphore, #tpu.memory_space<semaphore_mem>>
      %dma_start3A_238 = arith.constant 0 : i32
      %dma_start3A_239 = tpu.memref_slice %arg7[%dma_start3A_238] : memref<40000xi32, #tpu.memory_space<vmem>> -> memref<10000xi32, #tpu.memory_space<vmem>>
      %dma_start3A_240 = arith.constant 0 : i32
      %dma_start3A_241 = tpu.memref_slice %arg2[%add3A_5, %dma_start3A_240] : memref<64x10000xi32, #tpu.memory_space<hbm>> -> memref<1x10000xi32, #tpu.memory_space<hbm>>
      %dma_start3A_242 = tpu.memref_squeeze %dma_start3A_241 : memref<1x10000xi32, #tpu.memory_space<hbm>> -> memref<10000xi32, #tpu.memory_space<hbm>>
      %dma_start3A_243 = arith.constant 0 : i32
      %dma_start3A_244 = tpu.memref_slice %arg7[%dma_start3A_243] : memref<40000xi32, #tpu.memory_space<vmem>> -> memref<10000xi32, #tpu.memory_space<vmem>>
      %dma_start3A_245 = arith.constant 0 : i32
      %dma_start3A_246 = tpu.memref_slice %arg2[%add3A_5, %dma_start3A_245] : memref<64x10000xi32, #tpu.memory_space<hbm>> -> memref<1x10000xi32, #tpu.memory_space<hbm>>
      %dma_start3A_247 = tpu.memref_squeeze %dma_start3A_246 : memref<1x10000xi32, #tpu.memory_space<hbm>> -> memref<10000xi32, #tpu.memory_space<hbm>>
      tpu.enqueue_dma source(%dma_start3A_247 : memref<10000xi32, #tpu.memory_space<hbm>>) target(%dma_start3A_244 : memref<10000xi32, #tpu.memory_space<vmem>>) target_semaphore(%run_scoped3A : memref<!tpu.dma_semaphore, #tpu.memory_space<semaphore_mem>>)
      %dma_wait3A = arith.constant 0 : i32
      %dma_wait3A_248 = tpu.memref_slice %arg7[%dma_wait3A] : memref<40000xi32, #tpu.memory_space<vmem>> -> memref<10000xi32, #tpu.memory_space<vmem>>
      %dma_wait3A_249 = arith.constant 0 : i32
      %dma_wait3A_250 = tpu.memref_slice %arg2[%add3A_5, %dma_wait3A_249] : memref<64x10000xi32, #tpu.memory_space<hbm>> -> memref<1x10000xi32, #tpu.memory_space<hbm>>
      %dma_wait3A_251 = tpu.memref_squeeze %dma_wait3A_250 : memref<1x10000xi32, #tpu.memory_space<hbm>> -> memref<10000xi32, #tpu.memory_space<hbm>>
      %dma_wait3A_252 = arith.constant 0 : i32
      %dma_wait3A_253 = tpu.memref_slice %arg7[%dma_wait3A_252] : memref<40000xi32, #tpu.memory_space<vmem>> -> memref<10000xi32, #tpu.memory_space<vmem>>
      %dma_wait3A_254 = arith.constant 0 : i32
      %dma_wait3A_255 = tpu.memref_slice %arg2[%add3A_5, %dma_wait3A_254] : memref<64x10000xi32, #tpu.memory_space<hbm>> -> memref<1x10000xi32, #tpu.memory_space<hbm>>
      %dma_wait3A_256 = tpu.memref_squeeze %dma_wait3A_255 : memref<1x10000xi32, #tpu.memory_space<hbm>> -> memref<10000xi32, #tpu.memory_space<hbm>>
      tpu.wait_dma2 semaphore(%run_scoped3A : memref<!tpu.dma_semaphore, #tpu.memory_space<semaphore_mem>>) src(%dma_wait3A_256 : memref<10000xi32, #tpu.memory_space<hbm>>) dst(%dma_wait3A_253 : memref<10000xi32, #tpu.memory_space<vmem>>)
      tpu.yield
    }) : () -> ()
    %mul3A_6 = arith.constant 4 : i32
    %mul3A_7 = arith.muli %arg1, %mul3A_6 : i32
    %add3A_8 = arith.constant 1 : i32
    %add3A_9 = arith.addi %mul3A_7, %add3A_8 : i32
    "tpu.region"() ({
      %run_scoped3A = tpu.sem_alloc : memref<!tpu.dma_semaphore, #tpu.memory_space<semaphore_mem>>
      %dma_start3A_238 = arith.constant 10000 : i32
      %dma_start3A_239 = tpu.memref_slice %arg7[%dma_start3A_238] : memref<40000xi32, #tpu.memory_space<vmem>> -> memref<10000xi32, #tpu.memory_space<vmem>>
      %dma_start3A_240 = arith.constant 0 : i32
      %dma_start3A_241 = tpu.memref_slice %arg2[%add3A_9, %dma_start3A_240] : memref<64x10000xi32, #tpu.memory_space<hbm>> -> memref<1x10000xi32, #tpu.memory_space<hbm>>
      %dma_start3A_242 = tpu.memref_squeeze %dma_start3A_241 : memref<1x10000xi32, #tpu.memory_space<hbm>> -> memref<10000xi32, #tpu.memory_space<hbm>>
      %dma_start3A_243 = arith.constant 10000 : i32
      %dma_start3A_244 = tpu.memref_slice %arg7[%dma_start3A_243] : memref<40000xi32, #tpu.memory_space<vmem>> -> memref<10000xi32, #tpu.memory_space<vmem>>
      %dma_start3A_245 = arith.constant 0 : i32
      %dma_start3A_246 = tpu.memref_slice %arg2[%add3A_9, %dma_start3A_245] : memref<64x10000xi32, #tpu.memory_space<hbm>> -> memref<1x10000xi32, #tpu.memory_space<hbm>>
      %dma_start3A_247 = tpu.memref_squeeze %dma_start3A_246 : memref<1x10000xi32, #tpu.memory_space<hbm>> -> memref<10000xi32, #tpu.memory_space<hbm>>
      tpu.enqueue_dma source(%dma_start3A_247 : memref<10000xi32, #tpu.memory_space<hbm>>) target(%dma_start3A_244 : memref<10000xi32, #tpu.memory_space<vmem>>) target_semaphore(%run_scoped3A : memref<!tpu.dma_semaphore, #tpu.memory_space<semaphore_mem>>)
      %dma_wait3A = arith.constant 10000 : i32
      %dma_wait3A_248 = tpu.memref_slice %arg7[%dma_wait3A] : memref<40000xi32, #tpu.memory_space<vmem>> -> memref<10000xi32, #tpu.memory_space<vmem>>
      %dma_wait3A_249 = arith.constant 0 : i32
      %dma_wait3A_250 = tpu.memref_slice %arg2[%add3A_9, %dma_wait3A_249] : memref<64x10000xi32, #tpu.memory_space<hbm>> -> memref<1x10000xi32, #tpu.memory_space<hbm>>
      %dma_wait3A_251 = tpu.memref_squeeze %dma_wait3A_250 : memref<1x10000xi32, #tpu.memory_space<hbm>> -> memref<10000xi32, #tpu.memory_space<hbm>>
      %dma_wait3A_252 = arith.constant 10000 : i32
      %dma_wait3A_253 = tpu.memref_slice %arg7[%dma_wait3A_252] : memref<40000xi32, #tpu.memory_space<vmem>> -> memref<10000xi32, #tpu.memory_space<vmem>>
      %dma_wait3A_254 = arith.constant 0 : i32
      %dma_wait3A_255 = tpu.memref_slice %arg2[%add3A_9, %dma_wait3A_254] : memref<64x10000xi32, #tpu.memory_space<hbm>> -> memref<1x10000xi32, #tpu.memory_space<hbm>>
      %dma_wait3A_256 = tpu.memref_squeeze %dma_wait3A_255 : memref<1x10000xi32, #tpu.memory_space<hbm>> -> memref<10000xi32, #tpu.memory_space<hbm>>
      tpu.wait_dma2 semaphore(%run_scoped3A : memref<!tpu.dma_semaphore, #tpu.memory_space<semaphore_mem>>) src(%dma_wait3A_256 : memref<10000xi32, #tpu.memory_space<hbm>>) dst(%dma_wait3A_253 : memref<10000xi32, #tpu.memory_space<vmem>>)
      tpu.yield
    }) : () -> ()
    %mul3A_10 = arith.constant 4 : i32
    %mul3A_11 = arith.muli %arg1, %mul3A_10 : i32
    %add3A_12 = arith.constant 2 : i32
    %add3A_13 = arith.addi %mul3A_11, %add3A_12 : i32
    "tpu.region"() ({
      %run_scoped3A = tpu.sem_alloc : memref<!tpu.dma_semaphore, #tpu.memory_space<semaphore_mem>>
      %dma_start3A_238 = arith.constant 20000 : i32
      %dma_start3A_239 = tpu.memref_slice %arg7[%dma_start3A_238] : memref<40000xi32, #tpu.memory_space<vmem>> -> memref<10000xi32, #tpu.memory_space<vmem>>
      %dma_start3A_240 = arith.constant 0 : i32
      %dma_start3A_241 = tpu.memref_slice %arg2[%add3A_13, %dma_start3A_240] : memref<64x10000xi32, #tpu.memory_space<hbm>> -> memref<1x10000xi32, #tpu.memory_space<hbm>>
      %dma_start3A_242 = tpu.memref_squeeze %dma_start3A_241 : memref<1x10000xi32, #tpu.memory_space<hbm>> -> memref<10000xi32, #tpu.memory_space<hbm>>
      %dma_start3A_243 = arith.constant 20000 : i32
      %dma_start3A_244 = tpu.memref_slice %arg7[%dma_start3A_243] : memref<40000xi32, #tpu.memory_space<vmem>> -> memref<10000xi32, #tpu.memory_space<vmem>>
      %dma_start3A_245 = arith.constant 0 : i32
      %dma_start3A_246 = tpu.memref_slice %arg2[%add3A_13, %dma_start3A_245] : memref<64x10000xi32, #tpu.memory_space<hbm>> -> memref<1x10000xi32, #tpu.memory_space<hbm>>
      %dma_start3A_247 = tpu.memref_squeeze %dma_start3A_246 : memref<1x10000xi32, #tpu.memory_space<hbm>> -> memref<10000xi32, #tpu.memory_space<hbm>>
      tpu.enqueue_dma source(%dma_start3A_247 : memref<10000xi32, #tpu.memory_space<hbm>>) target(%dma_start3A_244 : memref<10000xi32, #tpu.memory_space<vmem>>) target_semaphore(%run_scoped3A : memref<!tpu.dma_semaphore, #tpu.memory_space<semaphore_mem>>)
      %dma_wait3A = arith.constant 20000 : i32
      %dma_wait3A_248 = tpu.memref_slice %arg7[%dma_wait3A] : memref<40000xi32, #tpu.memory_space<vmem>> -> memref<10000xi32, #tpu.memory_space<vmem>>
      %dma_wait3A_249 = arith.constant 0 : i32
      %dma_wait3A_250 = tpu.memref_slice %arg2[%add3A_13, %dma_wait3A_249] : memref<64x10000xi32, #tpu.memory_space<hbm>> -> memref<1x10000xi32, #tpu.memory_space<hbm>>
      %dma_wait3A_251 = tpu.memref_squeeze %dma_wait3A_250 : memref<1x10000xi32, #tpu.memory_space<hbm>> -> memref<10000xi32, #tpu.memory_space<hbm>>
      %dma_wait3A_252 = arith.constant 20000 : i32
      %dma_wait3A_253 = tpu.memref_slice %arg7[%dma_wait3A_252] : memref<40000xi32, #tpu.memory_space<vmem>> -> memref<10000xi32, #tpu.memory_space<vmem>>
      %dma_wait3A_254 = arith.constant 0 : i32
      %dma_wait3A_255 = tpu.memref_slice %arg2[%add3A_13, %dma_wait3A_254] : memref<64x10000xi32, #tpu.memory_space<hbm>> -> memref<1x10000xi32, #tpu.memory_space<hbm>>
      %dma_wait3A_256 = tpu.memref_squeeze %dma_wait3A_255 : memref<1x10000xi32, #tpu.memory_space<hbm>> -> memref<10000xi32, #tpu.memory_space<hbm>>
      tpu.wait_dma2 semaphore(%run_scoped3A : memref<!tpu.dma_semaphore, #tpu.memory_space<semaphore_mem>>) src(%dma_wait3A_256 : memref<10000xi32, #tpu.memory_space<hbm>>) dst(%dma_wait3A_253 : memref<10000xi32, #tpu.memory_space<vmem>>)
      tpu.yield
    }) : () -> ()
    %mul3A_14 = arith.constant 4 : i32
    %mul3A_15 = arith.muli %arg1, %mul3A_14 : i32
    %add3A_16 = arith.constant 3 : i32
    %add3A_17 = arith.addi %mul3A_15, %add3A_16 : i32
    "tpu.region"() ({
      %run_scoped3A = tpu.sem_alloc : memref<!tpu.dma_semaphore, #tpu.memory_space<semaphore_mem>>
      %dma_start3A_238 = arith.constant 30000 : i32
      %dma_start3A_239 = tpu.memref_slice %arg7[%dma_start3A_238] : memref<40000xi32, #tpu.memory_space<vmem>> -> memref<10000xi32, #tpu.memory_space<vmem>>
      %dma_start3A_240 = arith.constant 0 : i32
      %dma_start3A_241 = tpu.memref_slice %arg2[%add3A_17, %dma_start3A_240] : memref<64x10000xi32, #tpu.memory_space<hbm>> -> memref<1x10000xi32, #tpu.memory_space<hbm>>
      %dma_start3A_242 = tpu.memref_squeeze %dma_start3A_241 : memref<1x10000xi32, #tpu.memory_space<hbm>> -> memref<10000xi32, #tpu.memory_space<hbm>>
      %dma_start3A_243 = arith.constant 30000 : i32
      %dma_start3A_244 = tpu.memref_slice %arg7[%dma_start3A_243] : memref<40000xi32, #tpu.memory_space<vmem>> -> memref<10000xi32, #tpu.memory_space<vmem>>
      %dma_start3A_245 = arith.constant 0 : i32
      %dma_start3A_246 = tpu.memref_slice %arg2[%add3A_17, %dma_start3A_245] : memref<64x10000xi32, #tpu.memory_space<hbm>> -> memref<1x10000xi32, #tpu.memory_space<hbm>>
      %dma_start3A_247 = tpu.memref_squeeze %dma_start3A_246 : memref<1x10000xi32, #tpu.memory_space<hbm>> -> memref<10000xi32, #tpu.memory_space<hbm>>
      tpu.enqueue_dma source(%dma_start3A_247 : memref<10000xi32, #tpu.memory_space<hbm>>) target(%dma_start3A_244 : memref<10000xi32, #tpu.memory_space<vmem>>) target_semaphore(%run_scoped3A : memref<!tpu.dma_semaphore, #tpu.memory_space<semaphore_mem>>)
      %dma_wait3A = arith.constant 30000 : i32
      %dma_wait3A_248 = tpu.memref_slice %arg7[%dma_wait3A] : memref<40000xi32, #tpu.memory_space<vmem>> -> memref<10000xi32, #tpu.memory_space<vmem>>
      %dma_wait3A_249 = arith.constant 0 : i32
      %dma_wait3A_250 = tpu.memref_slice %arg2[%add3A_17, %dma_wait3A_249] : memref<64x10000xi32, #tpu.memory_space<hbm>> -> memref<1x10000xi32, #tpu.memory_space<hbm>>
      %dma_wait3A_251 = tpu.memref_squeeze %dma_wait3A_250 : memref<1x10000xi32, #tpu.memory_space<hbm>> -> memref<10000xi32, #tpu.memory_space<hbm>>
      %dma_wait3A_252 = arith.constant 30000 : i32
      %dma_wait3A_253 = tpu.memref_slice %arg7[%dma_wait3A_252] : memref<40000xi32, #tpu.memory_space<vmem>> -> memref<10000xi32, #tpu.memory_space<vmem>>
      %dma_wait3A_254 = arith.constant 0 : i32
      %dma_wait3A_255 = tpu.memref_slice %arg2[%add3A_17, %dma_wait3A_254] : memref<64x10000xi32, #tpu.memory_space<hbm>> -> memref<1x10000xi32, #tpu.memory_space<hbm>>
      %dma_wait3A_256 = tpu.memref_squeeze %dma_wait3A_255 : memref<1x10000xi32, #tpu.memory_space<hbm>> -> memref<10000xi32, #tpu.memory_space<hbm>>
      tpu.wait_dma2 semaphore(%run_scoped3A : memref<!tpu.dma_semaphore, #tpu.memory_space<semaphore_mem>>) src(%dma_wait3A_256 : memref<10000xi32, #tpu.memory_space<hbm>>) dst(%dma_wait3A_253 : memref<10000xi32, #tpu.memory_space<vmem>>)
      tpu.yield
    }) : () -> ()
    %iota3A = tpu.iota {dimensions = array<i32: 0>} : vector<16xi32>
    %add3A_18 = arith.constant 0 : i32
    %add3A_19 = vector.broadcast %add3A_18 : i32 to vector<16xi32>
    %add3A_20 = arith.addi %iota3A, %add3A_19 : vector<16xi32>
    %swap3A = arith.constant 0 : index
    %swap3A_21 = tpu.vector_load %arg14[%swap3A] {strides = array<i32>} : memref<64xi32, #tpu.memory_space<vmem>>, vector<16xi32>,
    tpu.vector_store %arg14[%swap3A], %add3A_20 {strides = array<i32>} : memref<64xi32, #tpu.memory_space<vmem>>, vector<16xi32>,
    %add3A_22 = arith.constant 16 : i32
    %add3A_23 = vector.broadcast %add3A_22 : i32 to vector<16xi32>
    %add3A_24 = arith.addi %iota3A, %add3A_23 : vector<16xi32>
    %swap3A_25 = arith.constant 16 : index
    %swap3A_26 = tpu.vector_load %arg14[%swap3A_25] {strides = array<i32>} : memref<64xi32, #tpu.memory_space<vmem>>, vector<16xi32>,
    tpu.vector_store %arg14[%swap3A_25], %add3A_24 {strides = array<i32>} : memref<64xi32, #tpu.memory_space<vmem>>, vector<16xi32>,
    %add3A_27 = arith.constant 32 : i32
    %add3A_28 = vector.broadcast %add3A_27 : i32 to vector<16xi32>
    %add3A_29 = arith.addi %iota3A, %add3A_28 : vector<16xi32>
    %swap3A_30 = arith.constant 32 : index
    %swap3A_31 = tpu.vector_load %arg14[%swap3A_30] {strides = array<i32>} : memref<64xi32, #tpu.memory_space<vmem>>, vector<16xi32>,
    tpu.vector_store %arg14[%swap3A_30], %add3A_29 {strides = array<i32>} : memref<64xi32, #tpu.memory_space<vmem>>, vector<16xi32>,
    %add3A_32 = arith.constant 48 : i32
    %add3A_33 = vector.broadcast %add3A_32 : i32 to vector<16xi32>
    %add3A_34 = arith.addi %iota3A, %add3A_33 : vector<16xi32>
    %swap3A_35 = arith.constant 48 : index
    %swap3A_36 = tpu.vector_load %arg14[%swap3A_35] {strides = array<i32>} : memref<64xi32, #tpu.memory_space<vmem>>, vector<16xi32>,
    tpu.vector_store %arg14[%swap3A_35], %add3A_34 {strides = array<i32>} : memref<64xi32, #tpu.memory_space<vmem>>, vector<16xi32>,
    %broadcast_in_dim3A = arith.constant 0.000000e+00 : f32
    %broadcast_in_dim3A_37 = vector.broadcast %broadcast_in_dim3A : f32 to vector<16xf32>
    %swap3A_38 = arith.constant 0 : i32
    %swap3A_39 = arith.index_cast %swap3A_38 : i32 to index
    %swap3A_40 = arith.constant 0 : index
    %swap3A_41 = tpu.vector_load %arg13[%swap3A_39, %swap3A_40] {strides = array<i32>} : memref<4x128xf32, #tpu.memory_space<vmem>>, vector<16xf32>,
    tpu.vector_store %arg13[%swap3A_39, %swap3A_40], %broadcast_in_dim3A_37 {strides = array<i32>} : memref<4x128xf32, #tpu.memory_space<vmem>>, vector<16xf32>,
    %broadcast_in_dim3A_42 = arith.constant 0.000000e+00 : f32
    %broadcast_in_dim3A_43 = vector.broadcast %broadcast_in_dim3A_42 : f32 to vector<16xf32>
    %swap3A_44 = arith.constant 0 : i32
    %swap3A_45 = arith.index_cast %swap3A_44 : i32 to index
    %swap3A_46 = arith.constant 16 : index
    %swap3A_47 = tpu.vector_load %arg13[%swap3A_45, %swap3A_46] {strides = array<i32>} : memref<4x128xf32, #tpu.memory_space<vmem>>, vector<16xf32>,
    tpu.vector_store %arg13[%swap3A_45, %swap3A_46], %broadcast_in_dim3A_43 {strides = array<i32>} : memref<4x128xf32, #tpu.memory_space<vmem>>, vector<16xf32>,
    %broadcast_in_dim3A_48 = arith.constant 0.000000e+00 : f32
    %broadcast_in_dim3A_49 = vector.broadcast %broadcast_in_dim3A_48 : f32 to vector<16xf32>
    %swap3A_50 = arith.constant 0 : i32
    %swap3A_51 = arith.index_cast %swap3A_50 : i32 to index
    %swap3A_52 = arith.constant 32 : index
    %swap3A_53 = tpu.vector_load %arg13[%swap3A_51, %swap3A_52] {strides = array<i32>} : memref<4x128xf32, #tpu.memory_space<vmem>>, vector<16xf32>,
    tpu.vector_store %arg13[%swap3A_51, %swap3A_52], %broadcast_in_dim3A_49 {strides = array<i32>} : memref<4x128xf32, #tpu.memory_space<vmem>>, vector<16xf32>,
    %broadcast_in_dim3A_54 = arith.constant 0.000000e+00 : f32
    %broadcast_in_dim3A_55 = vector.broadcast %broadcast_in_dim3A_54 : f32 to vector<16xf32>
    %swap3A_56 = arith.constant 0 : i32
    %swap3A_57 = arith.index_cast %swap3A_56 : i32 to index
    %swap3A_58 = arith.constant 48 : index
    %swap3A_59 = tpu.vector_load %arg13[%swap3A_57, %swap3A_58] {strides = array<i32>} : memref<4x128xf32, #tpu.memory_space<vmem>>, vector<16xf32>,
    tpu.vector_store %arg13[%swap3A_57, %swap3A_58], %broadcast_in_dim3A_55 {strides = array<i32>} : memref<4x128xf32, #tpu.memory_space<vmem>>, vector<16xf32>,
    %broadcast_in_dim3A_60 = arith.constant 0.000000e+00 : f32
    %broadcast_in_dim3A_61 = vector.broadcast %broadcast_in_dim3A_60 : f32 to vector<16xf32>
    %swap3A_62 = arith.constant 0 : i32
    %swap3A_63 = arith.index_cast %swap3A_62 : i32 to index
    %swap3A_64 = arith.constant 64 : index
    %swap3A_65 = tpu.vector_load %arg13[%swap3A_63, %swap3A_64] {strides = array<i32>} : memref<4x128xf32, #tpu.memory_space<vmem>>, vector<16xf32>,
    tpu.vector_store %arg13[%swap3A_63, %swap3A_64], %broadcast_in_dim3A_61 {strides = array<i32>} : memref<4x128xf32, #tpu.memory_space<vmem>>, vector<16xf32>,
    %broadcast_in_dim3A_66 = arith.constant 0.000000e+00 : f32
    %broadcast_in_dim3A_67 = vector.broadcast %broadcast_in_dim3A_66 : f32 to vector<16xf32>
    %swap3A_68 = arith.constant 0 : i32
    %swap3A_69 = arith.index_cast %swap3A_68 : i32 to index
    %swap3A_70 = arith.constant 80 : index
    %swap3A_71 = tpu.vector_load %arg13[%swap3A_69, %swap3A_70] {strides = array<i32>} : memref<4x128xf32, #tpu.memory_space<vmem>>, vector<16xf32>,
    tpu.vector_store %arg13[%swap3A_69, %swap3A_70], %broadcast_in_dim3A_67 {strides = array<i32>} : memref<4x128xf32, #tpu.memory_space<vmem>>, vector<16xf32>,
    %broadcast_in_dim3A_72 = arith.constant 0.000000e+00 : f32
    %broadcast_in_dim3A_73 = vector.broadcast %broadcast_in_dim3A_72 : f32 to vector<16xf32>
    %swap3A_74 = arith.constant 0 : i32
    %swap3A_75 = arith.index_cast %swap3A_74 : i32 to index
    %swap3A_76 = arith.constant 96 : index
    %swap3A_77 = tpu.vector_load %arg13[%swap3A_75, %swap3A_76] {strides = array<i32>} : memref<4x128xf32, #tpu.memory_space<vmem>>, vector<16xf32>,
    tpu.vector_store %arg13[%swap3A_75, %swap3A_76], %broadcast_in_dim3A_73 {strides = array<i32>} : memref<4x128xf32, #tpu.memory_space<vmem>>, vector<16xf32>,
    %broadcast_in_dim3A_78 = arith.constant 0.000000e+00 : f32
    %broadcast_in_dim3A_79 = vector.broadcast %broadcast_in_dim3A_78 : f32 to vector<16xf32>
    %swap3A_80 = arith.constant 0 : i32
    %swap3A_81 = arith.index_cast %swap3A_80 : i32 to index
    %swap3A_82 = arith.constant 112 : index
    %swap3A_83 = tpu.vector_load %arg13[%swap3A_81, %swap3A_82] {strides = array<i32>} : memref<4x128xf32, #tpu.memory_space<vmem>>, vector<16xf32>,
    tpu.vector_store %arg13[%swap3A_81, %swap3A_82], %broadcast_in_dim3A_79 {strides = array<i32>} : memref<4x128xf32, #tpu.memory_space<vmem>>, vector<16xf32>,
    %broadcast_in_dim3A_84 = arith.constant 0.000000e+00 : f32
    %broadcast_in_dim3A_85 = vector.broadcast %broadcast_in_dim3A_84 : f32 to vector<16xf32>
    %swap3A_86 = arith.constant 1 : i32
    %swap3A_87 = arith.index_cast %swap3A_86 : i32 to index
    %swap3A_88 = arith.constant 0 : index
    %swap3A_89 = tpu.vector_load %arg13[%swap3A_87, %swap3A_88] {strides = array<i32>} : memref<4x128xf32, #tpu.memory_space<vmem>>, vector<16xf32>,
    tpu.vector_store %arg13[%swap3A_87, %swap3A_88], %broadcast_in_dim3A_85 {strides = array<i32>} : memref<4x128xf32, #tpu.memory_space<vmem>>, vector<16xf32>,
    %broadcast_in_dim3A_90 = arith.constant 0.000000e+00 : f32
    %broadcast_in_dim3A_91 = vector.broadcast %broadcast_in_dim3A_90 : f32 to vector<16xf32>
    %swap3A_92 = arith.constant 1 : i32
    %swap3A_93 = arith.index_cast %swap3A_92 : i32 to index
    %swap3A_94 = arith.constant 16 : index
    %swap3A_95 = tpu.vector_load %arg13[%swap3A_93, %swap3A_94] {strides = array<i32>} : memref<4x128xf32, #tpu.memory_space<vmem>>, vector<16xf32>,
    tpu.vector_store %arg13[%swap3A_93, %swap3A_94], %broadcast_in_dim3A_91 {strides = array<i32>} : memref<4x128xf32, #tpu.memory_space<vmem>>, vector<16xf32>,
    %broadcast_in_dim3A_96 = arith.constant 0.000000e+00 : f32
    %broadcast_in_dim3A_97 = vector.broadcast %broadcast_in_dim3A_96 : f32 to vector<16xf32>
    %swap3A_98 = arith.constant 1 : i32
    %swap3A_99 = arith.index_cast %swap3A_98 : i32 to index
    %swap3A_100 = arith.constant 32 : index
    %swap3A_101 = tpu.vector_load %arg13[%swap3A_99, %swap3A_100] {strides = array<i32>} : memref<4x128xf32, #tpu.memory_space<vmem>>, vector<16xf32>,
    tpu.vector_store %arg13[%swap3A_99, %swap3A_100], %broadcast_in_dim3A_97 {strides = array<i32>} : memref<4x128xf32, #tpu.memory_space<vmem>>, vector<16xf32>,
    %broadcast_in_dim3A_102 = arith.constant 0.000000e+00 : f32
    %broadcast_in_dim3A_103 = vector.broadcast %broadcast_in_dim3A_102 : f32 to vector<16xf32>
    %swap3A_104 = arith.constant 1 : i32
    %swap3A_105 = arith.index_cast %swap3A_104 : i32 to index
    %swap3A_106 = arith.constant 48 : index
    %swap3A_107 = tpu.vector_load %arg13[%swap3A_105, %swap3A_106] {strides = array<i32>} : memref<4x128xf32, #tpu.memory_space<vmem>>, vector<16xf32>,
    tpu.vector_store %arg13[%swap3A_105, %swap3A_106], %broadcast_in_dim3A_103 {strides = array<i32>} : memref<4x128xf32, #tpu.memory_space<vmem>>, vector<16xf32>,
    %broadcast_in_dim3A_108 = arith.constant 0.000000e+00 : f32
    %broadcast_in_dim3A_109 = vector.broadcast %broadcast_in_dim3A_108 : f32 to vector<16xf32>
    %swap3A_110 = arith.constant 1 : i32
    %swap3A_111 = arith.index_cast %swap3A_110 : i32 to index
    %swap3A_112 = arith.constant 64 : index
    %swap3A_113 = tpu.vector_load %arg13[%swap3A_111, %swap3A_112] {strides = array<i32>} : memref<4x128xf32, #tpu.memory_space<vmem>>, vector<16xf32>,
    tpu.vector_store %arg13[%swap3A_111, %swap3A_112], %broadcast_in_dim3A_109 {strides = array<i32>} : memref<4x128xf32, #tpu.memory_space<vmem>>, vector<16xf32>,
    %broadcast_in_dim3A_114 = arith.constant 0.000000e+00 : f32
    %broadcast_in_dim3A_115 = vector.broadcast %broadcast_in_dim3A_114 : f32 to vector<16xf32>
    %swap3A_116 = arith.constant 1 : i32
    %swap3A_117 = arith.index_cast %swap3A_116 : i32 to index
    %swap3A_118 = arith.constant 80 : index
    %swap3A_119 = tpu.vector_load %arg13[%swap3A_117, %swap3A_118] {strides = array<i32>} : memref<4x128xf32, #tpu.memory_space<vmem>>, vector<16xf32>,
    tpu.vector_store %arg13[%swap3A_117, %swap3A_118], %broadcast_in_dim3A_115 {strides = array<i32>} : memref<4x128xf32, #tpu.memory_space<vmem>>, vector<16xf32>,
    %broadcast_in_dim3A_120 = arith.constant 0.000000e+00 : f32
    %broadcast_in_dim3A_121 = vector.broadcast %broadcast_in_dim3A_120 : f32 to vector<16xf32>
    %swap3A_122 = arith.constant 1 : i32
    %swap3A_123 = arith.index_cast %swap3A_122 : i32 to index
    %swap3A_124 = arith.constant 96 : index
    %swap3A_125 = tpu.vector_load %arg13[%swap3A_123, %swap3A_124] {strides = array<i32>} : memref<4x128xf32, #tpu.memory_space<vmem>>, vector<16xf32>,
    tpu.vector_store %arg13[%swap3A_123, %swap3A_124], %broadcast_in_dim3A_121 {strides = array<i32>} : memref<4x128xf32, #tpu.memory_space<vmem>>, vector<16xf32>,
    %broadcast_in_dim3A_126 = arith.constant 0.000000e+00 : f32
    %broadcast_in_dim3A_127 = vector.broadcast %broadcast_in_dim3A_126 : f32 to vector<16xf32>
    %swap3A_128 = arith.constant 1 : i32
    %swap3A_129 = arith.index_cast %swap3A_128 : i32 to index
    %swap3A_130 = arith.constant 112 : index
    %swap3A_131 = tpu.vector_load %arg13[%swap3A_129, %swap3A_130] {strides = array<i32>} : memref<4x128xf32, #tpu.memory_space<vmem>>, vector<16xf32>,
    tpu.vector_store %arg13[%swap3A_129, %swap3A_130], %broadcast_in_dim3A_127 {strides = array<i32>} : memref<4x128xf32, #tpu.memory_space<vmem>>, vector<16xf32>,
    %broadcast_in_dim3A_132 = arith.constant 0.000000e+00 : f32
    %broadcast_in_dim3A_133 = vector.broadcast %broadcast_in_dim3A_132 : f32 to vector<16xf32>
    %swap3A_134 = arith.constant 2 : i32
    %swap3A_135 = arith.index_cast %swap3A_134 : i32 to index
    %swap3A_136 = arith.constant 0 : index
    %swap3A_137 = tpu.vector_load %arg13[%swap3A_135, %swap3A_136] {strides = array<i32>} : memref<4x128xf32, #tpu.memory_space<vmem>>, vector<16xf32>,
    tpu.vector_store %arg13[%swap3A_135, %swap3A_136], %broadcast_in_dim3A_133 {strides = array<i32>} : memref<4x128xf32, #tpu.memory_space<vmem>>, vector<16xf32>,
    %broadcast_in_dim3A_138 = arith.constant 0.000000e+00 : f32
    %broadcast_in_dim3A_139 = vector.broadcast %broadcast_in_dim3A_138 : f32 to vector<16xf32>
    %swap3A_140 = arith.constant 2 : i32
    %swap3A_141 = arith.index_cast %swap3A_140 : i32 to index
    %swap3A_142 = arith.constant 16 : index
    %swap3A_143 = tpu.vector_load %arg13[%swap3A_141, %swap3A_142] {strides = array<i32>} : memref<4x128xf32, #tpu.memory_space<vmem>>, vector<16xf32>,
    tpu.vector_store %arg13[%swap3A_141, %swap3A_142], %broadcast_in_dim3A_139 {strides = array<i32>} : memref<4x128xf32, #tpu.memory_space<vmem>>, vector<16xf32>,
    %broadcast_in_dim3A_144 = arith.constant 0.000000e+00 : f32
    %broadcast_in_dim3A_145 = vector.broadcast %broadcast_in_dim3A_144 : f32 to vector<16xf32>
    %swap3A_146 = arith.constant 2 : i32
    %swap3A_147 = arith.index_cast %swap3A_146 : i32 to index
    %swap3A_148 = arith.constant 32 : index
    %swap3A_149 = tpu.vector_load %arg13[%swap3A_147, %swap3A_148] {strides = array<i32>} : memref<4x128xf32, #tpu.memory_space<vmem>>, vector<16xf32>,
    tpu.vector_store %arg13[%swap3A_147, %swap3A_148], %broadcast_in_dim3A_145 {strides = array<i32>} : memref<4x128xf32, #tpu.memory_space<vmem>>, vector<16xf32>,
    %broadcast_in_dim3A_150 = arith.constant 0.000000e+00 : f32
    %broadcast_in_dim3A_151 = vector.broadcast %broadcast_in_dim3A_150 : f32 to vector<16xf32>
    %swap3A_152 = arith.constant 2 : i32
    %swap3A_153 = arith.index_cast %swap3A_152 : i32 to index
    %swap3A_154 = arith.constant 48 : index
    %swap3A_155 = tpu.vector_load %arg13[%swap3A_153, %swap3A_154] {strides = array<i32>} : memref<4x128xf32, #tpu.memory_space<vmem>>, vector<16xf32>,
    tpu.vector_store %arg13[%swap3A_153, %swap3A_154], %broadcast_in_dim3A_151 {strides = array<i32>} : memref<4x128xf32, #tpu.memory_space<vmem>>, vector<16xf32>,
    %broadcast_in_dim3A_156 = arith.constant 0.000000e+00 : f32
    %broadcast_in_dim3A_157 = vector.broadcast %broadcast_in_dim3A_156 : f32 to vector<16xf32>
    %swap3A_158 = arith.constant 2 : i32
    %swap3A_159 = arith.index_cast %swap3A_158 : i32 to index
    %swap3A_160 = arith.constant 64 : index
    %swap3A_161 = tpu.vector_load %arg13[%swap3A_159, %swap3A_160] {strides = array<i32>} : memref<4x128xf32, #tpu.memory_space<vmem>>, vector<16xf32>,
    tpu.vector_store %arg13[%swap3A_159, %swap3A_160], %broadcast_in_dim3A_157 {strides = array<i32>} : memref<4x128xf32, #tpu.memory_space<vmem>>, vector<16xf32>,
    %broadcast_in_dim3A_162 = arith.constant 0.000000e+00 : f32
    %broadcast_in_dim3A_163 = vector.broadcast %broadcast_in_dim3A_162 : f32 to vector<16xf32>
    %swap3A_164 = arith.constant 2 : i32
    %swap3A_165 = arith.index_cast %swap3A_164 : i32 to index
    %swap3A_166 = arith.constant 80 : index
    %swap3A_167 = tpu.vector_load %arg13[%swap3A_165, %swap3A_166] {strides = array<i32>} : memref<4x128xf32, #tpu.memory_space<vmem>>, vector<16xf32>,
    tpu.vector_store %arg13[%swap3A_165, %swap3A_166], %broadcast_in_dim3A_163 {strides = array<i32>} : memref<4x128xf32, #tpu.memory_space<vmem>>, vector<16xf32>,
    %broadcast_in_dim3A_168 = arith.constant 0.000000e+00 : f32
    %broadcast_in_dim3A_169 = vector.broadcast %broadcast_in_dim3A_168 : f32 to vector<16xf32>
    %swap3A_170 = arith.constant 2 : i32
    %swap3A_171 = arith.index_cast %swap3A_170 : i32 to index
    %swap3A_172 = arith.constant 96 : index
    %swap3A_173 = tpu.vector_load %arg13[%swap3A_171, %swap3A_172] {strides = array<i32>} : memref<4x128xf32, #tpu.memory_space<vmem>>, vector<16xf32>,
    tpu.vector_store %arg13[%swap3A_171, %swap3A_172], %broadcast_in_dim3A_169 {strides = array<i32>} : memref<4x128xf32, #tpu.memory_space<vmem>>, vector<16xf32>,
    %broadcast_in_dim3A_174 = arith.constant 0.000000e+00 : f32
    %broadcast_in_dim3A_175 = vector.broadcast %broadcast_in_dim3A_174 : f32 to vector<16xf32>
    %swap3A_176 = arith.constant 2 : i32
    %swap3A_177 = arith.index_cast %swap3A_176 : i32 to index
    %swap3A_178 = arith.constant 112 : index
    %swap3A_179 = tpu.vector_load %arg13[%swap3A_177, %swap3A_178] {strides = array<i32>} : memref<4x128xf32, #tpu.memory_space<vmem>>, vector<16xf32>,
    tpu.vector_store %arg13[%swap3A_177, %swap3A_178], %broadcast_in_dim3A_175 {strides = array<i32>} : memref<4x128xf32, #tpu.memory_space<vmem>>, vector<16xf32>,
    %broadcast_in_dim3A_180 = arith.constant 0.000000e+00 : f32
    %broadcast_in_dim3A_181 = vector.broadcast %broadcast_in_dim3A_180 : f32 to vector<16xf32>
    %swap3A_182 = arith.constant 3 : i32
    %swap3A_183 = arith.index_cast %swap3A_182 : i32 to index
    %swap3A_184 = arith.constant 0 : index
    %swap3A_185 = tpu.vector_load %arg13[%swap3A_183, %swap3A_184] {strides = array<i32>} : memref<4x128xf32, #tpu.memory_space<vmem>>, vector<16xf32>,
    tpu.vector_store %arg13[%swap3A_183, %swap3A_184], %broadcast_in_dim3A_181 {strides = array<i32>} : memref<4x128xf32, #tpu.memory_space<vmem>>, vector<16xf32>,
    %broadcast_in_dim3A_186 = arith.constant 0.000000e+00 : f32
    %broadcast_in_dim3A_187 = vector.broadcast %broadcast_in_dim3A_186 : f32 to vector<16xf32>
    %swap3A_188 = arith.constant 3 : i32
    %swap3A_189 = arith.index_cast %swap3A_188 : i32 to index
    %swap3A_190 = arith.constant 16 : index
    %swap3A_191 = tpu.vector_load %arg13[%swap3A_189, %swap3A_190] {strides = array<i32>} : memref<4x128xf32, #tpu.memory_space<vmem>>, vector<16xf32>,
    tpu.vector_store %arg13[%swap3A_189, %swap3A_190], %broadcast_in_dim3A_187 {strides = array<i32>} : memref<4x128xf32, #tpu.memory_space<vmem>>, vector<16xf32>,
    %broadcast_in_dim3A_192 = arith.constant 0.000000e+00 : f32
    %broadcast_in_dim3A_193 = vector.broadcast %broadcast_in_dim3A_192 : f32 to vector<16xf32>
    %swap3A_194 = arith.constant 3 : i32
    %swap3A_195 = arith.index_cast %swap3A_194 : i32 to index
    %swap3A_196 = arith.constant 32 : index
    %swap3A_197 = tpu.vector_load %arg13[%swap3A_195, %swap3A_196] {strides = array<i32>} : memref<4x128xf32, #tpu.memory_space<vmem>>, vector<16xf32>,
    tpu.vector_store %arg13[%swap3A_195, %swap3A_196], %broadcast_in_dim3A_193 {strides = array<i32>} : memref<4x128xf32, #tpu.memory_space<vmem>>, vector<16xf32>,
    %broadcast_in_dim3A_198 = arith.constant 0.000000e+00 : f32
    %broadcast_in_dim3A_199 = vector.broadcast %broadcast_in_dim3A_198 : f32 to vector<16xf32>
    %swap3A_200 = arith.constant 3 : i32
    %swap3A_201 = arith.index_cast %swap3A_200 : i32 to index
    %swap3A_202 = arith.constant 48 : index
    %swap3A_203 = tpu.vector_load %arg13[%swap3A_201, %swap3A_202] {strides = array<i32>} : memref<4x128xf32, #tpu.memory_space<vmem>>, vector<16xf32>,
    tpu.vector_store %arg13[%swap3A_201, %swap3A_202], %broadcast_in_dim3A_199 {strides = array<i32>} : memref<4x128xf32, #tpu.memory_space<vmem>>, vector<16xf32>,
    %broadcast_in_dim3A_204 = arith.constant 0.000000e+00 : f32
    %broadcast_in_dim3A_205 = vector.broadcast %broadcast_in_dim3A_204 : f32 to vector<16xf32>
    %swap3A_206 = arith.constant 3 : i32
    %swap3A_207 = arith.index_cast %swap3A_206 : i32 to index
    %swap3A_208 = arith.constant 64 : index
    %swap3A_209 = tpu.vector_load %arg13[%swap3A_207, %swap3A_208] {strides = array<i32>} : memref<4x128xf32, #tpu.memory_space<vmem>>, vector<16xf32>,
    tpu.vector_store %arg13[%swap3A_207, %swap3A_208], %broadcast_in_dim3A_205 {strides = array<i32>} : memref<4x128xf32, #tpu.memory_space<vmem>>, vector<16xf32>,
    %broadcast_in_dim3A_210 = arith.constant 0.000000e+00 : f32
    %broadcast_in_dim3A_211 = vector.broadcast %broadcast_in_dim3A_210 : f32 to vector<16xf32>
    %swap3A_212 = arith.constant 3 : i32
    %swap3A_213 = arith.index_cast %swap3A_212 : i32 to index
    %swap3A_214 = arith.constant 80 : index
    %swap3A_215 = tpu.vector_load %arg13[%swap3A_213, %swap3A_214] {strides = array<i32>} : memref<4x128xf32, #tpu.memory_space<vmem>>, vector<16xf32>,
    tpu.vector_store %arg13[%swap3A_213, %swap3A_214], %broadcast_in_dim3A_211 {strides = array<i32>} : memref<4x128xf32, #tpu.memory_space<vmem>>, vector<16xf32>,
    %broadcast_in_dim3A_216 = arith.constant 0.000000e+00 : f32
    %broadcast_in_dim3A_217 = vector.broadcast %broadcast_in_dim3A_216 : f32 to vector<16xf32>
    %swap3A_218 = arith.constant 3 : i32
    %swap3A_219 = arith.index_cast %swap3A_218 : i32 to index
    %swap3A_220 = arith.constant 96 : index
    %swap3A_221 = tpu.vector_load %arg13[%swap3A_219, %swap3A_220] {strides = array<i32>} : memref<4x128xf32, #tpu.memory_space<vmem>>, vector<16xf32>,
    tpu.vector_store %arg13[%swap3A_219, %swap3A_220], %broadcast_in_dim3A_217 {strides = array<i32>} : memref<4x128xf32, #tpu.memory_space<vmem>>, vector<16xf32>,
    %broadcast_in_dim3A_222 = arith.constant 0.000000e+00 : f32
    %broadcast_in_dim3A_223 = vector.broadcast %broadcast_in_dim3A_222 : f32 to vector<16xf32>
    %swap3A_224 = arith.constant 3 : i32
    %swap3A_225 = arith.index_cast %swap3A_224 : i32 to index
    %swap3A_226 = arith.constant 112 : index
    %swap3A_227 = tpu.vector_load %arg13[%swap3A_225, %swap3A_226] {strides = array<i32>} : memref<4x128xf32, #tpu.memory_space<vmem>>, vector<16xf32>,
    tpu.vector_store %arg13[%swap3A_225, %swap3A_226], %broadcast_in_dim3A_223 {strides = array<i32>} : memref<4x128xf32, #tpu.memory_space<vmem>>, vector<16xf32>,
    %mul3A_228 = arith.constant 4 : i32
    %mul3A_229 = arith.muli %arg1, %mul3A_228 : i32
    "tpu.region"() ({
      %run_scoped3A = tpu.sem_alloc : memref<!tpu.dma_semaphore, #tpu.memory_space<semaphore_mem>>
      %dma_start3A_238 = arith.constant 0 : i32
      %dma_start3A_239 = tpu.memref_slice %arg6[%mul3A_229, %dma_start3A_238] : memref<64x128xf32, #tpu.memory_space<vmem_shared>> -> memref<4x128xf32, #tpu.memory_space<vmem_shared>>
      %dma_start3A_240 = arith.constant 0 : i32
      %dma_start3A_241 = tpu.memref_slice %arg6[%mul3A_229, %dma_start3A_240] : memref<64x128xf32, #tpu.memory_space<vmem_shared>> -> memref<4x128xf32, #tpu.memory_space<vmem_shared>>
      tpu.enqueue_dma source(%arg13 : memref<4x128xf32, #tpu.memory_space<vmem>>) target(%dma_start3A_241 : memref<4x128xf32, #tpu.memory_space<vmem_shared>>) target_semaphore(%run_scoped3A : memref<!tpu.dma_semaphore, #tpu.memory_space<semaphore_mem>>)
      %dma_wait3A = arith.constant 0 : i32
      %dma_wait3A_242 = tpu.memref_slice %arg6[%mul3A_229, %dma_wait3A] : memref<64x128xf32, #tpu.memory_space<vmem_shared>> -> memref<4x128xf32, #tpu.memory_space<vmem_shared>>
      %dma_wait3A_243 = arith.constant 0 : i32
      %dma_wait3A_244 = tpu.memref_slice %arg6[%mul3A_229, %dma_wait3A_243] : memref<64x128xf32, #tpu.memory_space<vmem_shared>> -> memref<4x128xf32, #tpu.memory_space<vmem_shared>>
      tpu.wait_dma2 semaphore(%run_scoped3A : memref<!tpu.dma_semaphore, #tpu.memory_space<semaphore_mem>>) src(%arg13 : memref<4x128xf32, #tpu.memory_space<vmem>>) dst(%dma_wait3A_244 : memref<4x128xf32, #tpu.memory_space<vmem_shared>>)
      tpu.yield
    }) : () -> ()
    %dma_start3A = tpu.memref_slice %arg3[%mul3A_0] : memref<327680xi32, #tpu.memory_space<hbm>> -> memref<8192xi32, #tpu.memory_space<hbm>>
    %dma_start3A_230 = tpu.memref_slice %arg3[%mul3A_0] : memref<327680xi32, #tpu.memory_space<hbm>> -> memref<8192xi32, #tpu.memory_space<hbm>>
    tpu.enqueue_dma source(%dma_start3A_230 : memref<8192xi32, #tpu.memory_space<hbm>>) target(%arg8 : memref<8192xi32, #tpu.memory_space<vmem>>) target_semaphore(%arg15 : memref<!tpu.dma_semaphore, #tpu.memory_space<semaphore_mem>>)
    %dma_start3A_231 = tpu.memref_slice %arg4[%mul3A_0] : memref<327680xi32, #tpu.memory_space<hbm>> -> memref<8192xi32, #tpu.memory_space<hbm>>
    %dma_start3A_232 = tpu.memref_slice %arg4[%mul3A_0] : memref<327680xi32, #tpu.memory_space<hbm>> -> memref<8192xi32, #tpu.memory_space<hbm>>
    tpu.enqueue_dma source(%dma_start3A_232 : memref<8192xi32, #tpu.memory_space<hbm>>) target(%arg10 : memref<8192xi32, #tpu.memory_space<vmem>>) target_semaphore(%arg17 : memref<!tpu.dma_semaphore, #tpu.memory_space<semaphore_mem>>)
    %scan3A = arith.constant 0 : i32
    %scan3A_233 = arith.constant 0 : i32
    %scan3A_234 = arith.constant 10 : i32
    %scan3A_235 = arith.addi %scan3A_233, %scan3A_234 : i32
    %scan3A_236 = arith.constant 1 : i32
    scf.for %scan3A_238 = %scan3A_233 to %scan3A_235 step %scan3A_236  : i32 {
      %mul3A_239 = arith.constant 2 : i32
      %mul3A_240 = arith.muli %scan3A_238, %mul3A_239 : i32
      %add3A_241 = arith.constant 0 : i32
      %add3A_242 = arith.addi %mul3A_240, %add3A_241 : i32
      %add3A_243 = arith.constant 1 : i32
      %add3A_244 = arith.addi %add3A_242, %add3A_243 : i32
      %lt3A = arith.constant 20 : i32
      %lt3A_245 = arith.cmpi slt, %add3A_244, %lt3A : i32
      %convert_element_type3A = arith.extui %lt3A_245 : i1 to i32
      %cond3A = arith.constant 0 : i32
      %cond3A_246 = arith.cmpi ne, %convert_element_type3A, %cond3A : i32
      scf.if %cond3A_246 {
        %add3A_292 = arith.constant 1 : i32
        %add3A_293 = arith.addi %add3A_242, %add3A_292 : i32
        %mul3A_294 = arith.constant 8192 : i32
        %mul3A_295 = arith.muli %add3A_293, %mul3A_294 : i32
        %add3A_296 = arith.addi %mul3A_0, %mul3A_295 : i32
        %dma_start3A_297 = tpu.memref_slice %arg3[%add3A_296] : memref<327680xi32, #tpu.memory_space<hbm>> -> memref<8192xi32, #tpu.memory_space<hbm>>
        %dma_start3A_298 = tpu.memref_slice %arg3[%add3A_296] : memref<327680xi32, #tpu.memory_space<hbm>> -> memref<8192xi32, #tpu.memory_space<hbm>>
        tpu.enqueue_dma source(%dma_start3A_298 : memref<8192xi32, #tpu.memory_space<hbm>>) target(%arg9 : memref<8192xi32, #tpu.memory_space<vmem>>) target_semaphore(%arg16 : memref<!tpu.dma_semaphore, #tpu.memory_space<semaphore_mem>>)
        %dma_start3A_299 = tpu.memref_slice %arg4[%add3A_296] : memref<327680xi32, #tpu.memory_space<hbm>> -> memref<8192xi32, #tpu.memory_space<hbm>>
        %dma_start3A_300 = tpu.memref_slice %arg4[%add3A_296] : memref<327680xi32, #tpu.memory_space<hbm>> -> memref<8192xi32, #tpu.memory_space<hbm>>
        tpu.enqueue_dma source(%dma_start3A_300 : memref<8192xi32, #tpu.memory_space<hbm>>) target(%arg11 : memref<8192xi32, #tpu.memory_space<vmem>>) target_semaphore(%arg18 : memref<!tpu.dma_semaphore, #tpu.memory_space<semaphore_mem>>)
      } else {
      }
      %dma_wait3A = tpu.memref_slice %arg3[%mul3A_0] : memref<327680xi32, #tpu.memory_space<hbm>> -> memref<8192xi32, #tpu.memory_space<hbm>>
      %dma_wait3A_247 = tpu.memref_slice %arg3[%mul3A_0] : memref<327680xi32, #tpu.memory_space<hbm>> -> memref<8192xi32, #tpu.memory_space<hbm>>
      tpu.wait_dma2 semaphore(%arg15 : memref<!tpu.dma_semaphore, #tpu.memory_space<semaphore_mem>>) src(%dma_wait3A_247 : memref<8192xi32, #tpu.memory_space<hbm>>) dst(%arg8 : memref<8192xi32, #tpu.memory_space<vmem>>)
      %dma_wait3A_248 = tpu.memref_slice %arg4[%mul3A_0] : memref<327680xi32, #tpu.memory_space<hbm>> -> memref<8192xi32, #tpu.memory_space<hbm>>
      %dma_wait3A_249 = tpu.memref_slice %arg4[%mul3A_0] : memref<327680xi32, #tpu.memory_space<hbm>> -> memref<8192xi32, #tpu.memory_space<hbm>>
      tpu.wait_dma2 semaphore(%arg17 : memref<!tpu.dma_semaphore, #tpu.memory_space<semaphore_mem>>) src(%dma_wait3A_249 : memref<8192xi32, #tpu.memory_space<hbm>>) dst(%arg10 : memref<8192xi32, #tpu.memory_space<vmem>>)
      %scan3A_250 = arith.constant 0 : i32
      %scan3A_251 = arith.constant 0 : i32
      %scan3A_252 = arith.constant 64 : i32
      %scan3A_253 = arith.addi %scan3A_251, %scan3A_252 : i32
      %scan3A_254 = arith.constant 1 : i32
      scf.for %scan3A_292 = %scan3A_251 to %scan3A_253 step %scan3A_254  : i32 {
        %mul3A_293 = arith.constant 128 : i32
        %mul3A_294 = arith.muli %scan3A_292, %mul3A_293 : i32
        %add3A_295 = arith.constant 0 : i32
        %add3A_296 = arith.addi %mul3A_294, %add3A_295 : i32
        %get3A = arith.index_cast %add3A_296 : i32 to index
        %get3A_297 = tpu.vector_load %arg8[%get3A] {strides = array<i32>} : memref<8192xi32, #tpu.memory_space<vmem>>, vector<16xi32>,
        %get3A_298 = arith.index_cast %add3A_296 : i32 to index
        %get3A_299 = tpu.vector_load %arg10[%get3A_298] {strides = array<i32>} : memref<8192xi32, #tpu.memory_space<vmem>>, vector<16xi32>,
        %add3A_300 = arith.constant 0 : i32
        %add3A_301 = vector.broadcast %add3A_300 : i32 to vector<16xi32>
        %add3A_302 = arith.addi %get3A_297, %add3A_301 : vector<16xi32>
        %gather3A = tpu.vector_load_idx %arg7[%add3A_302] : memref<40000xi32, #tpu.memory_space<vmem>>[vector<16xi32>], vector<16xi32>,
        %add3A_303 = arith.constant 0 : i32
        %add3A_304 = vector.broadcast %add3A_303 : i32 to vector<16xi32>
        %add3A_305 = arith.addi %get3A_299, %add3A_304 : vector<16xi32>
        %gather3A_306 = tpu.vector_load_idx %arg7[%add3A_305] : memref<40000xi32, #tpu.memory_space<vmem>>[vector<16xi32>], vector<16xi32>,
        %bitcast3A = vector.bitcast %gather3A : vector<16xi32> to vector<32xbf16>
        %unpack3A = tpu.unpack_subelements %bitcast3A, 0 {pack_format = #tpu.pack_format<interleaved>} : vector<32xbf16> -> vector<16xf32>
        %unpack3A_307 = tpu.unpack_subelements %bitcast3A, 1 {pack_format = #tpu.pack_format<interleaved>} : vector<32xbf16> -> vector<16xf32>
        %bitcast3A_308 = vector.bitcast %gather3A_306 : vector<16xi32> to vector<32xbf16>
        %unpack3A_309 = tpu.unpack_subelements %bitcast3A_308, 0 {pack_format = #tpu.pack_format<interleaved>} : vector<32xbf16> -> vector<16xf32>
        %unpack3A_310 = tpu.unpack_subelements %bitcast3A_308, 1 {pack_format = #tpu.pack_format<interleaved>} : vector<32xbf16> -> vector<16xf32>
        %mul3A_311 = arith.mulf %unpack3A, %unpack3A_309 : vector<16xf32>
        %mul3A_312 = arith.mulf %unpack3A_307, %unpack3A_310 : vector<16xf32>
        %add3A_313 = arith.addf %mul3A_311, %mul3A_312 : vector<16xf32>
        %add3A_314 = arith.constant 10000 : i32
        %add3A_315 = vector.broadcast %add3A_314 : i32 to vector<16xi32>
        %add3A_316 = arith.addi %get3A_297, %add3A_315 : vector<16xi32>
        %gather3A_317 = tpu.vector_load_idx %arg7[%add3A_316] : memref<40000xi32, #tpu.memory_space<vmem>>[vector<16xi32>], vector<16xi32>,
        %add3A_318 = arith.constant 10000 : i32
        %add3A_319 = vector.broadcast %add3A_318 : i32 to vector<16xi32>
        %add3A_320 = arith.addi %get3A_299, %add3A_319 : vector<16xi32>
        %gather3A_321 = tpu.vector_load_idx %arg7[%add3A_320] : memref<40000xi32, #tpu.memory_space<vmem>>[vector<16xi32>], vector<16xi32>,
        %bitcast3A_322 = vector.bitcast %gather3A_317 : vector<16xi32> to vector<32xbf16>
        %unpack3A_323 = tpu.unpack_subelements %bitcast3A_322, 0 {pack_format = #tpu.pack_format<interleaved>} : vector<32xbf16> -> vector<16xf32>
        %unpack3A_324 = tpu.unpack_subelements %bitcast3A_322, 1 {pack_format = #tpu.pack_format<interleaved>} : vector<32xbf16> -> vector<16xf32>
        %bitcast3A_325 = vector.bitcast %gather3A_321 : vector<16xi32> to vector<32xbf16>
        %unpack3A_326 = tpu.unpack_subelements %bitcast3A_325, 0 {pack_format = #tpu.pack_format<interleaved>} : vector<32xbf16> -> vector<16xf32>
        %unpack3A_327 = tpu.unpack_subelements %bitcast3A_325, 1 {pack_format = #tpu.pack_format<interleaved>} : vector<32xbf16> -> vector<16xf32>
        %mul3A_328 = arith.mulf %unpack3A_323, %unpack3A_326 : vector<16xf32>
        %mul3A_329 = arith.mulf %unpack3A_324, %unpack3A_327 : vector<16xf32>
        %add3A_330 = arith.addf %mul3A_328, %mul3A_329 : vector<16xf32>
        %add3A_331 = arith.addf %add3A_313, %add3A_330 : vector<16xf32>
        %add3A_332 = arith.constant 20000 : i32
        %add3A_333 = vector.broadcast %add3A_332 : i32 to vector<16xi32>
        %add3A_334 = arith.addi %get3A_297, %add3A_333 : vector<16xi32>
        %gather3A_335 = tpu.vector_load_idx %arg7[%add3A_334] : memref<40000xi32, #tpu.memory_space<vmem>>[vector<16xi32>], vector<16xi32>,
        %add3A_336 = arith.constant 20000 : i32
        %add3A_337 = vector.broadcast %add3A_336 : i32 to vector<16xi32>
        %add3A_338 = arith.addi %get3A_299, %add3A_337 : vector<16xi32>
        %gather3A_339 = tpu.vector_load_idx %arg7[%add3A_338] : memref<40000xi32, #tpu.memory_space<vmem>>[vector<16xi32>], vector<16xi32>,
        %bitcast3A_340 = vector.bitcast %gather3A_335 : vector<16xi32> to vector<32xbf16>
        %unpack3A_341 = tpu.unpack_subelements %bitcast3A_340, 0 {pack_format = #tpu.pack_format<interleaved>} : vector<32xbf16> -> vector<16xf32>
        %unpack3A_342 = tpu.unpack_subelements %bitcast3A_340, 1 {pack_format = #tpu.pack_format<interleaved>} : vector<32xbf16> -> vector<16xf32>
        %bitcast3A_343 = vector.bitcast %gather3A_339 : vector<16xi32> to vector<32xbf16>
        %unpack3A_344 = tpu.unpack_subelements %bitcast3A_343, 0 {pack_format = #tpu.pack_format<interleaved>} : vector<32xbf16> -> vector<16xf32>
        %unpack3A_345 = tpu.unpack_subelements %bitcast3A_343, 1 {pack_format = #tpu.pack_format<interleaved>} : vector<32xbf16> -> vector<16xf32>
        %mul3A_346 = arith.mulf %unpack3A_341, %unpack3A_344 : vector<16xf32>
        %mul3A_347 = arith.mulf %unpack3A_342, %unpack3A_345 : vector<16xf32>
        %add3A_348 = arith.addf %mul3A_346, %mul3A_347 : vector<16xf32>
        %add3A_349 = arith.addf %add3A_331, %add3A_348 : vector<16xf32>
        %add3A_350 = arith.constant 30000 : i32
        %add3A_351 = vector.broadcast %add3A_350 : i32 to vector<16xi32>
        %add3A_352 = arith.addi %get3A_297, %add3A_351 : vector<16xi32>
        %gather3A_353 = tpu.vector_load_idx %arg7[%add3A_352] : memref<40000xi32, #tpu.memory_space<vmem>>[vector<16xi32>], vector<16xi32>,
        %add3A_354 = arith.constant 30000 : i32
        %add3A_355 = vector.broadcast %add3A_354 : i32 to vector<16xi32>
        %add3A_356 = arith.addi %get3A_299, %add3A_355 : vector<16xi32>
        %gather3A_357 = tpu.vector_load_idx %arg7[%add3A_356] : memref<40000xi32, #tpu.memory_space<vmem>>[vector<16xi32>], vector<16xi32>,
        %bitcast3A_358 = vector.bitcast %gather3A_353 : vector<16xi32> to vector<32xbf16>
        %unpack3A_359 = tpu.unpack_subelements %bitcast3A_358, 0 {pack_format = #tpu.pack_format<interleaved>} : vector<32xbf16> -> vector<16xf32>
        %unpack3A_360 = tpu.unpack_subelements %bitcast3A_358, 1 {pack_format = #tpu.pack_format<interleaved>} : vector<32xbf16> -> vector<16xf32>
        %bitcast3A_361 = vector.bitcast %gather3A_357 : vector<16xi32> to vector<32xbf16>
        %unpack3A_362 = tpu.unpack_subelements %bitcast3A_361, 0 {pack_format = #tpu.pack_format<interleaved>} : vector<32xbf16> -> vector<16xf32>
        %unpack3A_363 = tpu.unpack_subelements %bitcast3A_361, 1 {pack_format = #tpu.pack_format<interleaved>} : vector<32xbf16> -> vector<16xf32>
        %mul3A_364 = arith.mulf %unpack3A_359, %unpack3A_362 : vector<16xf32>
        %mul3A_365 = arith.mulf %unpack3A_360, %unpack3A_363 : vector<16xf32>
        %add3A_366 = arith.addf %mul3A_364, %mul3A_365 : vector<16xf32>
        %add3A_367 = arith.addf %add3A_349, %add3A_366 : vector<16xf32>
        %swap3A_368 = arith.index_cast %scan3A_292 : i32 to index
        %swap3A_369 = arith.constant 0 : index
        %swap3A_370 = tpu.vector_load %arg12[%swap3A_368, %swap3A_369] {strides = array<i32>} : memref<64x128xf32, #tpu.memory_space<vmem>>, vector<16xf32>,
        tpu.vector_store %arg12[%swap3A_368, %swap3A_369], %add3A_367 {strides = array<i32>} : memref<64x128xf32, #tpu.memory_space<vmem>>, vector<16xf32>,
        %mul3A_371 = arith.constant 128 : i32
        %mul3A_372 = arith.muli %scan3A_292, %mul3A_371 : i32
        %add3A_373 = arith.constant 16 : i32
        %add3A_374 = arith.addi %mul3A_372, %add3A_373 : i32
        %get3A_375 = arith.index_cast %add3A_374 : i32 to index
        %get3A_376 = tpu.vector_load %arg8[%get3A_375] {strides = array<i32>} : memref<8192xi32, #tpu.memory_space<vmem>>, vector<16xi32>,
        %get3A_377 = arith.index_cast %add3A_374 : i32 to index
        %get3A_378 = tpu.vector_load %arg10[%get3A_377] {strides = array<i32>} : memref<8192xi32, #tpu.memory_space<vmem>>, vector<16xi32>,
        %add3A_379 = arith.constant 0 : i32
        %add3A_380 = vector.broadcast %add3A_379 : i32 to vector<16xi32>
        %add3A_381 = arith.addi %get3A_376, %add3A_380 : vector<16xi32>
        %gather3A_382 = tpu.vector_load_idx %arg7[%add3A_381] : memref<40000xi32, #tpu.memory_space<vmem>>[vector<16xi32>], vector<16xi32>,
        %add3A_383 = arith.constant 0 : i32
        %add3A_384 = vector.broadcast %add3A_383 : i32 to vector<16xi32>
        %add3A_385 = arith.addi %get3A_378, %add3A_384 : vector<16xi32>
        %gather3A_386 = tpu.vector_load_idx %arg7[%add3A_385] : memref<40000xi32, #tpu.memory_space<vmem>>[vector<16xi32>], vector<16xi32>,
        %bitcast3A_387 = vector.bitcast %gather3A_382 : vector<16xi32> to vector<32xbf16>
        %unpack3A_388 = tpu.unpack_subelements %bitcast3A_387, 0 {pack_format = #tpu.pack_format<interleaved>} : vector<32xbf16> -> vector<16xf32>
        %unpack3A_389 = tpu.unpack_subelements %bitcast3A_387, 1 {pack_format = #tpu.pack_format<interleaved>} : vector<32xbf16> -> vector<16xf32>
        %bitcast3A_390 = vector.bitcast %gather3A_386 : vector<16xi32> to vector<32xbf16>
        %unpack3A_391 = tpu.unpack_subelements %bitcast3A_390, 0 {pack_format = #tpu.pack_format<interleaved>} : vector<32xbf16> -> vector<16xf32>
        %unpack3A_392 = tpu.unpack_subelements %bitcast3A_390, 1 {pack_format = #tpu.pack_format<interleaved>} : vector<32xbf16> -> vector<16xf32>
        %mul3A_393 = arith.mulf %unpack3A_388, %unpack3A_391 : vector<16xf32>
        %mul3A_394 = arith.mulf %unpack3A_389, %unpack3A_392 : vector<16xf32>
        %add3A_395 = arith.addf %mul3A_393, %mul3A_394 : vector<16xf32>
        %add3A_396 = arith.constant 10000 : i32
        %add3A_397 = vector.broadcast %add3A_396 : i32 to vector<16xi32>
        %add3A_398 = arith.addi %get3A_376, %add3A_397 : vector<16xi32>
        %gather3A_399 = tpu.vector_load_idx %arg7[%add3A_398] : memref<40000xi32, #tpu.memory_space<vmem>>[vector<16xi32>], vector<16xi32>,
        %add3A_400 = arith.constant 10000 : i32
        %add3A_401 = vector.broadcast %add3A_400 : i32 to vector<16xi32>
        %add3A_402 = arith.addi %get3A_378, %add3A_401 : vector<16xi32>
        %gather3A_403 = tpu.vector_load_idx %arg7[%add3A_402] : memref<40000xi32, #tpu.memory_space<vmem>>[vector<16xi32>], vector<16xi32>,
        %bitcast3A_404 = vector.bitcast %gather3A_399 : vector<16xi32> to vector<32xbf16>
        %unpack3A_405 = tpu.unpack_subelements %bitcast3A_404, 0 {pack_format = #tpu.pack_format<interleaved>} : vector<32xbf16> -> vector<16xf32>
        %unpack3A_406 = tpu.unpack_subelements %bitcast3A_404, 1 {pack_format = #tpu.pack_format<interleaved>} : vector<32xbf16> -> vector<16xf32>
        %bitcast3A_407 = vector.bitcast %gather3A_403 : vector<16xi32> to vector<32xbf16>
        %unpack3A_408 = tpu.unpack_subelements %bitcast3A_407, 0 {pack_format = #tpu.pack_format<interleaved>} : vector<32xbf16> -> vector<16xf32>
        %unpack3A_409 = tpu.unpack_subelements %bitcast3A_407, 1 {pack_format = #tpu.pack_format<interleaved>} : vector<32xbf16> -> vector<16xf32>
        %mul3A_410 = arith.mulf %unpack3A_405, %unpack3A_408 : vector<16xf32>
        %mul3A_411 = arith.mulf %unpack3A_406, %unpack3A_409 : vector<16xf32>
        %add3A_412 = arith.addf %mul3A_410, %mul3A_411 : vector<16xf32>
        %add3A_413 = arith.addf %add3A_395, %add3A_412 : vector<16xf32>
        %add3A_414 = arith.constant 20000 : i32
        %add3A_415 = vector.broadcast %add3A_414 : i32 to vector<16xi32>
        %add3A_416 = arith.addi %get3A_376, %add3A_415 : vector<16xi32>
        %gather3A_417 = tpu.vector_load_idx %arg7[%add3A_416] : memref<40000xi32, #tpu.memory_space<vmem>>[vector<16xi32>], vector<16xi32>,
        %add3A_418 = arith.constant 20000 : i32
        %add3A_419 = vector.broadcast %add3A_418 : i32 to vector<16xi32>
        %add3A_420 = arith.addi %get3A_378, %add3A_419 : vector<16xi32>
        %gather3A_421 = tpu.vector_load_idx %arg7[%add3A_420] : memref<40000xi32, #tpu.memory_space<vmem>>[vector<16xi32>], vector<16xi32>,
        %bitcast3A_422 = vector.bitcast %gather3A_417 : vector<16xi32> to vector<32xbf16>
        %unpack3A_423 = tpu.unpack_subelements %bitcast3A_422, 0 {pack_format = #tpu.pack_format<interleaved>} : vector<32xbf16> -> vector<16xf32>
        %unpack3A_424 = tpu.unpack_subelements %bitcast3A_422, 1 {pack_format = #tpu.pack_format<interleaved>} : vector<32xbf16> -> vector<16xf32>
        %bitcast3A_425 = vector.bitcast %gather3A_421 : vector<16xi32> to vector<32xbf16>
        %unpack3A_426 = tpu.unpack_subelements %bitcast3A_425, 0 {pack_format = #tpu.pack_format<interleaved>} : vector<32xbf16> -> vector<16xf32>
        %unpack3A_427 = tpu.unpack_subelements %bitcast3A_425, 1 {pack_format = #tpu.pack_format<interleaved>} : vector<32xbf16> -> vector<16xf32>
        %mul3A_428 = arith.mulf %unpack3A_423, %unpack3A_426 : vector<16xf32>
        %mul3A_429 = arith.mulf %unpack3A_424, %unpack3A_427 : vector<16xf32>
        %add3A_430 = arith.addf %mul3A_428, %mul3A_429 : vector<16xf32>
        %add3A_431 = arith.addf %add3A_413, %add3A_430 : vector<16xf32>
        %add3A_432 = arith.constant 30000 : i32
        %add3A_433 = vector.broadcast %add3A_432 : i32 to vector<16xi32>
        %add3A_434 = arith.addi %get3A_376, %add3A_433 : vector<16xi32>
        %gather3A_435 = tpu.vector_load_idx %arg7[%add3A_434] : memref<40000xi32, #tpu.memory_space<vmem>>[vector<16xi32>], vector<16xi32>,
        %add3A_436 = arith.constant 30000 : i32
        %add3A_437 = vector.broadcast %add3A_436 : i32 to vector<16xi32>
        %add3A_438 = arith.addi %get3A_378, %add3A_437 : vector<16xi32>
        %gather3A_439 = tpu.vector_load_idx %arg7[%add3A_438] : memref<40000xi32, #tpu.memory_space<vmem>>[vector<16xi32>], vector<16xi32>,
        %bitcast3A_440 = vector.bitcast %gather3A_435 : vector<16xi32> to vector<32xbf16>
        %unpack3A_441 = tpu.unpack_subelements %bitcast3A_440, 0 {pack_format = #tpu.pack_format<interleaved>} : vector<32xbf16> -> vector<16xf32>
        %unpack3A_442 = tpu.unpack_subelements %bitcast3A_440, 1 {pack_format = #tpu.pack_format<interleaved>} : vector<32xbf16> -> vector<16xf32>
        %bitcast3A_443 = vector.bitcast %gather3A_439 : vector<16xi32> to vector<32xbf16>
        %unpack3A_444 = tpu.unpack_subelements %bitcast3A_443, 0 {pack_format = #tpu.pack_format<interleaved>} : vector<32xbf16> -> vector<16xf32>
        %unpack3A_445 = tpu.unpack_subelements %bitcast3A_443, 1 {pack_format = #tpu.pack_format<interleaved>} : vector<32xbf16> -> vector<16xf32>
        %mul3A_446 = arith.mulf %unpack3A_441, %unpack3A_444 : vector<16xf32>
        %mul3A_447 = arith.mulf %unpack3A_442, %unpack3A_445 : vector<16xf32>
        %add3A_448 = arith.addf %mul3A_446, %mul3A_447 : vector<16xf32>
        %add3A_449 = arith.addf %add3A_431, %add3A_448 : vector<16xf32>
        %swap3A_450 = arith.index_cast %scan3A_292 : i32 to index
        %swap3A_451 = arith.constant 16 : index
        %swap3A_452 = tpu.vector_load %arg12[%swap3A_450, %swap3A_451] {strides = array<i32>} : memref<64x128xf32, #tpu.memory_space<vmem>>, vector<16xf32>,
        tpu.vector_store %arg12[%swap3A_450, %swap3A_451], %add3A_449 {strides = array<i32>} : memref<64x128xf32, #tpu.memory_space<vmem>>, vector<16xf32>,
        %mul3A_453 = arith.constant 128 : i32
        %mul3A_454 = arith.muli %scan3A_292, %mul3A_453 : i32
        %add3A_455 = arith.constant 32 : i32
        %add3A_456 = arith.addi %mul3A_454, %add3A_455 : i32
        %get3A_457 = arith.index_cast %add3A_456 : i32 to index
        %get3A_458 = tpu.vector_load %arg8[%get3A_457] {strides = array<i32>} : memref<8192xi32, #tpu.memory_space<vmem>>, vector<16xi32>,
        %get3A_459 = arith.index_cast %add3A_456 : i32 to index
        %get3A_460 = tpu.vector_load %arg10[%get3A_459] {strides = array<i32>} : memref<8192xi32, #tpu.memory_space<vmem>>, vector<16xi32>,
        %add3A_461 = arith.constant 0 : i32
        %add3A_462 = vector.broadcast %add3A_461 : i32 to vector<16xi32>
        %add3A_463 = arith.addi %get3A_458, %add3A_462 : vector<16xi32>
        %gather3A_464 = tpu.vector_load_idx %arg7[%add3A_463] : memref<40000xi32, #tpu.memory_space<vmem>>[vector<16xi32>], vector<16xi32>,
        %add3A_465 = arith.constant 0 : i32
        %add3A_466 = vector.broadcast %add3A_465 : i32 to vector<16xi32>
        %add3A_467 = arith.addi %get3A_460, %add3A_466 : vector<16xi32>
        %gather3A_468 = tpu.vector_load_idx %arg7[%add3A_467] : memref<40000xi32, #tpu.memory_space<vmem>>[vector<16xi32>], vector<16xi32>,
        %bitcast3A_469 = vector.bitcast %gather3A_464 : vector<16xi32> to vector<32xbf16>
        %unpack3A_470 = tpu.unpack_subelements %bitcast3A_469, 0 {pack_format = #tpu.pack_format<interleaved>} : vector<32xbf16> -> vector<16xf32>
        %unpack3A_471 = tpu.unpack_subelements %bitcast3A_469, 1 {pack_format = #tpu.pack_format<interleaved>} : vector<32xbf16> -> vector<16xf32>
        %bitcast3A_472 = vector.bitcast %gather3A_468 : vector<16xi32> to vector<32xbf16>
        %unpack3A_473 = tpu.unpack_subelements %bitcast3A_472, 0 {pack_format = #tpu.pack_format<interleaved>} : vector<32xbf16> -> vector<16xf32>
        %unpack3A_474 = tpu.unpack_subelements %bitcast3A_472, 1 {pack_format = #tpu.pack_format<interleaved>} : vector<32xbf16> -> vector<16xf32>
        %mul3A_475 = arith.mulf %unpack3A_470, %unpack3A_473 : vector<16xf32>
        %mul3A_476 = arith.mulf %unpack3A_471, %unpack3A_474 : vector<16xf32>
        %add3A_477 = arith.addf %mul3A_475, %mul3A_476 : vector<16xf32>
        %add3A_478 = arith.constant 10000 : i32
        %add3A_479 = vector.broadcast %add3A_478 : i32 to vector<16xi32>
        %add3A_480 = arith.addi %get3A_458, %add3A_479 : vector<16xi32>
        %gather3A_481 = tpu.vector_load_idx %arg7[%add3A_480] : memref<40000xi32, #tpu.memory_space<vmem>>[vector<16xi32>], vector<16xi32>,
        %add3A_482 = arith.constant 10000 : i32
        %add3A_483 = vector.broadcast %add3A_482 : i32 to vector<16xi32>
        %add3A_484 = arith.addi %get3A_460, %add3A_483 : vector<16xi32>
        %gather3A_485 = tpu.vector_load_idx %arg7[%add3A_484] : memref<40000xi32, #tpu.memory_space<vmem>>[vector<16xi32>], vector<16xi32>,
        %bitcast3A_486 = vector.bitcast %gather3A_481 : vector<16xi32> to vector<32xbf16>
        %unpack3A_487 = tpu.unpack_subelements %bitcast3A_486, 0 {pack_format = #tpu.pack_format<interleaved>} : vector<32xbf16> -> vector<16xf32>
        %unpack3A_488 = tpu.unpack_subelements %bitcast3A_486, 1 {pack_format = #tpu.pack_format<interleaved>} : vector<32xbf16> -> vector<16xf32>
        %bitcast3A_489 = vector.bitcast %gather3A_485 : vector<16xi32> to vector<32xbf16>
        %unpack3A_490 = tpu.unpack_subelements %bitcast3A_489, 0 {pack_format = #tpu.pack_format<interleaved>} : vector<32xbf16> -> vector<16xf32>
        %unpack3A_491 = tpu.unpack_subelements %bitcast3A_489, 1 {pack_format = #tpu.pack_format<interleaved>} : vector<32xbf16> -> vector<16xf32>
        %mul3A_492 = arith.mulf %unpack3A_487, %unpack3A_490 : vector<16xf32>
        %mul3A_493 = arith.mulf %unpack3A_488, %unpack3A_491 : vector<16xf32>
        %add3A_494 = arith.addf %mul3A_492, %mul3A_493 : vector<16xf32>
        %add3A_495 = arith.addf %add3A_477, %add3A_494 : vector<16xf32>
        %add3A_496 = arith.constant 20000 : i32
        %add3A_497 = vector.broadcast %add3A_496 : i32 to vector<16xi32>
        %add3A_498 = arith.addi %get3A_458, %add3A_497 : vector<16xi32>
        %gather3A_499 = tpu.vector_load_idx %arg7[%add3A_498] : memref<40000xi32, #tpu.memory_space<vmem>>[vector<16xi32>], vector<16xi32>,
        %add3A_500 = arith.constant 20000 : i32
        %add3A_501 = vector.broadcast %add3A_500 : i32 to vector<16xi32>
        %add3A_502 = arith.addi %get3A_460, %add3A_501 : vector<16xi32>
        %gather3A_503 = tpu.vector_load_idx %arg7[%add3A_502] : memref<40000xi32, #tpu.memory_space<vmem>>[vector<16xi32>], vector<16xi32>,
        %bitcast3A_504 = vector.bitcast %gather3A_499 : vector<16xi32> to vector<32xbf16>
        %unpack3A_505 = tpu.unpack_subelements %bitcast3A_504, 0 {pack_format = #tpu.pack_format<interleaved>} : vector<32xbf16> -> vector<16xf32>
        %unpack3A_506 = tpu.unpack_subelements %bitcast3A_504, 1 {pack_format = #tpu.pack_format<interleaved>} : vector<32xbf16> -> vector<16xf32>
        %bitcast3A_507 = vector.bitcast %gather3A_503 : vector<16xi32> to vector<32xbf16>
        %unpack3A_508 = tpu.unpack_subelements %bitcast3A_507, 0 {pack_format = #tpu.pack_format<interleaved>} : vector<32xbf16> -> vector<16xf32>
        %unpack3A_509 = tpu.unpack_subelements %bitcast3A_507, 1 {pack_format = #tpu.pack_format<interleaved>} : vector<32xbf16> -> vector<16xf32>
        %mul3A_510 = arith.mulf %unpack3A_505, %unpack3A_508 : vector<16xf32>
        %mul3A_511 = arith.mulf %unpack3A_506, %unpack3A_509 : vector<16xf32>
        %add3A_512 = arith.addf %mul3A_510, %mul3A_511 : vector<16xf32>
        %add3A_513 = arith.addf %add3A_495, %add3A_512 : vector<16xf32>
        %add3A_514 = arith.constant 30000 : i32
        %add3A_515 = vector.broadcast %add3A_514 : i32 to vector<16xi32>
        %add3A_516 = arith.addi %get3A_458, %add3A_515 : vector<16xi32>
        %gather3A_517 = tpu.vector_load_idx %arg7[%add3A_516] : memref<40000xi32, #tpu.memory_space<vmem>>[vector<16xi32>], vector<16xi32>,
        %add3A_518 = arith.constant 30000 : i32
        %add3A_519 = vector.broadcast %add3A_518 : i32 to vector<16xi32>
        %add3A_520 = arith.addi %get3A_460, %add3A_519 : vector<16xi32>
        %gather3A_521 = tpu.vector_load_idx %arg7[%add3A_520] : memref<40000xi32, #tpu.memory_space<vmem>>[vector<16xi32>], vector<16xi32>,
        %bitcast3A_522 = vector.bitcast %gather3A_517 : vector<16xi32> to vector<32xbf16>
        %unpack3A_523 = tpu.unpack_subelements %bitcast3A_522, 0 {pack_format = #tpu.pack_format<interleaved>} : vector<32xbf16> -> vector<16xf32>
        %unpack3A_524 = tpu.unpack_subelements %bitcast3A_522, 1 {pack_format = #tpu.pack_format<interleaved>} : vector<32xbf16> -> vector<16xf32>
        %bitcast3A_525 = vector.bitcast %gather3A_521 : vector<16xi32> to vector<32xbf16>
        %unpack3A_526 = tpu.unpack_subelements %bitcast3A_525, 0 {pack_format = #tpu.pack_format<interleaved>} : vector<32xbf16> -> vector<16xf32>
        %unpack3A_527 = tpu.unpack_subelements %bitcast3A_525, 1 {pack_format = #tpu.pack_format<interleaved>} : vector<32xbf16> -> vector<16xf32>
        %mul3A_528 = arith.mulf %unpack3A_523, %unpack3A_526 : vector<16xf32>
        %mul3A_529 = arith.mulf %unpack3A_524, %unpack3A_527 : vector<16xf32>
        %add3A_530 = arith.addf %mul3A_528, %mul3A_529 : vector<16xf32>
        %add3A_531 = arith.addf %add3A_513, %add3A_530 : vector<16xf32>
        %swap3A_532 = arith.index_cast %scan3A_292 : i32 to index
        %swap3A_533 = arith.constant 32 : index
        %swap3A_534 = tpu.vector_load %arg12[%swap3A_532, %swap3A_533] {strides = array<i32>} : memref<64x128xf32, #tpu.memory_space<vmem>>, vector<16xf32>,
        tpu.vector_store %arg12[%swap3A_532, %swap3A_533], %add3A_531 {strides = array<i32>} : memref<64x128xf32, #tpu.memory_space<vmem>>, vector<16xf32>,
        %mul3A_535 = arith.constant 128 : i32
        %mul3A_536 = arith.muli %scan3A_292, %mul3A_535 : i32
        %add3A_537 = arith.constant 48 : i32
        %add3A_538 = arith.addi %mul3A_536, %add3A_537 : i32
        %get3A_539 = arith.index_cast %add3A_538 : i32 to index
        %get3A_540 = tpu.vector_load %arg8[%get3A_539] {strides = array<i32>} : memref<8192xi32, #tpu.memory_space<vmem>>, vector<16xi32>,
        %get3A_541 = arith.index_cast %add3A_538 : i32 to index
        %get3A_542 = tpu.vector_load %arg10[%get3A_541] {strides = array<i32>} : memref<8192xi32, #tpu.memory_space<vmem>>, vector<16xi32>,
        %add3A_543 = arith.constant 0 : i32
        %add3A_544 = vector.broadcast %add3A_543 : i32 to vector<16xi32>
        %add3A_545 = arith.addi %get3A_540, %add3A_544 : vector<16xi32>
        %gather3A_546 = tpu.vector_load_idx %arg7[%add3A_545] : memref<40000xi32, #tpu.memory_space<vmem>>[vector<16xi32>], vector<16xi32>,
        %add3A_547 = arith.constant 0 : i32
        %add3A_548 = vector.broadcast %add3A_547 : i32 to vector<16xi32>
        %add3A_549 = arith.addi %get3A_542, %add3A_548 : vector<16xi32>
        %gather3A_550 = tpu.vector_load_idx %arg7[%add3A_549] : memref<40000xi32, #tpu.memory_space<vmem>>[vector<16xi32>], vector<16xi32>,
        %bitcast3A_551 = vector.bitcast %gather3A_546 : vector<16xi32> to vector<32xbf16>
        %unpack3A_552 = tpu.unpack_subelements %bitcast3A_551, 0 {pack_format = #tpu.pack_format<interleaved>} : vector<32xbf16> -> vector<16xf32>
        %unpack3A_553 = tpu.unpack_subelements %bitcast3A_551, 1 {pack_format = #tpu.pack_format<interleaved>} : vector<32xbf16> -> vector<16xf32>
        %bitcast3A_554 = vector.bitcast %gather3A_550 : vector<16xi32> to vector<32xbf16>
        %unpack3A_555 = tpu.unpack_subelements %bitcast3A_554, 0 {pack_format = #tpu.pack_format<interleaved>} : vector<32xbf16> -> vector<16xf32>
        %unpack3A_556 = tpu.unpack_subelements %bitcast3A_554, 1 {pack_format = #tpu.pack_format<interleaved>} : vector<32xbf16> -> vector<16xf32>
        %mul3A_557 = arith.mulf %unpack3A_552, %unpack3A_555 : vector<16xf32>
        %mul3A_558 = arith.mulf %unpack3A_553, %unpack3A_556 : vector<16xf32>
        %add3A_559 = arith.addf %mul3A_557, %mul3A_558 : vector<16xf32>
        %add3A_560 = arith.constant 10000 : i32
        %add3A_561 = vector.broadcast %add3A_560 : i32 to vector<16xi32>
        %add3A_562 = arith.addi %get3A_540, %add3A_561 : vector<16xi32>
        %gather3A_563 = tpu.vector_load_idx %arg7[%add3A_562] : memref<40000xi32, #tpu.memory_space<vmem>>[vector<16xi32>], vector<16xi32>,
        %add3A_564 = arith.constant 10000 : i32
        %add3A_565 = vector.broadcast %add3A_564 : i32 to vector<16xi32>
        %add3A_566 = arith.addi %get3A_542, %add3A_565 : vector<16xi32>
        %gather3A_567 = tpu.vector_load_idx %arg7[%add3A_566] : memref<40000xi32, #tpu.memory_space<vmem>>[vector<16xi32>], vector<16xi32>,
        %bitcast3A_568 = vector.bitcast %gather3A_563 : vector<16xi32> to vector<32xbf16>
        %unpack3A_569 = tpu.unpack_subelements %bitcast3A_568, 0 {pack_format = #tpu.pack_format<interleaved>} : vector<32xbf16> -> vector<16xf32>
        %unpack3A_570 = tpu.unpack_subelements %bitcast3A_568, 1 {pack_format = #tpu.pack_format<interleaved>} : vector<32xbf16> -> vector<16xf32>
        %bitcast3A_571 = vector.bitcast %gather3A_567 : vector<16xi32> to vector<32xbf16>
        %unpack3A_572 = tpu.unpack_subelements %bitcast3A_571, 0 {pack_format = #tpu.pack_format<interleaved>} : vector<32xbf16> -> vector<16xf32>
        %unpack3A_573 = tpu.unpack_subelements %bitcast3A_571, 1 {pack_format = #tpu.pack_format<interleaved>} : vector<32xbf16> -> vector<16xf32>
        %mul3A_574 = arith.mulf %unpack3A_569, %unpack3A_572 : vector<16xf32>
        %mul3A_575 = arith.mulf %unpack3A_570, %unpack3A_573 : vector<16xf32>
        %add3A_576 = arith.addf %mul3A_574, %mul3A_575 : vector<16xf32>
        %add3A_577 = arith.addf %add3A_559, %add3A_576 : vector<16xf32>
        %add3A_578 = arith.constant 20000 : i32
        %add3A_579 = vector.broadcast %add3A_578 : i32 to vector<16xi32>
        %add3A_580 = arith.addi %get3A_540, %add3A_579 : vector<16xi32>
        %gather3A_581 = tpu.vector_load_idx %arg7[%add3A_580] : memref<40000xi32, #tpu.memory_space<vmem>>[vector<16xi32>], vector<16xi32>,
        %add3A_582 = arith.constant 20000 : i32
        %add3A_583 = vector.broadcast %add3A_582 : i32 to vector<16xi32>
        %add3A_584 = arith.addi %get3A_542, %add3A_583 : vector<16xi32>
        %gather3A_585 = tpu.vector_load_idx %arg7[%add3A_584] : memref<40000xi32, #tpu.memory_space<vmem>>[vector<16xi32>], vector<16xi32>,
        %bitcast3A_586 = vector.bitcast %gather3A_581 : vector<16xi32> to vector<32xbf16>
        %unpack3A_587 = tpu.unpack_subelements %bitcast3A_586, 0 {pack_format = #tpu.pack_format<interleaved>} : vector<32xbf16> -> vector<16xf32>
        %unpack3A_588 = tpu.unpack_subelements %bitcast3A_586, 1 {pack_format = #tpu.pack_format<interleaved>} : vector<32xbf16> -> vector<16xf32>
        %bitcast3A_589 = vector.bitcast %gather3A_585 : vector<16xi32> to vector<32xbf16>
        %unpack3A_590 = tpu.unpack_subelements %bitcast3A_589, 0 {pack_format = #tpu.pack_format<interleaved>} : vector<32xbf16> -> vector<16xf32>
        %unpack3A_591 = tpu.unpack_subelements %bitcast3A_589, 1 {pack_format = #tpu.pack_format<interleaved>} : vector<32xbf16> -> vector<16xf32>
        %mul3A_592 = arith.mulf %unpack3A_587, %unpack3A_590 : vector<16xf32>
        %mul3A_593 = arith.mulf %unpack3A_588, %unpack3A_591 : vector<16xf32>
        %add3A_594 = arith.addf %mul3A_592, %mul3A_593 : vector<16xf32>
        %add3A_595 = arith.addf %add3A_577, %add3A_594 : vector<16xf32>
        %add3A_596 = arith.constant 30000 : i32
        %add3A_597 = vector.broadcast %add3A_596 : i32 to vector<16xi32>
        %add3A_598 = arith.addi %get3A_540, %add3A_597 : vector<16xi32>
        %gather3A_599 = tpu.vector_load_idx %arg7[%add3A_598] : memref<40000xi32, #tpu.memory_space<vmem>>[vector<16xi32>], vector<16xi32>,
        %add3A_600 = arith.constant 30000 : i32
        %add3A_601 = vector.broadcast %add3A_600 : i32 to vector<16xi32>
        %add3A_602 = arith.addi %get3A_542, %add3A_601 : vector<16xi32>
        %gather3A_603 = tpu.vector_load_idx %arg7[%add3A_602] : memref<40000xi32, #tpu.memory_space<vmem>>[vector<16xi32>], vector<16xi32>,
        %bitcast3A_604 = vector.bitcast %gather3A_599 : vector<16xi32> to vector<32xbf16>
        %unpack3A_605 = tpu.unpack_subelements %bitcast3A_604, 0 {pack_format = #tpu.pack_format<interleaved>} : vector<32xbf16> -> vector<16xf32>
        %unpack3A_606 = tpu.unpack_subelements %bitcast3A_604, 1 {pack_format = #tpu.pack_format<interleaved>} : vector<32xbf16> -> vector<16xf32>
        %bitcast3A_607 = vector.bitcast %gather3A_603 : vector<16xi32> to vector<32xbf16>
        %unpack3A_608 = tpu.unpack_subelements %bitcast3A_607, 0 {pack_format = #tpu.pack_format<interleaved>} : vector<32xbf16> -> vector<16xf32>
        %unpack3A_609 = tpu.unpack_subelements %bitcast3A_607, 1 {pack_format = #tpu.pack_format<interleaved>} : vector<32xbf16> -> vector<16xf32>
        %mul3A_610 = arith.mulf %unpack3A_605, %unpack3A_608 : vector<16xf32>
        %mul3A_611 = arith.mulf %unpack3A_606, %unpack3A_609 : vector<16xf32>
        %add3A_612 = arith.addf %mul3A_610, %mul3A_611 : vector<16xf32>
        %add3A_613 = arith.addf %add3A_595, %add3A_612 : vector<16xf32>
        %swap3A_614 = arith.index_cast %scan3A_292 : i32 to index
        %swap3A_615 = arith.constant 48 : index
        %swap3A_616 = tpu.vector_load %arg12[%swap3A_614, %swap3A_615] {strides = array<i32>} : memref<64x128xf32, #tpu.memory_space<vmem>>, vector<16xf32>,
        tpu.vector_store %arg12[%swap3A_614, %swap3A_615], %add3A_613 {strides = array<i32>} : memref<64x128xf32, #tpu.memory_space<vmem>>, vector<16xf32>,
        %mul3A_617 = arith.constant 128 : i32
        %mul3A_618 = arith.muli %scan3A_292, %mul3A_617 : i32
        %add3A_619 = arith.constant 64 : i32
        %add3A_620 = arith.addi %mul3A_618, %add3A_619 : i32
        %get3A_621 = arith.index_cast %add3A_620 : i32 to index
        %get3A_622 = tpu.vector_load %arg8[%get3A_621] {strides = array<i32>} : memref<8192xi32, #tpu.memory_space<vmem>>, vector<16xi32>,
        %get3A_623 = arith.index_cast %add3A_620 : i32 to index
        %get3A_624 = tpu.vector_load %arg10[%get3A_623] {strides = array<i32>} : memref<8192xi32, #tpu.memory_space<vmem>>, vector<16xi32>,
        %add3A_625 = arith.constant 0 : i32
        %add3A_626 = vector.broadcast %add3A_625 : i32 to vector<16xi32>
        %add3A_627 = arith.addi %get3A_622, %add3A_626 : vector<16xi32>
        %gather3A_628 = tpu.vector_load_idx %arg7[%add3A_627] : memref<40000xi32, #tpu.memory_space<vmem>>[vector<16xi32>], vector<16xi32>,
        %add3A_629 = arith.constant 0 : i32
        %add3A_630 = vector.broadcast %add3A_629 : i32 to vector<16xi32>
        %add3A_631 = arith.addi %get3A_624, %add3A_630 : vector<16xi32>
        %gather3A_632 = tpu.vector_load_idx %arg7[%add3A_631] : memref<40000xi32, #tpu.memory_space<vmem>>[vector<16xi32>], vector<16xi32>,
        %bitcast3A_633 = vector.bitcast %gather3A_628 : vector<16xi32> to vector<32xbf16>
        %unpack3A_634 = tpu.unpack_subelements %bitcast3A_633, 0 {pack_format = #tpu.pack_format<interleaved>} : vector<32xbf16> -> vector<16xf32>
        %unpack3A_635 = tpu.unpack_subelements %bitcast3A_633, 1 {pack_format = #tpu.pack_format<interleaved>} : vector<32xbf16> -> vector<16xf32>
        %bitcast3A_636 = vector.bitcast %gather3A_632 : vector<16xi32> to vector<32xbf16>
        %unpack3A_637 = tpu.unpack_subelements %bitcast3A_636, 0 {pack_format = #tpu.pack_format<interleaved>} : vector<32xbf16> -> vector<16xf32>
        %unpack3A_638 = tpu.unpack_subelements %bitcast3A_636, 1 {pack_format = #tpu.pack_format<interleaved>} : vector<32xbf16> -> vector<16xf32>
        %mul3A_639 = arith.mulf %unpack3A_634, %unpack3A_637 : vector<16xf32>
        %mul3A_640 = arith.mulf %unpack3A_635, %unpack3A_638 : vector<16xf32>
        %add3A_641 = arith.addf %mul3A_639, %mul3A_640 : vector<16xf32>
        %add3A_642 = arith.constant 10000 : i32
        %add3A_643 = vector.broadcast %add3A_642 : i32 to vector<16xi32>
        %add3A_644 = arith.addi %get3A_622, %add3A_643 : vector<16xi32>
        %gather3A_645 = tpu.vector_load_idx %arg7[%add3A_644] : memref<40000xi32, #tpu.memory_space<vmem>>[vector<16xi32>], vector<16xi32>,
        %add3A_646 = arith.constant 10000 : i32
        %add3A_647 = vector.broadcast %add3A_646 : i32 to vector<16xi32>
        %add3A_648 = arith.addi %get3A_624, %add3A_647 : vector<16xi32>
        %gather3A_649 = tpu.vector_load_idx %arg7[%add3A_648] : memref<40000xi32, #tpu.memory_space<vmem>>[vector<16xi32>], vector<16xi32>,
        %bitcast3A_650 = vector.bitcast %gather3A_645 : vector<16xi32> to vector<32xbf16>
        %unpack3A_651 = tpu.unpack_subelements %bitcast3A_650, 0 {pack_format = #tpu.pack_format<interleaved>} : vector<32xbf16> -> vector<16xf32>
        %unpack3A_652 = tpu.unpack_subelements %bitcast3A_650, 1 {pack_format = #tpu.pack_format<interleaved>} : vector<32xbf16> -> vector<16xf32>
        %bitcast3A_653 = vector.bitcast %gather3A_649 : vector<16xi32> to vector<32xbf16>
        %unpack3A_654 = tpu.unpack_subelements %bitcast3A_653, 0 {pack_format = #tpu.pack_format<interleaved>} : vector<32xbf16> -> vector<16xf32>
        %unpack3A_655 = tpu.unpack_subelements %bitcast3A_653, 1 {pack_format = #tpu.pack_format<interleaved>} : vector<32xbf16> -> vector<16xf32>
        %mul3A_656 = arith.mulf %unpack3A_651, %unpack3A_654 : vector<16xf32>
        %mul3A_657 = arith.mulf %unpack3A_652, %unpack3A_655 : vector<16xf32>
        %add3A_658 = arith.addf %mul3A_656, %mul3A_657 : vector<16xf32>
        %add3A_659 = arith.addf %add3A_641, %add3A_658 : vector<16xf32>
        %add3A_660 = arith.constant 20000 : i32
        %add3A_661 = vector.broadcast %add3A_660 : i32 to vector<16xi32>
        %add3A_662 = arith.addi %get3A_622, %add3A_661 : vector<16xi32>
        %gather3A_663 = tpu.vector_load_idx %arg7[%add3A_662] : memref<40000xi32, #tpu.memory_space<vmem>>[vector<16xi32>], vector<16xi32>,
        %add3A_664 = arith.constant 20000 : i32
        %add3A_665 = vector.broadcast %add3A_664 : i32 to vector<16xi32>
        %add3A_666 = arith.addi %get3A_624, %add3A_665 : vector<16xi32>
        %gather3A_667 = tpu.vector_load_idx %arg7[%add3A_666] : memref<40000xi32, #tpu.memory_space<vmem>>[vector<16xi32>], vector<16xi32>,
        %bitcast3A_668 = vector.bitcast %gather3A_663 : vector<16xi32> to vector<32xbf16>
        %unpack3A_669 = tpu.unpack_subelements %bitcast3A_668, 0 {pack_format = #tpu.pack_format<interleaved>} : vector<32xbf16> -> vector<16xf32>
        %unpack3A_670 = tpu.unpack_subelements %bitcast3A_668, 1 {pack_format = #tpu.pack_format<interleaved>} : vector<32xbf16> -> vector<16xf32>
        %bitcast3A_671 = vector.bitcast %gather3A_667 : vector<16xi32> to vector<32xbf16>
        %unpack3A_672 = tpu.unpack_subelements %bitcast3A_671, 0 {pack_format = #tpu.pack_format<interleaved>} : vector<32xbf16> -> vector<16xf32>
        %unpack3A_673 = tpu.unpack_subelements %bitcast3A_671, 1 {pack_format = #tpu.pack_format<interleaved>} : vector<32xbf16> -> vector<16xf32>
        %mul3A_674 = arith.mulf %unpack3A_669, %unpack3A_672 : vector<16xf32>
        %mul3A_675 = arith.mulf %unpack3A_670, %unpack3A_673 : vector<16xf32>
        %add3A_676 = arith.addf %mul3A_674, %mul3A_675 : vector<16xf32>
        %add3A_677 = arith.addf %add3A_659, %add3A_676 : vector<16xf32>
        %add3A_678 = arith.constant 30000 : i32
        %add3A_679 = vector.broadcast %add3A_678 : i32 to vector<16xi32>
        %add3A_680 = arith.addi %get3A_622, %add3A_679 : vector<16xi32>
        %gather3A_681 = tpu.vector_load_idx %arg7[%add3A_680] : memref<40000xi32, #tpu.memory_space<vmem>>[vector<16xi32>], vector<16xi32>,
        %add3A_682 = arith.constant 30000 : i32
        %add3A_683 = vector.broadcast %add3A_682 : i32 to vector<16xi32>
        %add3A_684 = arith.addi %get3A_624, %add3A_683 : vector<16xi32>
        %gather3A_685 = tpu.vector_load_idx %arg7[%add3A_684] : memref<40000xi32, #tpu.memory_space<vmem>>[vector<16xi32>], vector<16xi32>,
        %bitcast3A_686 = vector.bitcast %gather3A_681 : vector<16xi32> to vector<32xbf16>
        %unpack3A_687 = tpu.unpack_subelements %bitcast3A_686, 0 {pack_format = #tpu.pack_format<interleaved>} : vector<32xbf16> -> vector<16xf32>
        %unpack3A_688 = tpu.unpack_subelements %bitcast3A_686, 1 {pack_format = #tpu.pack_format<interleaved>} : vector<32xbf16> -> vector<16xf32>
        %bitcast3A_689 = vector.bitcast %gather3A_685 : vector<16xi32> to vector<32xbf16>
        %unpack3A_690 = tpu.unpack_subelements %bitcast3A_689, 0 {pack_format = #tpu.pack_format<interleaved>} : vector<32xbf16> -> vector<16xf32>
        %unpack3A_691 = tpu.unpack_subelements %bitcast3A_689, 1 {pack_format = #tpu.pack_format<interleaved>} : vector<32xbf16> -> vector<16xf32>
        %mul3A_692 = arith.mulf %unpack3A_687, %unpack3A_690 : vector<16xf32>
        %mul3A_693 = arith.mulf %unpack3A_688, %unpack3A_691 : vector<16xf32>
        %add3A_694 = arith.addf %mul3A_692, %mul3A_693 : vector<16xf32>
        %add3A_695 = arith.addf %add3A_677, %add3A_694 : vector<16xf32>
        %swap3A_696 = arith.index_cast %scan3A_292 : i32 to index
        %swap3A_697 = arith.constant 64 : index
        %swap3A_698 = tpu.vector_load %arg12[%swap3A_696, %swap3A_697] {strides = array<i32>} : memref<64x128xf32, #tpu.memory_space<vmem>>, vector<16xf32>,
        tpu.vector_store %arg12[%swap3A_696, %swap3A_697], %add3A_695 {strides = array<i32>} : memref<64x128xf32, #tpu.memory_space<vmem>>, vector<16xf32>,
        %mul3A_699 = arith.constant 128 : i32
        %mul3A_700 = arith.muli %scan3A_292, %mul3A_699 : i32
        %add3A_701 = arith.constant 80 : i32
        %add3A_702 = arith.addi %mul3A_700, %add3A_701 : i32
        %get3A_703 = arith.index_cast %add3A_702 : i32 to index
        %get3A_704 = tpu.vector_load %arg8[%get3A_703] {strides = array<i32>} : memref<8192xi32, #tpu.memory_space<vmem>>, vector<16xi32>,
        %get3A_705 = arith.index_cast %add3A_702 : i32 to index
        %get3A_706 = tpu.vector_load %arg10[%get3A_705] {strides = array<i32>} : memref<8192xi32, #tpu.memory_space<vmem>>, vector<16xi32>,
        %add3A_707 = arith.constant 0 : i32
        %add3A_708 = vector.broadcast %add3A_707 : i32 to vector<16xi32>
        %add3A_709 = arith.addi %get3A_704, %add3A_708 : vector<16xi32>
        %gather3A_710 = tpu.vector_load_idx %arg7[%add3A_709] : memref<40000xi32, #tpu.memory_space<vmem>>[vector<16xi32>], vector<16xi32>,
        %add3A_711 = arith.constant 0 : i32
        %add3A_712 = vector.broadcast %add3A_711 : i32 to vector<16xi32>
        %add3A_713 = arith.addi %get3A_706, %add3A_712 : vector<16xi32>
        %gather3A_714 = tpu.vector_load_idx %arg7[%add3A_713] : memref<40000xi32, #tpu.memory_space<vmem>>[vector<16xi32>], vector<16xi32>,
        %bitcast3A_715 = vector.bitcast %gather3A_710 : vector<16xi32> to vector<32xbf16>
        %unpack3A_716 = tpu.unpack_subelements %bitcast3A_715, 0 {pack_format = #tpu.pack_format<interleaved>} : vector<32xbf16> -> vector<16xf32>
        %unpack3A_717 = tpu.unpack_subelements %bitcast3A_715, 1 {pack_format = #tpu.pack_format<interleaved>} : vector<32xbf16> -> vector<16xf32>
        %bitcast3A_718 = vector.bitcast %gather3A_714 : vector<16xi32> to vector<32xbf16>
        %unpack3A_719 = tpu.unpack_subelements %bitcast3A_718, 0 {pack_format = #tpu.pack_format<interleaved>} : vector<32xbf16> -> vector<16xf32>
        %unpack3A_720 = tpu.unpack_subelements %bitcast3A_718, 1 {pack_format = #tpu.pack_format<interleaved>} : vector<32xbf16> -> vector<16xf32>
        %mul3A_721 = arith.mulf %unpack3A_716, %unpack3A_719 : vector<16xf32>
        %mul3A_722 = arith.mulf %unpack3A_717, %unpack3A_720 : vector<16xf32>
        %add3A_723 = arith.addf %mul3A_721, %mul3A_722 : vector<16xf32>
        %add3A_724 = arith.constant 10000 : i32
        %add3A_725 = vector.broadcast %add3A_724 : i32 to vector<16xi32>
        %add3A_726 = arith.addi %get3A_704, %add3A_725 : vector<16xi32>
        %gather3A_727 = tpu.vector_load_idx %arg7[%add3A_726] : memref<40000xi32, #tpu.memory_space<vmem>>[vector<16xi32>], vector<16xi32>,
        %add3A_728 = arith.constant 10000 : i32
        %add3A_729 = vector.broadcast %add3A_728 : i32 to vector<16xi32>
        %add3A_730 = arith.addi %get3A_706, %add3A_729 : vector<16xi32>
        %gather3A_731 = tpu.vector_load_idx %arg7[%add3A_730] : memref<40000xi32, #tpu.memory_space<vmem>>[vector<16xi32>], vector<16xi32>,
        %bitcast3A_732 = vector.bitcast %gather3A_727 : vector<16xi32> to vector<32xbf16>
        %unpack3A_733 = tpu.unpack_subelements %bitcast3A_732, 0 {pack_format = #tpu.pack_format<interleaved>} : vector<32xbf16> -> vector<16xf32>
        %unpack3A_734 = tpu.unpack_subelements %bitcast3A_732, 1 {pack_format = #tpu.pack_format<interleaved>} : vector<32xbf16> -> vector<16xf32>
        %bitcast3A_735 = vector.bitcast %gather3A_731 : vector<16xi32> to vector<32xbf16>
        %unpack3A_736 = tpu.unpack_subelements %bitcast3A_735, 0 {pack_format = #tpu.pack_format<interleaved>} : vector<32xbf16> -> vector<16xf32>
        %unpack3A_737 = tpu.unpack_subelements %bitcast3A_735, 1 {pack_format = #tpu.pack_format<interleaved>} : vector<32xbf16> -> vector<16xf32>
        %mul3A_738 = arith.mulf %unpack3A_733, %unpack3A_736 : vector<16xf32>
        %mul3A_739 = arith.mulf %unpack3A_734, %unpack3A_737 : vector<16xf32>
        %add3A_740 = arith.addf %mul3A_738, %mul3A_739 : vector<16xf32>
        %add3A_741 = arith.addf %add3A_723, %add3A_740 : vector<16xf32>
        %add3A_742 = arith.constant 20000 : i32
        %add3A_743 = vector.broadcast %add3A_742 : i32 to vector<16xi32>
        %add3A_744 = arith.addi %get3A_704, %add3A_743 : vector<16xi32>
        %gather3A_745 = tpu.vector_load_idx %arg7[%add3A_744] : memref<40000xi32, #tpu.memory_space<vmem>>[vector<16xi32>], vector<16xi32>,
        %add3A_746 = arith.constant 20000 : i32
        %add3A_747 = vector.broadcast %add3A_746 : i32 to vector<16xi32>
        %add3A_748 = arith.addi %get3A_706, %add3A_747 : vector<16xi32>
        %gather3A_749 = tpu.vector_load_idx %arg7[%add3A_748] : memref<40000xi32, #tpu.memory_space<vmem>>[vector<16xi32>], vector<16xi32>,
        %bitcast3A_750 = vector.bitcast %gather3A_745 : vector<16xi32> to vector<32xbf16>
        %unpack3A_751 = tpu.unpack_subelements %bitcast3A_750, 0 {pack_format = #tpu.pack_format<interleaved>} : vector<32xbf16> -> vector<16xf32>
        %unpack3A_752 = tpu.unpack_subelements %bitcast3A_750, 1 {pack_format = #tpu.pack_format<interleaved>} : vector<32xbf16> -> vector<16xf32>
        %bitcast3A_753 = vector.bitcast %gather3A_749 : vector<16xi32> to vector<32xbf16>
        %unpack3A_754 = tpu.unpack_subelements %bitcast3A_753, 0 {pack_format = #tpu.pack_format<interleaved>} : vector<32xbf16> -> vector<16xf32>
        %unpack3A_755 = tpu.unpack_subelements %bitcast3A_753, 1 {pack_format = #tpu.pack_format<interleaved>} : vector<32xbf16> -> vector<16xf32>
        %mul3A_756 = arith.mulf %unpack3A_751, %unpack3A_754 : vector<16xf32>
        %mul3A_757 = arith.mulf %unpack3A_752, %unpack3A_755 : vector<16xf32>
        %add3A_758 = arith.addf %mul3A_756, %mul3A_757 : vector<16xf32>
        %add3A_759 = arith.addf %add3A_741, %add3A_758 : vector<16xf32>
        %add3A_760 = arith.constant 30000 : i32
        %add3A_761 = vector.broadcast %add3A_760 : i32 to vector<16xi32>
        %add3A_762 = arith.addi %get3A_704, %add3A_761 : vector<16xi32>
        %gather3A_763 = tpu.vector_load_idx %arg7[%add3A_762] : memref<40000xi32, #tpu.memory_space<vmem>>[vector<16xi32>], vector<16xi32>,
        %add3A_764 = arith.constant 30000 : i32
        %add3A_765 = vector.broadcast %add3A_764 : i32 to vector<16xi32>
        %add3A_766 = arith.addi %get3A_706, %add3A_765 : vector<16xi32>
        %gather3A_767 = tpu.vector_load_idx %arg7[%add3A_766] : memref<40000xi32, #tpu.memory_space<vmem>>[vector<16xi32>], vector<16xi32>,
        %bitcast3A_768 = vector.bitcast %gather3A_763 : vector<16xi32> to vector<32xbf16>
        %unpack3A_769 = tpu.unpack_subelements %bitcast3A_768, 0 {pack_format = #tpu.pack_format<interleaved>} : vector<32xbf16> -> vector<16xf32>
        %unpack3A_770 = tpu.unpack_subelements %bitcast3A_768, 1 {pack_format = #tpu.pack_format<interleaved>} : vector<32xbf16> -> vector<16xf32>
        %bitcast3A_771 = vector.bitcast %gather3A_767 : vector<16xi32> to vector<32xbf16>
        %unpack3A_772 = tpu.unpack_subelements %bitcast3A_771, 0 {pack_format = #tpu.pack_format<interleaved>} : vector<32xbf16> -> vector<16xf32>
        %unpack3A_773 = tpu.unpack_subelements %bitcast3A_771, 1 {pack_format = #tpu.pack_format<interleaved>} : vector<32xbf16> -> vector<16xf32>
        %mul3A_774 = arith.mulf %unpack3A_769, %unpack3A_772 : vector<16xf32>
        %mul3A_775 = arith.mulf %unpack3A_770, %unpack3A_773 : vector<16xf32>
        %add3A_776 = arith.addf %mul3A_774, %mul3A_775 : vector<16xf32>
        %add3A_777 = arith.addf %add3A_759, %add3A_776 : vector<16xf32>
        %swap3A_778 = arith.index_cast %scan3A_292 : i32 to index
        %swap3A_779 = arith.constant 80 : index
        %swap3A_780 = tpu.vector_load %arg12[%swap3A_778, %swap3A_779] {strides = array<i32>} : memref<64x128xf32, #tpu.memory_space<vmem>>, vector<16xf32>,
        tpu.vector_store %arg12[%swap3A_778, %swap3A_779], %add3A_777 {strides = array<i32>} : memref<64x128xf32, #tpu.memory_space<vmem>>, vector<16xf32>,
        %mul3A_781 = arith.constant 128 : i32
        %mul3A_782 = arith.muli %scan3A_292, %mul3A_781 : i32
        %add3A_783 = arith.constant 96 : i32
        %add3A_784 = arith.addi %mul3A_782, %add3A_783 : i32
        %get3A_785 = arith.index_cast %add3A_784 : i32 to index
        %get3A_786 = tpu.vector_load %arg8[%get3A_785] {strides = array<i32>} : memref<8192xi32, #tpu.memory_space<vmem>>, vector<16xi32>,
        %get3A_787 = arith.index_cast %add3A_784 : i32 to index
        %get3A_788 = tpu.vector_load %arg10[%get3A_787] {strides = array<i32>} : memref<8192xi32, #tpu.memory_space<vmem>>, vector<16xi32>,
        %add3A_789 = arith.constant 0 : i32
        %add3A_790 = vector.broadcast %add3A_789 : i32 to vector<16xi32>
        %add3A_791 = arith.addi %get3A_786, %add3A_790 : vector<16xi32>
        %gather3A_792 = tpu.vector_load_idx %arg7[%add3A_791] : memref<40000xi32, #tpu.memory_space<vmem>>[vector<16xi32>], vector<16xi32>,
        %add3A_793 = arith.constant 0 : i32
        %add3A_794 = vector.broadcast %add3A_793 : i32 to vector<16xi32>
        %add3A_795 = arith.addi %get3A_788, %add3A_794 : vector<16xi32>
        %gather3A_796 = tpu.vector_load_idx %arg7[%add3A_795] : memref<40000xi32, #tpu.memory_space<vmem>>[vector<16xi32>], vector<16xi32>,
        %bitcast3A_797 = vector.bitcast %gather3A_792 : vector<16xi32> to vector<32xbf16>
        %unpack3A_798 = tpu.unpack_subelements %bitcast3A_797, 0 {pack_format = #tpu.pack_format<interleaved>} : vector<32xbf16> -> vector<16xf32>
        %unpack3A_799 = tpu.unpack_subelements %bitcast3A_797, 1 {pack_format = #tpu.pack_format<interleaved>} : vector<32xbf16> -> vector<16xf32>
        %bitcast3A_800 = vector.bitcast %gather3A_796 : vector<16xi32> to vector<32xbf16>
        %unpack3A_801 = tpu.unpack_subelements %bitcast3A_800, 0 {pack_format = #tpu.pack_format<interleaved>} : vector<32xbf16> -> vector<16xf32>
        %unpack3A_802 = tpu.unpack_subelements %bitcast3A_800, 1 {pack_format = #tpu.pack_format<interleaved>} : vector<32xbf16> -> vector<16xf32>
        %mul3A_803 = arith.mulf %unpack3A_798, %unpack3A_801 : vector<16xf32>
        %mul3A_804 = arith.mulf %unpack3A_799, %unpack3A_802 : vector<16xf32>
        %add3A_805 = arith.addf %mul3A_803, %mul3A_804 : vector<16xf32>
        %add3A_806 = arith.constant 10000 : i32
        %add3A_807 = vector.broadcast %add3A_806 : i32 to vector<16xi32>
        %add3A_808 = arith.addi %get3A_786, %add3A_807 : vector<16xi32>
        %gather3A_809 = tpu.vector_load_idx %arg7[%add3A_808] : memref<40000xi32, #tpu.memory_space<vmem>>[vector<16xi32>], vector<16xi32>,
        %add3A_810 = arith.constant 10000 : i32
        %add3A_811 = vector.broadcast %add3A_810 : i32 to vector<16xi32>
        %add3A_812 = arith.addi %get3A_788, %add3A_811 : vector<16xi32>
        %gather3A_813 = tpu.vector_load_idx %arg7[%add3A_812] : memref<40000xi32, #tpu.memory_space<vmem>>[vector<16xi32>], vector<16xi32>,
        %bitcast3A_814 = vector.bitcast %gather3A_809 : vector<16xi32> to vector<32xbf16>
        %unpack3A_815 = tpu.unpack_subelements %bitcast3A_814, 0 {pack_format = #tpu.pack_format<interleaved>} : vector<32xbf16> -> vector<16xf32>
        %unpack3A_816 = tpu.unpack_subelements %bitcast3A_814, 1 {pack_format = #tpu.pack_format<interleaved>} : vector<32xbf16> -> vector<16xf32>
        %bitcast3A_817 = vector.bitcast %gather3A_813 : vector<16xi32> to vector<32xbf16>
        %unpack3A_818 = tpu.unpack_subelements %bitcast3A_817, 0 {pack_format = #tpu.pack_format<interleaved>} : vector<32xbf16> -> vector<16xf32>
        %unpack3A_819 = tpu.unpack_subelements %bitcast3A_817, 1 {pack_format = #tpu.pack_format<interleaved>} : vector<32xbf16> -> vector<16xf32>
        %mul3A_820 = arith.mulf %unpack3A_815, %unpack3A_818 : vector<16xf32>
        %mul3A_821 = arith.mulf %unpack3A_816, %unpack3A_819 : vector<16xf32>
        %add3A_822 = arith.addf %mul3A_820, %mul3A_821 : vector<16xf32>
        %add3A_823 = arith.addf %add3A_805, %add3A_822 : vector<16xf32>
        %add3A_824 = arith.constant 20000 : i32
        %add3A_825 = vector.broadcast %add3A_824 : i32 to vector<16xi32>
        %add3A_826 = arith.addi %get3A_786, %add3A_825 : vector<16xi32>
        %gather3A_827 = tpu.vector_load_idx %arg7[%add3A_826] : memref<40000xi32, #tpu.memory_space<vmem>>[vector<16xi32>], vector<16xi32>,
        %add3A_828 = arith.constant 20000 : i32
        %add3A_829 = vector.broadcast %add3A_828 : i32 to vector<16xi32>
        %add3A_830 = arith.addi %get3A_788, %add3A_829 : vector<16xi32>
        %gather3A_831 = tpu.vector_load_idx %arg7[%add3A_830] : memref<40000xi32, #tpu.memory_space<vmem>>[vector<16xi32>], vector<16xi32>,
        %bitcast3A_832 = vector.bitcast %gather3A_827 : vector<16xi32> to vector<32xbf16>
        %unpack3A_833 = tpu.unpack_subelements %bitcast3A_832, 0 {pack_format = #tpu.pack_format<interleaved>} : vector<32xbf16> -> vector<16xf32>
        %unpack3A_834 = tpu.unpack_subelements %bitcast3A_832, 1 {pack_format = #tpu.pack_format<interleaved>} : vector<32xbf16> -> vector<16xf32>
        %bitcast3A_835 = vector.bitcast %gather3A_831 : vector<16xi32> to vector<32xbf16>
        %unpack3A_836 = tpu.unpack_subelements %bitcast3A_835, 0 {pack_format = #tpu.pack_format<interleaved>} : vector<32xbf16> -> vector<16xf32>
        %unpack3A_837 = tpu.unpack_subelements %bitcast3A_835, 1 {pack_format = #tpu.pack_format<interleaved>} : vector<32xbf16> -> vector<16xf32>
        %mul3A_838 = arith.mulf %unpack3A_833, %unpack3A_836 : vector<16xf32>
        %mul3A_839 = arith.mulf %unpack3A_834, %unpack3A_837 : vector<16xf32>
        %add3A_840 = arith.addf %mul3A_838, %mul3A_839 : vector<16xf32>
        %add3A_841 = arith.addf %add3A_823, %add3A_840 : vector<16xf32>
        %add3A_842 = arith.constant 30000 : i32
        %add3A_843 = vector.broadcast %add3A_842 : i32 to vector<16xi32>
        %add3A_844 = arith.addi %get3A_786, %add3A_843 : vector<16xi32>
        %gather3A_845 = tpu.vector_load_idx %arg7[%add3A_844] : memref<40000xi32, #tpu.memory_space<vmem>>[vector<16xi32>], vector<16xi32>,
        %add3A_846 = arith.constant 30000 : i32
        %add3A_847 = vector.broadcast %add3A_846 : i32 to vector<16xi32>
        %add3A_848 = arith.addi %get3A_788, %add3A_847 : vector<16xi32>
        %gather3A_849 = tpu.vector_load_idx %arg7[%add3A_848] : memref<40000xi32, #tpu.memory_space<vmem>>[vector<16xi32>], vector<16xi32>,
        %bitcast3A_850 = vector.bitcast %gather3A_845 : vector<16xi32> to vector<32xbf16>
        %unpack3A_851 = tpu.unpack_subelements %bitcast3A_850, 0 {pack_format = #tpu.pack_format<interleaved>} : vector<32xbf16> -> vector<16xf32>
        %unpack3A_852 = tpu.unpack_subelements %bitcast3A_850, 1 {pack_format = #tpu.pack_format<interleaved>} : vector<32xbf16> -> vector<16xf32>
        %bitcast3A_853 = vector.bitcast %gather3A_849 : vector<16xi32> to vector<32xbf16>
        %unpack3A_854 = tpu.unpack_subelements %bitcast3A_853, 0 {pack_format = #tpu.pack_format<interleaved>} : vector<32xbf16> -> vector<16xf32>
        %unpack3A_855 = tpu.unpack_subelements %bitcast3A_853, 1 {pack_format = #tpu.pack_format<interleaved>} : vector<32xbf16> -> vector<16xf32>
        %mul3A_856 = arith.mulf %unpack3A_851, %unpack3A_854 : vector<16xf32>
        %mul3A_857 = arith.mulf %unpack3A_852, %unpack3A_855 : vector<16xf32>
        %add3A_858 = arith.addf %mul3A_856, %mul3A_857 : vector<16xf32>
        %add3A_859 = arith.addf %add3A_841, %add3A_858 : vector<16xf32>
        %swap3A_860 = arith.index_cast %scan3A_292 : i32 to index
        %swap3A_861 = arith.constant 96 : index
        %swap3A_862 = tpu.vector_load %arg12[%swap3A_860, %swap3A_861] {strides = array<i32>} : memref<64x128xf32, #tpu.memory_space<vmem>>, vector<16xf32>,
        tpu.vector_store %arg12[%swap3A_860, %swap3A_861], %add3A_859 {strides = array<i32>} : memref<64x128xf32, #tpu.memory_space<vmem>>, vector<16xf32>,
        %mul3A_863 = arith.constant 128 : i32
        %mul3A_864 = arith.muli %scan3A_292, %mul3A_863 : i32
        %add3A_865 = arith.constant 112 : i32
        %add3A_866 = arith.addi %mul3A_864, %add3A_865 : i32
        %get3A_867 = arith.index_cast %add3A_866 : i32 to index
        %get3A_868 = tpu.vector_load %arg8[%get3A_867] {strides = array<i32>} : memref<8192xi32, #tpu.memory_space<vmem>>, vector<16xi32>,
        %get3A_869 = arith.index_cast %add3A_866 : i32 to index
        %get3A_870 = tpu.vector_load %arg10[%get3A_869] {strides = array<i32>} : memref<8192xi32, #tpu.memory_space<vmem>>, vector<16xi32>,
        %add3A_871 = arith.constant 0 : i32
        %add3A_872 = vector.broadcast %add3A_871 : i32 to vector<16xi32>
        %add3A_873 = arith.addi %get3A_868, %add3A_872 : vector<16xi32>
        %gather3A_874 = tpu.vector_load_idx %arg7[%add3A_873] : memref<40000xi32, #tpu.memory_space<vmem>>[vector<16xi32>], vector<16xi32>,
        %add3A_875 = arith.constant 0 : i32
        %add3A_876 = vector.broadcast %add3A_875 : i32 to vector<16xi32>
        %add3A_877 = arith.addi %get3A_870, %add3A_876 : vector<16xi32>
        %gather3A_878 = tpu.vector_load_idx %arg7[%add3A_877] : memref<40000xi32, #tpu.memory_space<vmem>>[vector<16xi32>], vector<16xi32>,
        %bitcast3A_879 = vector.bitcast %gather3A_874 : vector<16xi32> to vector<32xbf16>
        %unpack3A_880 = tpu.unpack_subelements %bitcast3A_879, 0 {pack_format = #tpu.pack_format<interleaved>} : vector<32xbf16> -> vector<16xf32>
        %unpack3A_881 = tpu.unpack_subelements %bitcast3A_879, 1 {pack_format = #tpu.pack_format<interleaved>} : vector<32xbf16> -> vector<16xf32>
        %bitcast3A_882 = vector.bitcast %gather3A_878 : vector<16xi32> to vector<32xbf16>
        %unpack3A_883 = tpu.unpack_subelements %bitcast3A_882, 0 {pack_format = #tpu.pack_format<interleaved>} : vector<32xbf16> -> vector<16xf32>
        %unpack3A_884 = tpu.unpack_subelements %bitcast3A_882, 1 {pack_format = #tpu.pack_format<interleaved>} : vector<32xbf16> -> vector<16xf32>
        %mul3A_885 = arith.mulf %unpack3A_880, %unpack3A_883 : vector<16xf32>
        %mul3A_886 = arith.mulf %unpack3A_881, %unpack3A_884 : vector<16xf32>
        %add3A_887 = arith.addf %mul3A_885, %mul3A_886 : vector<16xf32>
        %add3A_888 = arith.constant 10000 : i32
        %add3A_889 = vector.broadcast %add3A_888 : i32 to vector<16xi32>
        %add3A_890 = arith.addi %get3A_868, %add3A_889 : vector<16xi32>
        %gather3A_891 = tpu.vector_load_idx %arg7[%add3A_890] : memref<40000xi32, #tpu.memory_space<vmem>>[vector<16xi32>], vector<16xi32>,
        %add3A_892 = arith.constant 10000 : i32
        %add3A_893 = vector.broadcast %add3A_892 : i32 to vector<16xi32>
        %add3A_894 = arith.addi %get3A_870, %add3A_893 : vector<16xi32>
        %gather3A_895 = tpu.vector_load_idx %arg7[%add3A_894] : memref<40000xi32, #tpu.memory_space<vmem>>[vector<16xi32>], vector<16xi32>,
        %bitcast3A_896 = vector.bitcast %gather3A_891 : vector<16xi32> to vector<32xbf16>
        %unpack3A_897 = tpu.unpack_subelements %bitcast3A_896, 0 {pack_format = #tpu.pack_format<interleaved>} : vector<32xbf16> -> vector<16xf32>
        %unpack3A_898 = tpu.unpack_subelements %bitcast3A_896, 1 {pack_format = #tpu.pack_format<interleaved>} : vector<32xbf16> -> vector<16xf32>
        %bitcast3A_899 = vector.bitcast %gather3A_895 : vector<16xi32> to vector<32xbf16>
        %unpack3A_900 = tpu.unpack_subelements %bitcast3A_899, 0 {pack_format = #tpu.pack_format<interleaved>} : vector<32xbf16> -> vector<16xf32>
        %unpack3A_901 = tpu.unpack_subelements %bitcast3A_899, 1 {pack_format = #tpu.pack_format<interleaved>} : vector<32xbf16> -> vector<16xf32>
        %mul3A_902 = arith.mulf %unpack3A_897, %unpack3A_900 : vector<16xf32>
        %mul3A_903 = arith.mulf %unpack3A_898, %unpack3A_901 : vector<16xf32>
        %add3A_904 = arith.addf %mul3A_902, %mul3A_903 : vector<16xf32>
        %add3A_905 = arith.addf %add3A_887, %add3A_904 : vector<16xf32>
        %add3A_906 = arith.constant 20000 : i32
        %add3A_907 = vector.broadcast %add3A_906 : i32 to vector<16xi32>
        %add3A_908 = arith.addi %get3A_868, %add3A_907 : vector<16xi32>
        %gather3A_909 = tpu.vector_load_idx %arg7[%add3A_908] : memref<40000xi32, #tpu.memory_space<vmem>>[vector<16xi32>], vector<16xi32>,
        %add3A_910 = arith.constant 20000 : i32
        %add3A_911 = vector.broadcast %add3A_910 : i32 to vector<16xi32>
        %add3A_912 = arith.addi %get3A_870, %add3A_911 : vector<16xi32>
        %gather3A_913 = tpu.vector_load_idx %arg7[%add3A_912] : memref<40000xi32, #tpu.memory_space<vmem>>[vector<16xi32>], vector<16xi32>,
        %bitcast3A_914 = vector.bitcast %gather3A_909 : vector<16xi32> to vector<32xbf16>
        %unpack3A_915 = tpu.unpack_subelements %bitcast3A_914, 0 {pack_format = #tpu.pack_format<interleaved>} : vector<32xbf16> -> vector<16xf32>
        %unpack3A_916 = tpu.unpack_subelements %bitcast3A_914, 1 {pack_format = #tpu.pack_format<interleaved>} : vector<32xbf16> -> vector<16xf32>
        %bitcast3A_917 = vector.bitcast %gather3A_913 : vector<16xi32> to vector<32xbf16>
        %unpack3A_918 = tpu.unpack_subelements %bitcast3A_917, 0 {pack_format = #tpu.pack_format<interleaved>} : vector<32xbf16> -> vector<16xf32>
        %unpack3A_919 = tpu.unpack_subelements %bitcast3A_917, 1 {pack_format = #tpu.pack_format<interleaved>} : vector<32xbf16> -> vector<16xf32>
        %mul3A_920 = arith.mulf %unpack3A_915, %unpack3A_918 : vector<16xf32>
        %mul3A_921 = arith.mulf %unpack3A_916, %unpack3A_919 : vector<16xf32>
        %add3A_922 = arith.addf %mul3A_920, %mul3A_921 : vector<16xf32>
        %add3A_923 = arith.addf %add3A_905, %add3A_922 : vector<16xf32>
        %add3A_924 = arith.constant 30000 : i32
        %add3A_925 = vector.broadcast %add3A_924 : i32 to vector<16xi32>
        %add3A_926 = arith.addi %get3A_868, %add3A_925 : vector<16xi32>
        %gather3A_927 = tpu.vector_load_idx %arg7[%add3A_926] : memref<40000xi32, #tpu.memory_space<vmem>>[vector<16xi32>], vector<16xi32>,
        %add3A_928 = arith.constant 30000 : i32
        %add3A_929 = vector.broadcast %add3A_928 : i32 to vector<16xi32>
        %add3A_930 = arith.addi %get3A_870, %add3A_929 : vector<16xi32>
        %gather3A_931 = tpu.vector_load_idx %arg7[%add3A_930] : memref<40000xi32, #tpu.memory_space<vmem>>[vector<16xi32>], vector<16xi32>,
        %bitcast3A_932 = vector.bitcast %gather3A_927 : vector<16xi32> to vector<32xbf16>
        %unpack3A_933 = tpu.unpack_subelements %bitcast3A_932, 0 {pack_format = #tpu.pack_format<interleaved>} : vector<32xbf16> -> vector<16xf32>
        %unpack3A_934 = tpu.unpack_subelements %bitcast3A_932, 1 {pack_format = #tpu.pack_format<interleaved>} : vector<32xbf16> -> vector<16xf32>
        %bitcast3A_935 = vector.bitcast %gather3A_931 : vector<16xi32> to vector<32xbf16>
        %unpack3A_936 = tpu.unpack_subelements %bitcast3A_935, 0 {pack_format = #tpu.pack_format<interleaved>} : vector<32xbf16> -> vector<16xf32>
        %unpack3A_937 = tpu.unpack_subelements %bitcast3A_935, 1 {pack_format = #tpu.pack_format<interleaved>} : vector<32xbf16> -> vector<16xf32>
        %mul3A_938 = arith.mulf %unpack3A_933, %unpack3A_936 : vector<16xf32>
        %mul3A_939 = arith.mulf %unpack3A_934, %unpack3A_937 : vector<16xf32>
        %add3A_940 = arith.addf %mul3A_938, %mul3A_939 : vector<16xf32>
        %add3A_941 = arith.addf %add3A_923, %add3A_940 : vector<16xf32>
        %swap3A_942 = arith.index_cast %scan3A_292 : i32 to index
        %swap3A_943 = arith.constant 112 : index
        %swap3A_944 = tpu.vector_load %arg12[%swap3A_942, %swap3A_943] {strides = array<i32>} : memref<64x128xf32, #tpu.memory_space<vmem>>, vector<16xf32>,
        tpu.vector_store %arg12[%swap3A_942, %swap3A_943], %add3A_941 {strides = array<i32>} : memref<64x128xf32, #tpu.memory_space<vmem>>, vector<16xf32>,
      }
      %scan3A_255 = arith.constant 64 : i32
      %barrier3A = arith.constant 0 : index
      tpu.barrier barrier_id(%barrier3A)
      "tpu.region"() ({
        %run_scoped3A = tpu.sem_alloc : memref<!tpu.dma_semaphore, #tpu.memory_space<semaphore_mem>>
        %dma_start3A_292 = arith.constant 0 : i32
        %dma_start3A_293 = arith.constant 0 : i32
        %dma_start3A_294 = tpu.memref_slice %arg6[%dma_start3A_292, %dma_start3A_293] : memref<64x128xf32, #tpu.memory_space<vmem_shared>> -> memref<64x128xf32, #tpu.memory_space<vmem_shared>>
        tpu.enqueue_indirect_dma source(%arg12 : memref<64x128xf32, #tpu.memory_space<vmem>>) target(%dma_start3A_294 : memref<64x128xf32, #tpu.memory_space<vmem_shared>>) offsets(%arg14 : memref<64xi32, #tpu.memory_space<vmem>>) semaphore(%run_scoped3A : memref<!tpu.dma_semaphore, #tpu.memory_space<semaphore_mem>>) {add = true}
        %dma_wait3A_295 = arith.constant 0 : i32
        %dma_wait3A_296 = arith.constant 0 : i32
        %dma_wait3A_297 = tpu.memref_slice %arg6[%dma_wait3A_295, %dma_wait3A_296] : memref<64x128xf32, #tpu.memory_space<vmem_shared>> -> memref<64x128xf32, #tpu.memory_space<vmem_shared>>
        tpu.wait_indirect_dma semaphore(%run_scoped3A : memref<!tpu.dma_semaphore, #tpu.memory_space<semaphore_mem>>) src(%arg12 : memref<64x128xf32, #tpu.memory_space<vmem>>) dst(%dma_wait3A_297 : memref<64x128xf32, #tpu.memory_space<vmem_shared>>)
        tpu.yield
      }) : () -> ()
      %barrier3A_256 = arith.constant 0 : index
      tpu.barrier barrier_id(%barrier3A_256)
      %mul3A_257 = arith.constant 4 : i32
      %mul3A_258 = arith.muli %arg1, %mul3A_257 : i32
      %mul3A_259 = arith.constant 64 : i32
      %mul3A_260 = arith.muli %add3A_242, %mul3A_259 : i32
      %add3A_261 = arith.addi %mul3A_2, %mul3A_260 : i32
      %add3A_262 = arith.addi %add3A_261, %mul3A_258 : i32
      "tpu.region"() ({
        %run_scoped3A = tpu.sem_alloc : memref<!tpu.dma_semaphore, #tpu.memory_space<semaphore_mem>>
        %dma_start3A_292 = arith.constant 0 : i32
        %dma_start3A_293 = tpu.memref_slice %arg5[%add3A_262, %dma_start3A_292] : memref<2560x128xf32, #tpu.memory_space<hbm>> -> memref<4x128xf32, #tpu.memory_space<hbm>>
        %dma_start3A_294 = arith.constant 0 : i32
        %dma_start3A_295 = tpu.memref_slice %arg6[%mul3A_258, %dma_start3A_294] : memref<64x128xf32, #tpu.memory_space<vmem_shared>> -> memref<4x128xf32, #tpu.memory_space<vmem_shared>>
        tpu.enqueue_dma source(%dma_start3A_295 : memref<4x128xf32, #tpu.memory_space<vmem_shared>>) target(%dma_start3A_293 : memref<4x128xf32, #tpu.memory_space<hbm>>) target_semaphore(%run_scoped3A : memref<!tpu.dma_semaphore, #tpu.memory_space<semaphore_mem>>)
        %dma_wait3A_296 = arith.constant 0 : i32
        %dma_wait3A_297 = tpu.memref_slice %arg5[%add3A_262, %dma_wait3A_296] : memref<2560x128xf32, #tpu.memory_space<hbm>> -> memref<4x128xf32, #tpu.memory_space<hbm>>
        %dma_wait3A_298 = arith.constant 0 : i32
        %dma_wait3A_299 = tpu.memref_slice %arg6[%mul3A_258, %dma_wait3A_298] : memref<64x128xf32, #tpu.memory_space<vmem_shared>> -> memref<4x128xf32, #tpu.memory_space<vmem_shared>>
        tpu.wait_dma2 semaphore(%run_scoped3A : memref<!tpu.dma_semaphore, #tpu.memory_space<semaphore_mem>>) src(%dma_wait3A_299 : memref<4x128xf32, #tpu.memory_space<vmem_shared>>) dst(%dma_wait3A_297 : memref<4x128xf32, #tpu.memory_space<hbm>>)
        tpu.yield
      }) : () -> ()
      "tpu.region"() ({
        %run_scoped3A = tpu.sem_alloc : memref<!tpu.dma_semaphore, #tpu.memory_space<semaphore_mem>>
        %dma_start3A_292 = arith.constant 0 : i32
        %dma_start3A_293 = tpu.memref_slice %arg6[%mul3A_258, %dma_start3A_292] : memref<64x128xf32, #tpu.memory_space<vmem_shared>> -> memref<4x128xf32, #tpu.memory_space<vmem_shared>>
        %dma_start3A_294 = arith.constant 0 : i32
        %dma_start3A_295 = tpu.memref_slice %arg6[%mul3A_258, %dma_start3A_294] : memref<64x128xf32, #tpu.memory_space<vmem_shared>> -> memref<4x128xf32, #tpu.memory_space<vmem_shared>>
        tpu.enqueue_dma source(%arg13 : memref<4x128xf32, #tpu.memory_space<vmem>>) target(%dma_start3A_295 : memref<4x128xf32, #tpu.memory_space<vmem_shared>>) target_semaphore(%run_scoped3A : memref<!tpu.dma_semaphore, #tpu.memory_space<semaphore_mem>>)
        %dma_wait3A_296 = arith.constant 0 : i32
        %dma_wait3A_297 = tpu.memref_slice %arg6[%mul3A_258, %dma_wait3A_296] : memref<64x128xf32, #tpu.memory_space<vmem_shared>> -> memref<4x128xf32, #tpu.memory_space<vmem_shared>>
        %dma_wait3A_298 = arith.constant 0 : i32
        %dma_wait3A_299 = tpu.memref_slice %arg6[%mul3A_258, %dma_wait3A_298] : memref<64x128xf32, #tpu.memory_space<vmem_shared>> -> memref<4x128xf32, #tpu.memory_space<vmem_shared>>
        tpu.wait_dma2 semaphore(%run_scoped3A : memref<!tpu.dma_semaphore, #tpu.memory_space<semaphore_mem>>) src(%arg13 : memref<4x128xf32, #tpu.memory_space<vmem>>) dst(%dma_wait3A_299 : memref<4x128xf32, #tpu.memory_space<vmem_shared>>)
        tpu.yield
      }) : () -> ()
      %mul3A_263 = arith.constant 2 : i32
      %mul3A_264 = arith.muli %scan3A_238, %mul3A_263 : i32
      %add3A_265 = arith.constant 1 : i32
      %add3A_266 = arith.addi %mul3A_264, %add3A_265 : i32
      %add3A_267 = arith.constant 1 : i32
      %add3A_268 = arith.addi %add3A_266, %add3A_267 : i32
      %lt3A_269 = arith.constant 20 : i32
      %lt3A_270 = arith.cmpi slt, %add3A_268, %lt3A_269 : i32
      %convert_element_type3A_271 = arith.extui %lt3A_270 : i1 to i32
      %cond3A_272 = arith.constant 0 : i32
      %cond3A_273 = arith.cmpi ne, %convert_element_type3A_271, %cond3A_272 : i32
      scf.if %cond3A_273 {
        %add3A_292 = arith.constant 1 : i32
        %add3A_293 = arith.addi %add3A_266, %add3A_292 : i32
        %mul3A_294 = arith.constant 8192 : i32
        %mul3A_295 = arith.muli %add3A_293, %mul3A_294 : i32
        %add3A_296 = arith.addi %mul3A_0, %mul3A_295 : i32
        %dma_start3A_297 = tpu.memref_slice %arg3[%add3A_296] : memref<327680xi32, #tpu.memory_space<hbm>> -> memref<8192xi32, #tpu.memory_space<hbm>>
        %dma_start3A_298 = tpu.memref_slice %arg3[%add3A_296] : memref<327680xi32, #tpu.memory_space<hbm>> -> memref<8192xi32, #tpu.memory_space<hbm>>
        tpu.enqueue_dma source(%dma_start3A_298 : memref<8192xi32, #tpu.memory_space<hbm>>) target(%arg8 : memref<8192xi32, #tpu.memory_space<vmem>>) target_semaphore(%arg15 : memref<!tpu.dma_semaphore, #tpu.memory_space<semaphore_mem>>)
        %dma_start3A_299 = tpu.memref_slice %arg4[%add3A_296] : memref<327680xi32, #tpu.memory_space<hbm>> -> memref<8192xi32, #tpu.memory_space<hbm>>
        %dma_start3A_300 = tpu.memref_slice %arg4[%add3A_296] : memref<327680xi32, #tpu.memory_space<hbm>> -> memref<8192xi32, #tpu.memory_space<hbm>>
        tpu.enqueue_dma source(%dma_start3A_300 : memref<8192xi32, #tpu.memory_space<hbm>>) target(%arg10 : memref<8192xi32, #tpu.memory_space<vmem>>) target_semaphore(%arg17 : memref<!tpu.dma_semaphore, #tpu.memory_space<semaphore_mem>>)
      } else {
      }
      %dma_wait3A_274 = tpu.memref_slice %arg3[%mul3A_0] : memref<327680xi32, #tpu.memory_space<hbm>> -> memref<8192xi32, #tpu.memory_space<hbm>>
      %dma_wait3A_275 = tpu.memref_slice %arg3[%mul3A_0] : memref<327680xi32, #tpu.memory_space<hbm>> -> memref<8192xi32, #tpu.memory_space<hbm>>
      tpu.wait_dma2 semaphore(%arg16 : memref<!tpu.dma_semaphore, #tpu.memory_space<semaphore_mem>>) src(%dma_wait3A_275 : memref<8192xi32, #tpu.memory_space<hbm>>) dst(%arg9 : memref<8192xi32, #tpu.memory_space<vmem>>)
      %dma_wait3A_276 = tpu.memref_slice %arg4[%mul3A_0] : memref<327680xi32, #tpu.memory_space<hbm>> -> memref<8192xi32, #tpu.memory_space<hbm>>
      %dma_wait3A_277 = tpu.memref_slice %arg4[%mul3A_0] : memref<327680xi32, #tpu.memory_space<hbm>> -> memref<8192xi32, #tpu.memory_space<hbm>>
      tpu.wait_dma2 semaphore(%arg18 : memref<!tpu.dma_semaphore, #tpu.memory_space<semaphore_mem>>) src(%dma_wait3A_277 : memref<8192xi32, #tpu.memory_space<hbm>>) dst(%arg11 : memref<8192xi32, #tpu.memory_space<vmem>>)
      %scan3A_278 = arith.constant 0 : i32
      %scan3A_279 = arith.constant 0 : i32
      %scan3A_280 = arith.constant 64 : i32
      %scan3A_281 = arith.addi %scan3A_279, %scan3A_280 : i32
      %scan3A_282 = arith.constant 1 : i32
      scf.for %scan3A_292 = %scan3A_279 to %scan3A_281 step %scan3A_282  : i32 {
        %mul3A_293 = arith.constant 128 : i32
        %mul3A_294 = arith.muli %scan3A_292, %mul3A_293 : i32
        %add3A_295 = arith.constant 0 : i32
        %add3A_296 = arith.addi %mul3A_294, %add3A_295 : i32
        %get3A = arith.index_cast %add3A_296 : i32 to index
        %get3A_297 = tpu.vector_load %arg9[%get3A] {strides = array<i32>} : memref<8192xi32, #tpu.memory_space<vmem>>, vector<16xi32>,
        %get3A_298 = arith.index_cast %add3A_296 : i32 to index
        %get3A_299 = tpu.vector_load %arg11[%get3A_298] {strides = array<i32>} : memref<8192xi32, #tpu.memory_space<vmem>>, vector<16xi32>,
        %add3A_300 = arith.constant 0 : i32
        %add3A_301 = vector.broadcast %add3A_300 : i32 to vector<16xi32>
        %add3A_302 = arith.addi %get3A_297, %add3A_301 : vector<16xi32>
        %gather3A = tpu.vector_load_idx %arg7[%add3A_302] : memref<40000xi32, #tpu.memory_space<vmem>>[vector<16xi32>], vector<16xi32>,
        %add3A_303 = arith.constant 0 : i32
        %add3A_304 = vector.broadcast %add3A_303 : i32 to vector<16xi32>
        %add3A_305 = arith.addi %get3A_299, %add3A_304 : vector<16xi32>
        %gather3A_306 = tpu.vector_load_idx %arg7[%add3A_305] : memref<40000xi32, #tpu.memory_space<vmem>>[vector<16xi32>], vector<16xi32>,
        %bitcast3A = vector.bitcast %gather3A : vector<16xi32> to vector<32xbf16>
        %unpack3A = tpu.unpack_subelements %bitcast3A, 0 {pack_format = #tpu.pack_format<interleaved>} : vector<32xbf16> -> vector<16xf32>
        %unpack3A_307 = tpu.unpack_subelements %bitcast3A, 1 {pack_format = #tpu.pack_format<interleaved>} : vector<32xbf16> -> vector<16xf32>
        %bitcast3A_308 = vector.bitcast %gather3A_306 : vector<16xi32> to vector<32xbf16>
        %unpack3A_309 = tpu.unpack_subelements %bitcast3A_308, 0 {pack_format = #tpu.pack_format<interleaved>} : vector<32xbf16> -> vector<16xf32>
        %unpack3A_310 = tpu.unpack_subelements %bitcast3A_308, 1 {pack_format = #tpu.pack_format<interleaved>} : vector<32xbf16> -> vector<16xf32>
        %mul3A_311 = arith.mulf %unpack3A, %unpack3A_309 : vector<16xf32>
        %mul3A_312 = arith.mulf %unpack3A_307, %unpack3A_310 : vector<16xf32>
        %add3A_313 = arith.addf %mul3A_311, %mul3A_312 : vector<16xf32>
        %add3A_314 = arith.constant 10000 : i32
        %add3A_315 = vector.broadcast %add3A_314 : i32 to vector<16xi32>
        %add3A_316 = arith.addi %get3A_297, %add3A_315 : vector<16xi32>
        %gather3A_317 = tpu.vector_load_idx %arg7[%add3A_316] : memref<40000xi32, #tpu.memory_space<vmem>>[vector<16xi32>], vector<16xi32>,
        %add3A_318 = arith.constant 10000 : i32
        %add3A_319 = vector.broadcast %add3A_318 : i32 to vector<16xi32>
        %add3A_320 = arith.addi %get3A_299, %add3A_319 : vector<16xi32>
        %gather3A_321 = tpu.vector_load_idx %arg7[%add3A_320] : memref<40000xi32, #tpu.memory_space<vmem>>[vector<16xi32>], vector<16xi32>,
        %bitcast3A_322 = vector.bitcast %gather3A_317 : vector<16xi32> to vector<32xbf16>
        %unpack3A_323 = tpu.unpack_subelements %bitcast3A_322, 0 {pack_format = #tpu.pack_format<interleaved>} : vector<32xbf16> -> vector<16xf32>
        %unpack3A_324 = tpu.unpack_subelements %bitcast3A_322, 1 {pack_format = #tpu.pack_format<interleaved>} : vector<32xbf16> -> vector<16xf32>
        %bitcast3A_325 = vector.bitcast %gather3A_321 : vector<16xi32> to vector<32xbf16>
        %unpack3A_326 = tpu.unpack_subelements %bitcast3A_325, 0 {pack_format = #tpu.pack_format<interleaved>} : vector<32xbf16> -> vector<16xf32>
        %unpack3A_327 = tpu.unpack_subelements %bitcast3A_325, 1 {pack_format = #tpu.pack_format<interleaved>} : vector<32xbf16> -> vector<16xf32>
        %mul3A_328 = arith.mulf %unpack3A_323, %unpack3A_326 : vector<16xf32>
        %mul3A_329 = arith.mulf %unpack3A_324, %unpack3A_327 : vector<16xf32>
        %add3A_330 = arith.addf %mul3A_328, %mul3A_329 : vector<16xf32>
        %add3A_331 = arith.addf %add3A_313, %add3A_330 : vector<16xf32>
        %add3A_332 = arith.constant 20000 : i32
        %add3A_333 = vector.broadcast %add3A_332 : i32 to vector<16xi32>
        %add3A_334 = arith.addi %get3A_297, %add3A_333 : vector<16xi32>
        %gather3A_335 = tpu.vector_load_idx %arg7[%add3A_334] : memref<40000xi32, #tpu.memory_space<vmem>>[vector<16xi32>], vector<16xi32>,
        %add3A_336 = arith.constant 20000 : i32
        %add3A_337 = vector.broadcast %add3A_336 : i32 to vector<16xi32>
        %add3A_338 = arith.addi %get3A_299, %add3A_337 : vector<16xi32>
        %gather3A_339 = tpu.vector_load_idx %arg7[%add3A_338] : memref<40000xi32, #tpu.memory_space<vmem>>[vector<16xi32>], vector<16xi32>,
        %bitcast3A_340 = vector.bitcast %gather3A_335 : vector<16xi32> to vector<32xbf16>
        %unpack3A_341 = tpu.unpack_subelements %bitcast3A_340, 0 {pack_format = #tpu.pack_format<interleaved>} : vector<32xbf16> -> vector<16xf32>
        %unpack3A_342 = tpu.unpack_subelements %bitcast3A_340, 1 {pack_format = #tpu.pack_format<interleaved>} : vector<32xbf16> -> vector<16xf32>
        %bitcast3A_343 = vector.bitcast %gather3A_339 : vector<16xi32> to vector<32xbf16>
        %unpack3A_344 = tpu.unpack_subelements %bitcast3A_343, 0 {pack_format = #tpu.pack_format<interleaved>} : vector<32xbf16> -> vector<16xf32>
        %unpack3A_345 = tpu.unpack_subelements %bitcast3A_343, 1 {pack_format = #tpu.pack_format<interleaved>} : vector<32xbf16> -> vector<16xf32>
        %mul3A_346 = arith.mulf %unpack3A_341, %unpack3A_344 : vector<16xf32>
        %mul3A_347 = arith.mulf %unpack3A_342, %unpack3A_345 : vector<16xf32>
        %add3A_348 = arith.addf %mul3A_346, %mul3A_347 : vector<16xf32>
        %add3A_349 = arith.addf %add3A_331, %add3A_348 : vector<16xf32>
        %add3A_350 = arith.constant 30000 : i32
        %add3A_351 = vector.broadcast %add3A_350 : i32 to vector<16xi32>
        %add3A_352 = arith.addi %get3A_297, %add3A_351 : vector<16xi32>
        %gather3A_353 = tpu.vector_load_idx %arg7[%add3A_352] : memref<40000xi32, #tpu.memory_space<vmem>>[vector<16xi32>], vector<16xi32>,
        %add3A_354 = arith.constant 30000 : i32
        %add3A_355 = vector.broadcast %add3A_354 : i32 to vector<16xi32>
        %add3A_356 = arith.addi %get3A_299, %add3A_355 : vector<16xi32>
        %gather3A_357 = tpu.vector_load_idx %arg7[%add3A_356] : memref<40000xi32, #tpu.memory_space<vmem>>[vector<16xi32>], vector<16xi32>,
        %bitcast3A_358 = vector.bitcast %gather3A_353 : vector<16xi32> to vector<32xbf16>
        %unpack3A_359 = tpu.unpack_subelements %bitcast3A_358, 0 {pack_format = #tpu.pack_format<interleaved>} : vector<32xbf16> -> vector<16xf32>
        %unpack3A_360 = tpu.unpack_subelements %bitcast3A_358, 1 {pack_format = #tpu.pack_format<interleaved>} : vector<32xbf16> -> vector<16xf32>
        %bitcast3A_361 = vector.bitcast %gather3A_357 : vector<16xi32> to vector<32xbf16>
        %unpack3A_362 = tpu.unpack_subelements %bitcast3A_361, 0 {pack_format = #tpu.pack_format<interleaved>} : vector<32xbf16> -> vector<16xf32>
        %unpack3A_363 = tpu.unpack_subelements %bitcast3A_361, 1 {pack_format = #tpu.pack_format<interleaved>} : vector<32xbf16> -> vector<16xf32>
        %mul3A_364 = arith.mulf %unpack3A_359, %unpack3A_362 : vector<16xf32>
        %mul3A_365 = arith.mulf %unpack3A_360, %unpack3A_363 : vector<16xf32>
        %add3A_366 = arith.addf %mul3A_364, %mul3A_365 : vector<16xf32>
        %add3A_367 = arith.addf %add3A_349, %add3A_366 : vector<16xf32>
        %swap3A_368 = arith.index_cast %scan3A_292 : i32 to index
        %swap3A_369 = arith.constant 0 : index
        %swap3A_370 = tpu.vector_load %arg12[%swap3A_368, %swap3A_369] {strides = array<i32>} : memref<64x128xf32, #tpu.memory_space<vmem>>, vector<16xf32>,
        tpu.vector_store %arg12[%swap3A_368, %swap3A_369], %add3A_367 {strides = array<i32>} : memref<64x128xf32, #tpu.memory_space<vmem>>, vector<16xf32>,
        %mul3A_371 = arith.constant 128 : i32
        %mul3A_372 = arith.muli %scan3A_292, %mul3A_371 : i32
        %add3A_373 = arith.constant 16 : i32
        %add3A_374 = arith.addi %mul3A_372, %add3A_373 : i32
        %get3A_375 = arith.index_cast %add3A_374 : i32 to index
        %get3A_376 = tpu.vector_load %arg9[%get3A_375] {strides = array<i32>} : memref<8192xi32, #tpu.memory_space<vmem>>, vector<16xi32>,
        %get3A_377 = arith.index_cast %add3A_374 : i32 to index
        %get3A_378 = tpu.vector_load %arg11[%get3A_377] {strides = array<i32>} : memref<8192xi32, #tpu.memory_space<vmem>>, vector<16xi32>,
        %add3A_379 = arith.constant 0 : i32
        %add3A_380 = vector.broadcast %add3A_379 : i32 to vector<16xi32>
        %add3A_381 = arith.addi %get3A_376, %add3A_380 : vector<16xi32>
        %gather3A_382 = tpu.vector_load_idx %arg7[%add3A_381] : memref<40000xi32, #tpu.memory_space<vmem>>[vector<16xi32>], vector<16xi32>,
        %add3A_383 = arith.constant 0 : i32
        %add3A_384 = vector.broadcast %add3A_383 : i32 to vector<16xi32>
        %add3A_385 = arith.addi %get3A_378, %add3A_384 : vector<16xi32>
        %gather3A_386 = tpu.vector_load_idx %arg7[%add3A_385] : memref<40000xi32, #tpu.memory_space<vmem>>[vector<16xi32>], vector<16xi32>,
        %bitcast3A_387 = vector.bitcast %gather3A_382 : vector<16xi32> to vector<32xbf16>
        %unpack3A_388 = tpu.unpack_subelements %bitcast3A_387, 0 {pack_format = #tpu.pack_format<interleaved>} : vector<32xbf16> -> vector<16xf32>
        %unpack3A_389 = tpu.unpack_subelements %bitcast3A_387, 1 {pack_format = #tpu.pack_format<interleaved>} : vector<32xbf16> -> vector<16xf32>
        %bitcast3A_390 = vector.bitcast %gather3A_386 : vector<16xi32> to vector<32xbf16>
        %unpack3A_391 = tpu.unpack_subelements %bitcast3A_390, 0 {pack_format = #tpu.pack_format<interleaved>} : vector<32xbf16> -> vector<16xf32>
        %unpack3A_392 = tpu.unpack_subelements %bitcast3A_390, 1 {pack_format = #tpu.pack_format<interleaved>} : vector<32xbf16> -> vector<16xf32>
        %mul3A_393 = arith.mulf %unpack3A_388, %unpack3A_391 : vector<16xf32>
        %mul3A_394 = arith.mulf %unpack3A_389, %unpack3A_392 : vector<16xf32>
        %add3A_395 = arith.addf %mul3A_393, %mul3A_394 : vector<16xf32>
        %add3A_396 = arith.constant 10000 : i32
        %add3A_397 = vector.broadcast %add3A_396 : i32 to vector<16xi32>
        %add3A_398 = arith.addi %get3A_376, %add3A_397 : vector<16xi32>
        %gather3A_399 = tpu.vector_load_idx %arg7[%add3A_398] : memref<40000xi32, #tpu.memory_space<vmem>>[vector<16xi32>], vector<16xi32>,
        %add3A_400 = arith.constant 10000 : i32
        %add3A_401 = vector.broadcast %add3A_400 : i32 to vector<16xi32>
        %add3A_402 = arith.addi %get3A_378, %add3A_401 : vector<16xi32>
        %gather3A_403 = tpu.vector_load_idx %arg7[%add3A_402] : memref<40000xi32, #tpu.memory_space<vmem>>[vector<16xi32>], vector<16xi32>,
        %bitcast3A_404 = vector.bitcast %gather3A_399 : vector<16xi32> to vector<32xbf16>
        %unpack3A_405 = tpu.unpack_subelements %bitcast3A_404, 0 {pack_format = #tpu.pack_format<interleaved>} : vector<32xbf16> -> vector<16xf32>
        %unpack3A_406 = tpu.unpack_subelements %bitcast3A_404, 1 {pack_format = #tpu.pack_format<interleaved>} : vector<32xbf16> -> vector<16xf32>
        %bitcast3A_407 = vector.bitcast %gather3A_403 : vector<16xi32> to vector<32xbf16>
        %unpack3A_408 = tpu.unpack_subelements %bitcast3A_407, 0 {pack_format = #tpu.pack_format<interleaved>} : vector<32xbf16> -> vector<16xf32>
        %unpack3A_409 = tpu.unpack_subelements %bitcast3A_407, 1 {pack_format = #tpu.pack_format<interleaved>} : vector<32xbf16> -> vector<16xf32>
        %mul3A_410 = arith.mulf %unpack3A_405, %unpack3A_408 : vector<16xf32>
        %mul3A_411 = arith.mulf %unpack3A_406, %unpack3A_409 : vector<16xf32>
        %add3A_412 = arith.addf %mul3A_410, %mul3A_411 : vector<16xf32>
        %add3A_413 = arith.addf %add3A_395, %add3A_412 : vector<16xf32>
        %add3A_414 = arith.constant 20000 : i32
        %add3A_415 = vector.broadcast %add3A_414 : i32 to vector<16xi32>
        %add3A_416 = arith.addi %get3A_376, %add3A_415 : vector<16xi32>
        %gather3A_417 = tpu.vector_load_idx %arg7[%add3A_416] : memref<40000xi32, #tpu.memory_space<vmem>>[vector<16xi32>], vector<16xi32>,
        %add3A_418 = arith.constant 20000 : i32
        %add3A_419 = vector.broadcast %add3A_418 : i32 to vector<16xi32>
        %add3A_420 = arith.addi %get3A_378, %add3A_419 : vector<16xi32>
        %gather3A_421 = tpu.vector_load_idx %arg7[%add3A_420] : memref<40000xi32, #tpu.memory_space<vmem>>[vector<16xi32>], vector<16xi32>,
        %bitcast3A_422 = vector.bitcast %gather3A_417 : vector<16xi32> to vector<32xbf16>
        %unpack3A_423 = tpu.unpack_subelements %bitcast3A_422, 0 {pack_format = #tpu.pack_format<interleaved>} : vector<32xbf16> -> vector<16xf32>
        %unpack3A_424 = tpu.unpack_subelements %bitcast3A_422, 1 {pack_format = #tpu.pack_format<interleaved>} : vector<32xbf16> -> vector<16xf32>
        %bitcast3A_425 = vector.bitcast %gather3A_421 : vector<16xi32> to vector<32xbf16>
        %unpack3A_426 = tpu.unpack_subelements %bitcast3A_425, 0 {pack_format = #tpu.pack_format<interleaved>} : vector<32xbf16> -> vector<16xf32>
        %unpack3A_427 = tpu.unpack_subelements %bitcast3A_425, 1 {pack_format = #tpu.pack_format<interleaved>} : vector<32xbf16> -> vector<16xf32>
        %mul3A_428 = arith.mulf %unpack3A_423, %unpack3A_426 : vector<16xf32>
        %mul3A_429 = arith.mulf %unpack3A_424, %unpack3A_427 : vector<16xf32>
        %add3A_430 = arith.addf %mul3A_428, %mul3A_429 : vector<16xf32>
        %add3A_431 = arith.addf %add3A_413, %add3A_430 : vector<16xf32>
        %add3A_432 = arith.constant 30000 : i32
        %add3A_433 = vector.broadcast %add3A_432 : i32 to vector<16xi32>
        %add3A_434 = arith.addi %get3A_376, %add3A_433 : vector<16xi32>
        %gather3A_435 = tpu.vector_load_idx %arg7[%add3A_434] : memref<40000xi32, #tpu.memory_space<vmem>>[vector<16xi32>], vector<16xi32>,
        %add3A_436 = arith.constant 30000 : i32
        %add3A_437 = vector.broadcast %add3A_436 : i32 to vector<16xi32>
        %add3A_438 = arith.addi %get3A_378, %add3A_437 : vector<16xi32>
        %gather3A_439 = tpu.vector_load_idx %arg7[%add3A_438] : memref<40000xi32, #tpu.memory_space<vmem>>[vector<16xi32>], vector<16xi32>,
        %bitcast3A_440 = vector.bitcast %gather3A_435 : vector<16xi32> to vector<32xbf16>
        %unpack3A_441 = tpu.unpack_subelements %bitcast3A_440, 0 {pack_format = #tpu.pack_format<interleaved>} : vector<32xbf16> -> vector<16xf32>
        %unpack3A_442 = tpu.unpack_subelements %bitcast3A_440, 1 {pack_format = #tpu.pack_format<interleaved>} : vector<32xbf16> -> vector<16xf32>
        %bitcast3A_443 = vector.bitcast %gather3A_439 : vector<16xi32> to vector<32xbf16>
        %unpack3A_444 = tpu.unpack_subelements %bitcast3A_443, 0 {pack_format = #tpu.pack_format<interleaved>} : vector<32xbf16> -> vector<16xf32>
        %unpack3A_445 = tpu.unpack_subelements %bitcast3A_443, 1 {pack_format = #tpu.pack_format<interleaved>} : vector<32xbf16> -> vector<16xf32>
        %mul3A_446 = arith.mulf %unpack3A_441, %unpack3A_444 : vector<16xf32>
        %mul3A_447 = arith.mulf %unpack3A_442, %unpack3A_445 : vector<16xf32>
        %add3A_448 = arith.addf %mul3A_446, %mul3A_447 : vector<16xf32>
        %add3A_449 = arith.addf %add3A_431, %add3A_448 : vector<16xf32>
        %swap3A_450 = arith.index_cast %scan3A_292 : i32 to index
        %swap3A_451 = arith.constant 16 : index
        %swap3A_452 = tpu.vector_load %arg12[%swap3A_450, %swap3A_451] {strides = array<i32>} : memref<64x128xf32, #tpu.memory_space<vmem>>, vector<16xf32>,
        tpu.vector_store %arg12[%swap3A_450, %swap3A_451], %add3A_449 {strides = array<i32>} : memref<64x128xf32, #tpu.memory_space<vmem>>, vector<16xf32>,
        %mul3A_453 = arith.constant 128 : i32
        %mul3A_454 = arith.muli %scan3A_292, %mul3A_453 : i32
        %add3A_455 = arith.constant 32 : i32
        %add3A_456 = arith.addi %mul3A_454, %add3A_455 : i32
        %get3A_457 = arith.index_cast %add3A_456 : i32 to index
        %get3A_458 = tpu.vector_load %arg9[%get3A_457] {strides = array<i32>} : memref<8192xi32, #tpu.memory_space<vmem>>, vector<16xi32>,
        %get3A_459 = arith.index_cast %add3A_456 : i32 to index
        %get3A_460 = tpu.vector_load %arg11[%get3A_459] {strides = array<i32>} : memref<8192xi32, #tpu.memory_space<vmem>>, vector<16xi32>,
        %add3A_461 = arith.constant 0 : i32
        %add3A_462 = vector.broadcast %add3A_461 : i32 to vector<16xi32>
        %add3A_463 = arith.addi %get3A_458, %add3A_462 : vector<16xi32>
        %gather3A_464 = tpu.vector_load_idx %arg7[%add3A_463] : memref<40000xi32, #tpu.memory_space<vmem>>[vector<16xi32>], vector<16xi32>,
        %add3A_465 = arith.constant 0 : i32
        %add3A_466 = vector.broadcast %add3A_465 : i32 to vector<16xi32>
        %add3A_467 = arith.addi %get3A_460, %add3A_466 : vector<16xi32>
        %gather3A_468 = tpu.vector_load_idx %arg7[%add3A_467] : memref<40000xi32, #tpu.memory_space<vmem>>[vector<16xi32>], vector<16xi32>,
        %bitcast3A_469 = vector.bitcast %gather3A_464 : vector<16xi32> to vector<32xbf16>
        %unpack3A_470 = tpu.unpack_subelements %bitcast3A_469, 0 {pack_format = #tpu.pack_format<interleaved>} : vector<32xbf16> -> vector<16xf32>
        %unpack3A_471 = tpu.unpack_subelements %bitcast3A_469, 1 {pack_format = #tpu.pack_format<interleaved>} : vector<32xbf16> -> vector<16xf32>
        %bitcast3A_472 = vector.bitcast %gather3A_468 : vector<16xi32> to vector<32xbf16>
        %unpack3A_473 = tpu.unpack_subelements %bitcast3A_472, 0 {pack_format = #tpu.pack_format<interleaved>} : vector<32xbf16> -> vector<16xf32>
        %unpack3A_474 = tpu.unpack_subelements %bitcast3A_472, 1 {pack_format = #tpu.pack_format<interleaved>} : vector<32xbf16> -> vector<16xf32>
        %mul3A_475 = arith.mulf %unpack3A_470, %unpack3A_473 : vector<16xf32>
        %mul3A_476 = arith.mulf %unpack3A_471, %unpack3A_474 : vector<16xf32>
        %add3A_477 = arith.addf %mul3A_475, %mul3A_476 : vector<16xf32>
        %add3A_478 = arith.constant 10000 : i32
        %add3A_479 = vector.broadcast %add3A_478 : i32 to vector<16xi32>
        %add3A_480 = arith.addi %get3A_458, %add3A_479 : vector<16xi32>
        %gather3A_481 = tpu.vector_load_idx %arg7[%add3A_480] : memref<40000xi32, #tpu.memory_space<vmem>>[vector<16xi32>], vector<16xi32>,
        %add3A_482 = arith.constant 10000 : i32
        %add3A_483 = vector.broadcast %add3A_482 : i32 to vector<16xi32>
        %add3A_484 = arith.addi %get3A_460, %add3A_483 : vector<16xi32>
        %gather3A_485 = tpu.vector_load_idx %arg7[%add3A_484] : memref<40000xi32, #tpu.memory_space<vmem>>[vector<16xi32>], vector<16xi32>,
        %bitcast3A_486 = vector.bitcast %gather3A_481 : vector<16xi32> to vector<32xbf16>
        %unpack3A_487 = tpu.unpack_subelements %bitcast3A_486, 0 {pack_format = #tpu.pack_format<interleaved>} : vector<32xbf16> -> vector<16xf32>
        %unpack3A_488 = tpu.unpack_subelements %bitcast3A_486, 1 {pack_format = #tpu.pack_format<interleaved>} : vector<32xbf16> -> vector<16xf32>
        %bitcast3A_489 = vector.bitcast %gather3A_485 : vector<16xi32> to vector<32xbf16>
        %unpack3A_490 = tpu.unpack_subelements %bitcast3A_489, 0 {pack_format = #tpu.pack_format<interleaved>} : vector<32xbf16> -> vector<16xf32>
        %unpack3A_491 = tpu.unpack_subelements %bitcast3A_489, 1 {pack_format = #tpu.pack_format<interleaved>} : vector<32xbf16> -> vector<16xf32>
        %mul3A_492 = arith.mulf %unpack3A_487, %unpack3A_490 : vector<16xf32>
        %mul3A_493 = arith.mulf %unpack3A_488, %unpack3A_491 : vector<16xf32>
        %add3A_494 = arith.addf %mul3A_492, %mul3A_493 : vector<16xf32>
        %add3A_495 = arith.addf %add3A_477, %add3A_494 : vector<16xf32>
        %add3A_496 = arith.constant 20000 : i32
        %add3A_497 = vector.broadcast %add3A_496 : i32 to vector<16xi32>
        %add3A_498 = arith.addi %get3A_458, %add3A_497 : vector<16xi32>
        %gather3A_499 = tpu.vector_load_idx %arg7[%add3A_498] : memref<40000xi32, #tpu.memory_space<vmem>>[vector<16xi32>], vector<16xi32>,
        %add3A_500 = arith.constant 20000 : i32
        %add3A_501 = vector.broadcast %add3A_500 : i32 to vector<16xi32>
        %add3A_502 = arith.addi %get3A_460, %add3A_501 : vector<16xi32>
        %gather3A_503 = tpu.vector_load_idx %arg7[%add3A_502] : memref<40000xi32, #tpu.memory_space<vmem>>[vector<16xi32>], vector<16xi32>,
        %bitcast3A_504 = vector.bitcast %gather3A_499 : vector<16xi32> to vector<32xbf16>
        %unpack3A_505 = tpu.unpack_subelements %bitcast3A_504, 0 {pack_format = #tpu.pack_format<interleaved>} : vector<32xbf16> -> vector<16xf32>
        %unpack3A_506 = tpu.unpack_subelements %bitcast3A_504, 1 {pack_format = #tpu.pack_format<interleaved>} : vector<32xbf16> -> vector<16xf32>
        %bitcast3A_507 = vector.bitcast %gather3A_503 : vector<16xi32> to vector<32xbf16>
        %unpack3A_508 = tpu.unpack_subelements %bitcast3A_507, 0 {pack_format = #tpu.pack_format<interleaved>} : vector<32xbf16> -> vector<16xf32>
        %unpack3A_509 = tpu.unpack_subelements %bitcast3A_507, 1 {pack_format = #tpu.pack_format<interleaved>} : vector<32xbf16> -> vector<16xf32>
        %mul3A_510 = arith.mulf %unpack3A_505, %unpack3A_508 : vector<16xf32>
        %mul3A_511 = arith.mulf %unpack3A_506, %unpack3A_509 : vector<16xf32>
        %add3A_512 = arith.addf %mul3A_510, %mul3A_511 : vector<16xf32>
        %add3A_513 = arith.addf %add3A_495, %add3A_512 : vector<16xf32>
        %add3A_514 = arith.constant 30000 : i32
        %add3A_515 = vector.broadcast %add3A_514 : i32 to vector<16xi32>
        %add3A_516 = arith.addi %get3A_458, %add3A_515 : vector<16xi32>
        %gather3A_517 = tpu.vector_load_idx %arg7[%add3A_516] : memref<40000xi32, #tpu.memory_space<vmem>>[vector<16xi32>], vector<16xi32>,
        %add3A_518 = arith.constant 30000 : i32
        %add3A_519 = vector.broadcast %add3A_518 : i32 to vector<16xi32>
        %add3A_520 = arith.addi %get3A_460, %add3A_519 : vector<16xi32>
        %gather3A_521 = tpu.vector_load_idx %arg7[%add3A_520] : memref<40000xi32, #tpu.memory_space<vmem>>[vector<16xi32>], vector<16xi32>,
        %bitcast3A_522 = vector.bitcast %gather3A_517 : vector<16xi32> to vector<32xbf16>
        %unpack3A_523 = tpu.unpack_subelements %bitcast3A_522, 0 {pack_format = #tpu.pack_format<interleaved>} : vector<32xbf16> -> vector<16xf32>
        %unpack3A_524 = tpu.unpack_subelements %bitcast3A_522, 1 {pack_format = #tpu.pack_format<interleaved>} : vector<32xbf16> -> vector<16xf32>
        %bitcast3A_525 = vector.bitcast %gather3A_521 : vector<16xi32> to vector<32xbf16>
        %unpack3A_526 = tpu.unpack_subelements %bitcast3A_525, 0 {pack_format = #tpu.pack_format<interleaved>} : vector<32xbf16> -> vector<16xf32>
        %unpack3A_527 = tpu.unpack_subelements %bitcast3A_525, 1 {pack_format = #tpu.pack_format<interleaved>} : vector<32xbf16> -> vector<16xf32>
        %mul3A_528 = arith.mulf %unpack3A_523, %unpack3A_526 : vector<16xf32>
        %mul3A_529 = arith.mulf %unpack3A_524, %unpack3A_527 : vector<16xf32>
        %add3A_530 = arith.addf %mul3A_528, %mul3A_529 : vector<16xf32>
        %add3A_531 = arith.addf %add3A_513, %add3A_530 : vector<16xf32>
        %swap3A_532 = arith.index_cast %scan3A_292 : i32 to index
        %swap3A_533 = arith.constant 32 : index
        %swap3A_534 = tpu.vector_load %arg12[%swap3A_532, %swap3A_533] {strides = array<i32>} : memref<64x128xf32, #tpu.memory_space<vmem>>, vector<16xf32>,
        tpu.vector_store %arg12[%swap3A_532, %swap3A_533], %add3A_531 {strides = array<i32>} : memref<64x128xf32, #tpu.memory_space<vmem>>, vector<16xf32>,
        %mul3A_535 = arith.constant 128 : i32
        %mul3A_536 = arith.muli %scan3A_292, %mul3A_535 : i32
        %add3A_537 = arith.constant 48 : i32
        %add3A_538 = arith.addi %mul3A_536, %add3A_537 : i32
        %get3A_539 = arith.index_cast %add3A_538 : i32 to index
        %get3A_540 = tpu.vector_load %arg9[%get3A_539] {strides = array<i32>} : memref<8192xi32, #tpu.memory_space<vmem>>, vector<16xi32>,
        %get3A_541 = arith.index_cast %add3A_538 : i32 to index
        %get3A_542 = tpu.vector_load %arg11[%get3A_541] {strides = array<i32>} : memref<8192xi32, #tpu.memory_space<vmem>>, vector<16xi32>,
        %add3A_543 = arith.constant 0 : i32
        %add3A_544 = vector.broadcast %add3A_543 : i32 to vector<16xi32>
        %add3A_545 = arith.addi %get3A_540, %add3A_544 : vector<16xi32>
        %gather3A_546 = tpu.vector_load_idx %arg7[%add3A_545] : memref<40000xi32, #tpu.memory_space<vmem>>[vector<16xi32>], vector<16xi32>,
        %add3A_547 = arith.constant 0 : i32
        %add3A_548 = vector.broadcast %add3A_547 : i32 to vector<16xi32>
        %add3A_549 = arith.addi %get3A_542, %add3A_548 : vector<16xi32>
        %gather3A_550 = tpu.vector_load_idx %arg7[%add3A_549] : memref<40000xi32, #tpu.memory_space<vmem>>[vector<16xi32>], vector<16xi32>,
        %bitcast3A_551 = vector.bitcast %gather3A_546 : vector<16xi32> to vector<32xbf16>
        %unpack3A_552 = tpu.unpack_subelements %bitcast3A_551, 0 {pack_format = #tpu.pack_format<interleaved>} : vector<32xbf16> -> vector<16xf32>
        %unpack3A_553 = tpu.unpack_subelements %bitcast3A_551, 1 {pack_format = #tpu.pack_format<interleaved>} : vector<32xbf16> -> vector<16xf32>
        %bitcast3A_554 = vector.bitcast %gather3A_550 : vector<16xi32> to vector<32xbf16>
        %unpack3A_555 = tpu.unpack_subelements %bitcast3A_554, 0 {pack_format = #tpu.pack_format<interleaved>} : vector<32xbf16> -> vector<16xf32>
        %unpack3A_556 = tpu.unpack_subelements %bitcast3A_554, 1 {pack_format = #tpu.pack_format<interleaved>} : vector<32xbf16> -> vector<16xf32>
        %mul3A_557 = arith.mulf %unpack3A_552, %unpack3A_555 : vector<16xf32>
        %mul3A_558 = arith.mulf %unpack3A_553, %unpack3A_556 : vector<16xf32>
        %add3A_559 = arith.addf %mul3A_557, %mul3A_558 : vector<16xf32>
        %add3A_560 = arith.constant 10000 : i32
        %add3A_561 = vector.broadcast %add3A_560 : i32 to vector<16xi32>
        %add3A_562 = arith.addi %get3A_540, %add3A_561 : vector<16xi32>
        %gather3A_563 = tpu.vector_load_idx %arg7[%add3A_562] : memref<40000xi32, #tpu.memory_space<vmem>>[vector<16xi32>], vector<16xi32>,
        %add3A_564 = arith.constant 10000 : i32
        %add3A_565 = vector.broadcast %add3A_564 : i32 to vector<16xi32>
        %add3A_566 = arith.addi %get3A_542, %add3A_565 : vector<16xi32>
        %gather3A_567 = tpu.vector_load_idx %arg7[%add3A_566] : memref<40000xi32, #tpu.memory_space<vmem>>[vector<16xi32>], vector<16xi32>,
        %bitcast3A_568 = vector.bitcast %gather3A_563 : vector<16xi32> to vector<32xbf16>
        %unpack3A_569 = tpu.unpack_subelements %bitcast3A_568, 0 {pack_format = #tpu.pack_format<interleaved>} : vector<32xbf16> -> vector<16xf32>
        %unpack3A_570 = tpu.unpack_subelements %bitcast3A_568, 1 {pack_format = #tpu.pack_format<interleaved>} : vector<32xbf16> -> vector<16xf32>
        %bitcast3A_571 = vector.bitcast %gather3A_567 : vector<16xi32> to vector<32xbf16>
        %unpack3A_572 = tpu.unpack_subelements %bitcast3A_571, 0 {pack_format = #tpu.pack_format<interleaved>} : vector<32xbf16> -> vector<16xf32>
        %unpack3A_573 = tpu.unpack_subelements %bitcast3A_571, 1 {pack_format = #tpu.pack_format<interleaved>} : vector<32xbf16> -> vector<16xf32>
        %mul3A_574 = arith.mulf %unpack3A_569, %unpack3A_572 : vector<16xf32>
        %mul3A_575 = arith.mulf %unpack3A_570, %unpack3A_573 : vector<16xf32>
        %add3A_576 = arith.addf %mul3A_574, %mul3A_575 : vector<16xf32>
        %add3A_577 = arith.addf %add3A_559, %add3A_576 : vector<16xf32>
        %add3A_578 = arith.constant 20000 : i32
        %add3A_579 = vector.broadcast %add3A_578 : i32 to vector<16xi32>
        %add3A_580 = arith.addi %get3A_540, %add3A_579 : vector<16xi32>
        %gather3A_581 = tpu.vector_load_idx %arg7[%add3A_580] : memref<40000xi32, #tpu.memory_space<vmem>>[vector<16xi32>], vector<16xi32>,
        %add3A_582 = arith.constant 20000 : i32
        %add3A_583 = vector.broadcast %add3A_582 : i32 to vector<16xi32>
        %add3A_584 = arith.addi %get3A_542, %add3A_583 : vector<16xi32>
        %gather3A_585 = tpu.vector_load_idx %arg7[%add3A_584] : memref<40000xi32, #tpu.memory_space<vmem>>[vector<16xi32>], vector<16xi32>,
        %bitcast3A_586 = vector.bitcast %gather3A_581 : vector<16xi32> to vector<32xbf16>
        %unpack3A_587 = tpu.unpack_subelements %bitcast3A_586, 0 {pack_format = #tpu.pack_format<interleaved>} : vector<32xbf16> -> vector<16xf32>
        %unpack3A_588 = tpu.unpack_subelements %bitcast3A_586, 1 {pack_format = #tpu.pack_format<interleaved>} : vector<32xbf16> -> vector<16xf32>
        %bitcast3A_589 = vector.bitcast %gather3A_585 : vector<16xi32> to vector<32xbf16>
        %unpack3A_590 = tpu.unpack_subelements %bitcast3A_589, 0 {pack_format = #tpu.pack_format<interleaved>} : vector<32xbf16> -> vector<16xf32>
        %unpack3A_591 = tpu.unpack_subelements %bitcast3A_589, 1 {pack_format = #tpu.pack_format<interleaved>} : vector<32xbf16> -> vector<16xf32>
        %mul3A_592 = arith.mulf %unpack3A_587, %unpack3A_590 : vector<16xf32>
        %mul3A_593 = arith.mulf %unpack3A_588, %unpack3A_591 : vector<16xf32>
        %add3A_594 = arith.addf %mul3A_592, %mul3A_593 : vector<16xf32>
        %add3A_595 = arith.addf %add3A_577, %add3A_594 : vector<16xf32>
        %add3A_596 = arith.constant 30000 : i32
        %add3A_597 = vector.broadcast %add3A_596 : i32 to vector<16xi32>
        %add3A_598 = arith.addi %get3A_540, %add3A_597 : vector<16xi32>
        %gather3A_599 = tpu.vector_load_idx %arg7[%add3A_598] : memref<40000xi32, #tpu.memory_space<vmem>>[vector<16xi32>], vector<16xi32>,
        %add3A_600 = arith.constant 30000 : i32
        %add3A_601 = vector.broadcast %add3A_600 : i32 to vector<16xi32>
        %add3A_602 = arith.addi %get3A_542, %add3A_601 : vector<16xi32>
        %gather3A_603 = tpu.vector_load_idx %arg7[%add3A_602] : memref<40000xi32, #tpu.memory_space<vmem>>[vector<16xi32>], vector<16xi32>,
        %bitcast3A_604 = vector.bitcast %gather3A_599 : vector<16xi32> to vector<32xbf16>
        %unpack3A_605 = tpu.unpack_subelements %bitcast3A_604, 0 {pack_format = #tpu.pack_format<interleaved>} : vector<32xbf16> -> vector<16xf32>
        %unpack3A_606 = tpu.unpack_subelements %bitcast3A_604, 1 {pack_format = #tpu.pack_format<interleaved>} : vector<32xbf16> -> vector<16xf32>
        %bitcast3A_607 = vector.bitcast %gather3A_603 : vector<16xi32> to vector<32xbf16>
        %unpack3A_608 = tpu.unpack_subelements %bitcast3A_607, 0 {pack_format = #tpu.pack_format<interleaved>} : vector<32xbf16> -> vector<16xf32>
        %unpack3A_609 = tpu.unpack_subelements %bitcast3A_607, 1 {pack_format = #tpu.pack_format<interleaved>} : vector<32xbf16> -> vector<16xf32>
        %mul3A_610 = arith.mulf %unpack3A_605, %unpack3A_608 : vector<16xf32>
        %mul3A_611 = arith.mulf %unpack3A_606, %unpack3A_609 : vector<16xf32>
        %add3A_612 = arith.addf %mul3A_610, %mul3A_611 : vector<16xf32>
        %add3A_613 = arith.addf %add3A_595, %add3A_612 : vector<16xf32>
        %swap3A_614 = arith.index_cast %scan3A_292 : i32 to index
        %swap3A_615 = arith.constant 48 : index
        %swap3A_616 = tpu.vector_load %arg12[%swap3A_614, %swap3A_615] {strides = array<i32>} : memref<64x128xf32, #tpu.memory_space<vmem>>, vector<16xf32>,
        tpu.vector_store %arg12[%swap3A_614, %swap3A_615], %add3A_613 {strides = array<i32>} : memref<64x128xf32, #tpu.memory_space<vmem>>, vector<16xf32>,
        %mul3A_617 = arith.constant 128 : i32
        %mul3A_618 = arith.muli %scan3A_292, %mul3A_617 : i32
        %add3A_619 = arith.constant 64 : i32
        %add3A_620 = arith.addi %mul3A_618, %add3A_619 : i32
        %get3A_621 = arith.index_cast %add3A_620 : i32 to index
        %get3A_622 = tpu.vector_load %arg9[%get3A_621] {strides = array<i32>} : memref<8192xi32, #tpu.memory_space<vmem>>, vector<16xi32>,
        %get3A_623 = arith.index_cast %add3A_620 : i32 to index
        %get3A_624 = tpu.vector_load %arg11[%get3A_623] {strides = array<i32>} : memref<8192xi32, #tpu.memory_space<vmem>>, vector<16xi32>,
        %add3A_625 = arith.constant 0 : i32
        %add3A_626 = vector.broadcast %add3A_625 : i32 to vector<16xi32>
        %add3A_627 = arith.addi %get3A_622, %add3A_626 : vector<16xi32>
        %gather3A_628 = tpu.vector_load_idx %arg7[%add3A_627] : memref<40000xi32, #tpu.memory_space<vmem>>[vector<16xi32>], vector<16xi32>,
        %add3A_629 = arith.constant 0 : i32
        %add3A_630 = vector.broadcast %add3A_629 : i32 to vector<16xi32>
        %add3A_631 = arith.addi %get3A_624, %add3A_630 : vector<16xi32>
        %gather3A_632 = tpu.vector_load_idx %arg7[%add3A_631] : memref<40000xi32, #tpu.memory_space<vmem>>[vector<16xi32>], vector<16xi32>,
        %bitcast3A_633 = vector.bitcast %gather3A_628 : vector<16xi32> to vector<32xbf16>
        %unpack3A_634 = tpu.unpack_subelements %bitcast3A_633, 0 {pack_format = #tpu.pack_format<interleaved>} : vector<32xbf16> -> vector<16xf32>
        %unpack3A_635 = tpu.unpack_subelements %bitcast3A_633, 1 {pack_format = #tpu.pack_format<interleaved>} : vector<32xbf16> -> vector<16xf32>
        %bitcast3A_636 = vector.bitcast %gather3A_632 : vector<16xi32> to vector<32xbf16>
        %unpack3A_637 = tpu.unpack_subelements %bitcast3A_636, 0 {pack_format = #tpu.pack_format<interleaved>} : vector<32xbf16> -> vector<16xf32>
        %unpack3A_638 = tpu.unpack_subelements %bitcast3A_636, 1 {pack_format = #tpu.pack_format<interleaved>} : vector<32xbf16> -> vector<16xf32>
        %mul3A_639 = arith.mulf %unpack3A_634, %unpack3A_637 : vector<16xf32>
        %mul3A_640 = arith.mulf %unpack3A_635, %unpack3A_638 : vector<16xf32>
        %add3A_641 = arith.addf %mul3A_639, %mul3A_640 : vector<16xf32>
        %add3A_642 = arith.constant 10000 : i32
        %add3A_643 = vector.broadcast %add3A_642 : i32 to vector<16xi32>
        %add3A_644 = arith.addi %get3A_622, %add3A_643 : vector<16xi32>
        %gather3A_645 = tpu.vector_load_idx %arg7[%add3A_644] : memref<40000xi32, #tpu.memory_space<vmem>>[vector<16xi32>], vector<16xi32>,
        %add3A_646 = arith.constant 10000 : i32
        %add3A_647 = vector.broadcast %add3A_646 : i32 to vector<16xi32>
        %add3A_648 = arith.addi %get3A_624, %add3A_647 : vector<16xi32>
        %gather3A_649 = tpu.vector_load_idx %arg7[%add3A_648] : memref<40000xi32, #tpu.memory_space<vmem>>[vector<16xi32>], vector<16xi32>,
        %bitcast3A_650 = vector.bitcast %gather3A_645 : vector<16xi32> to vector<32xbf16>
        %unpack3A_651 = tpu.unpack_subelements %bitcast3A_650, 0 {pack_format = #tpu.pack_format<interleaved>} : vector<32xbf16> -> vector<16xf32>
        %unpack3A_652 = tpu.unpack_subelements %bitcast3A_650, 1 {pack_format = #tpu.pack_format<interleaved>} : vector<32xbf16> -> vector<16xf32>
        %bitcast3A_653 = vector.bitcast %gather3A_649 : vector<16xi32> to vector<32xbf16>
        %unpack3A_654 = tpu.unpack_subelements %bitcast3A_653, 0 {pack_format = #tpu.pack_format<interleaved>} : vector<32xbf16> -> vector<16xf32>
        %unpack3A_655 = tpu.unpack_subelements %bitcast3A_653, 1 {pack_format = #tpu.pack_format<interleaved>} : vector<32xbf16> -> vector<16xf32>
        %mul3A_656 = arith.mulf %unpack3A_651, %unpack3A_654 : vector<16xf32>
        %mul3A_657 = arith.mulf %unpack3A_652, %unpack3A_655 : vector<16xf32>
        %add3A_658 = arith.addf %mul3A_656, %mul3A_657 : vector<16xf32>
        %add3A_659 = arith.addf %add3A_641, %add3A_658 : vector<16xf32>
        %add3A_660 = arith.constant 20000 : i32
        %add3A_661 = vector.broadcast %add3A_660 : i32 to vector<16xi32>
        %add3A_662 = arith.addi %get3A_622, %add3A_661 : vector<16xi32>
        %gather3A_663 = tpu.vector_load_idx %arg7[%add3A_662] : memref<40000xi32, #tpu.memory_space<vmem>>[vector<16xi32>], vector<16xi32>,
        %add3A_664 = arith.constant 20000 : i32
        %add3A_665 = vector.broadcast %add3A_664 : i32 to vector<16xi32>
        %add3A_666 = arith.addi %get3A_624, %add3A_665 : vector<16xi32>
        %gather3A_667 = tpu.vector_load_idx %arg7[%add3A_666] : memref<40000xi32, #tpu.memory_space<vmem>>[vector<16xi32>], vector<16xi32>,
        %bitcast3A_668 = vector.bitcast %gather3A_663 : vector<16xi32> to vector<32xbf16>
        %unpack3A_669 = tpu.unpack_subelements %bitcast3A_668, 0 {pack_format = #tpu.pack_format<interleaved>} : vector<32xbf16> -> vector<16xf32>
        %unpack3A_670 = tpu.unpack_subelements %bitcast3A_668, 1 {pack_format = #tpu.pack_format<interleaved>} : vector<32xbf16> -> vector<16xf32>
        %bitcast3A_671 = vector.bitcast %gather3A_667 : vector<16xi32> to vector<32xbf16>
        %unpack3A_672 = tpu.unpack_subelements %bitcast3A_671, 0 {pack_format = #tpu.pack_format<interleaved>} : vector<32xbf16> -> vector<16xf32>
        %unpack3A_673 = tpu.unpack_subelements %bitcast3A_671, 1 {pack_format = #tpu.pack_format<interleaved>} : vector<32xbf16> -> vector<16xf32>
        %mul3A_674 = arith.mulf %unpack3A_669, %unpack3A_672 : vector<16xf32>
        %mul3A_675 = arith.mulf %unpack3A_670, %unpack3A_673 : vector<16xf32>
        %add3A_676 = arith.addf %mul3A_674, %mul3A_675 : vector<16xf32>
        %add3A_677 = arith.addf %add3A_659, %add3A_676 : vector<16xf32>
        %add3A_678 = arith.constant 30000 : i32
        %add3A_679 = vector.broadcast %add3A_678 : i32 to vector<16xi32>
        %add3A_680 = arith.addi %get3A_622, %add3A_679 : vector<16xi32>
        %gather3A_681 = tpu.vector_load_idx %arg7[%add3A_680] : memref<40000xi32, #tpu.memory_space<vmem>>[vector<16xi32>], vector<16xi32>,
        %add3A_682 = arith.constant 30000 : i32
        %add3A_683 = vector.broadcast %add3A_682 : i32 to vector<16xi32>
        %add3A_684 = arith.addi %get3A_624, %add3A_683 : vector<16xi32>
        %gather3A_685 = tpu.vector_load_idx %arg7[%add3A_684] : memref<40000xi32, #tpu.memory_space<vmem>>[vector<16xi32>], vector<16xi32>,
        %bitcast3A_686 = vector.bitcast %gather3A_681 : vector<16xi32> to vector<32xbf16>
        %unpack3A_687 = tpu.unpack_subelements %bitcast3A_686, 0 {pack_format = #tpu.pack_format<interleaved>} : vector<32xbf16> -> vector<16xf32>
        %unpack3A_688 = tpu.unpack_subelements %bitcast3A_686, 1 {pack_format = #tpu.pack_format<interleaved>} : vector<32xbf16> -> vector<16xf32>
        %bitcast3A_689 = vector.bitcast %gather3A_685 : vector<16xi32> to vector<32xbf16>
        %unpack3A_690 = tpu.unpack_subelements %bitcast3A_689, 0 {pack_format = #tpu.pack_format<interleaved>} : vector<32xbf16> -> vector<16xf32>
        %unpack3A_691 = tpu.unpack_subelements %bitcast3A_689, 1 {pack_format = #tpu.pack_format<interleaved>} : vector<32xbf16> -> vector<16xf32>
        %mul3A_692 = arith.mulf %unpack3A_687, %unpack3A_690 : vector<16xf32>
        %mul3A_693 = arith.mulf %unpack3A_688, %unpack3A_691 : vector<16xf32>
        %add3A_694 = arith.addf %mul3A_692, %mul3A_693 : vector<16xf32>
        %add3A_695 = arith.addf %add3A_677, %add3A_694 : vector<16xf32>
        %swap3A_696 = arith.index_cast %scan3A_292 : i32 to index
        %swap3A_697 = arith.constant 64 : index
        %swap3A_698 = tpu.vector_load %arg12[%swap3A_696, %swap3A_697] {strides = array<i32>} : memref<64x128xf32, #tpu.memory_space<vmem>>, vector<16xf32>,
        tpu.vector_store %arg12[%swap3A_696, %swap3A_697], %add3A_695 {strides = array<i32>} : memref<64x128xf32, #tpu.memory_space<vmem>>, vector<16xf32>,
        %mul3A_699 = arith.constant 128 : i32
        %mul3A_700 = arith.muli %scan3A_292, %mul3A_699 : i32
        %add3A_701 = arith.constant 80 : i32
        %add3A_702 = arith.addi %mul3A_700, %add3A_701 : i32
        %get3A_703 = arith.index_cast %add3A_702 : i32 to index
        %get3A_704 = tpu.vector_load %arg9[%get3A_703] {strides = array<i32>} : memref<8192xi32, #tpu.memory_space<vmem>>, vector<16xi32>,
        %get3A_705 = arith.index_cast %add3A_702 : i32 to index
        %get3A_706 = tpu.vector_load %arg11[%get3A_705] {strides = array<i32>} : memref<8192xi32, #tpu.memory_space<vmem>>, vector<16xi32>,
        %add3A_707 = arith.constant 0 : i32
        %add3A_708 = vector.broadcast %add3A_707 : i32 to vector<16xi32>
        %add3A_709 = arith.addi %get3A_704, %add3A_708 : vector<16xi32>
        %gather3A_710 = tpu.vector_load_idx %arg7[%add3A_709] : memref<40000xi32, #tpu.memory_space<vmem>>[vector<16xi32>], vector<16xi32>,
        %add3A_711 = arith.constant 0 : i32
        %add3A_712 = vector.broadcast %add3A_711 : i32 to vector<16xi32>
        %add3A_713 = arith.addi %get3A_706, %add3A_712 : vector<16xi32>
        %gather3A_714 = tpu.vector_load_idx %arg7[%add3A_713] : memref<40000xi32, #tpu.memory_space<vmem>>[vector<16xi32>], vector<16xi32>,
        %bitcast3A_715 = vector.bitcast %gather3A_710 : vector<16xi32> to vector<32xbf16>
        %unpack3A_716 = tpu.unpack_subelements %bitcast3A_715, 0 {pack_format = #tpu.pack_format<interleaved>} : vector<32xbf16> -> vector<16xf32>
        %unpack3A_717 = tpu.unpack_subelements %bitcast3A_715, 1 {pack_format = #tpu.pack_format<interleaved>} : vector<32xbf16> -> vector<16xf32>
        %bitcast3A_718 = vector.bitcast %gather3A_714 : vector<16xi32> to vector<32xbf16>
        %unpack3A_719 = tpu.unpack_subelements %bitcast3A_718, 0 {pack_format = #tpu.pack_format<interleaved>} : vector<32xbf16> -> vector<16xf32>
        %unpack3A_720 = tpu.unpack_subelements %bitcast3A_718, 1 {pack_format = #tpu.pack_format<interleaved>} : vector<32xbf16> -> vector<16xf32>
        %mul3A_721 = arith.mulf %unpack3A_716, %unpack3A_719 : vector<16xf32>
        %mul3A_722 = arith.mulf %unpack3A_717, %unpack3A_720 : vector<16xf32>
        %add3A_723 = arith.addf %mul3A_721, %mul3A_722 : vector<16xf32>
        %add3A_724 = arith.constant 10000 : i32
        %add3A_725 = vector.broadcast %add3A_724 : i32 to vector<16xi32>
        %add3A_726 = arith.addi %get3A_704, %add3A_725 : vector<16xi32>
        %gather3A_727 = tpu.vector_load_idx %arg7[%add3A_726] : memref<40000xi32, #tpu.memory_space<vmem>>[vector<16xi32>], vector<16xi32>,
        %add3A_728 = arith.constant 10000 : i32
        %add3A_729 = vector.broadcast %add3A_728 : i32 to vector<16xi32>
        %add3A_730 = arith.addi %get3A_706, %add3A_729 : vector<16xi32>
        %gather3A_731 = tpu.vector_load_idx %arg7[%add3A_730] : memref<40000xi32, #tpu.memory_space<vmem>>[vector<16xi32>], vector<16xi32>,
        %bitcast3A_732 = vector.bitcast %gather3A_727 : vector<16xi32> to vector<32xbf16>
        %unpack3A_733 = tpu.unpack_subelements %bitcast3A_732, 0 {pack_format = #tpu.pack_format<interleaved>} : vector<32xbf16> -> vector<16xf32>
        %unpack3A_734 = tpu.unpack_subelements %bitcast3A_732, 1 {pack_format = #tpu.pack_format<interleaved>} : vector<32xbf16> -> vector<16xf32>
        %bitcast3A_735 = vector.bitcast %gather3A_731 : vector<16xi32> to vector<32xbf16>
        %unpack3A_736 = tpu.unpack_subelements %bitcast3A_735, 0 {pack_format = #tpu.pack_format<interleaved>} : vector<32xbf16> -> vector<16xf32>
        %unpack3A_737 = tpu.unpack_subelements %bitcast3A_735, 1 {pack_format = #tpu.pack_format<interleaved>} : vector<32xbf16> -> vector<16xf32>
        %mul3A_738 = arith.mulf %unpack3A_733, %unpack3A_736 : vector<16xf32>
        %mul3A_739 = arith.mulf %unpack3A_734, %unpack3A_737 : vector<16xf32>
        %add3A_740 = arith.addf %mul3A_738, %mul3A_739 : vector<16xf32>
        %add3A_741 = arith.addf %add3A_723, %add3A_740 : vector<16xf32>
        %add3A_742 = arith.constant 20000 : i32
        %add3A_743 = vector.broadcast %add3A_742 : i32 to vector<16xi32>
        %add3A_744 = arith.addi %get3A_704, %add3A_743 : vector<16xi32>
        %gather3A_745 = tpu.vector_load_idx %arg7[%add3A_744] : memref<40000xi32, #tpu.memory_space<vmem>>[vector<16xi32>], vector<16xi32>,
        %add3A_746 = arith.constant 20000 : i32
        %add3A_747 = vector.broadcast %add3A_746 : i32 to vector<16xi32>
        %add3A_748 = arith.addi %get3A_706, %add3A_747 : vector<16xi32>
        %gather3A_749 = tpu.vector_load_idx %arg7[%add3A_748] : memref<40000xi32, #tpu.memory_space<vmem>>[vector<16xi32>], vector<16xi32>,
        %bitcast3A_750 = vector.bitcast %gather3A_745 : vector<16xi32> to vector<32xbf16>
        %unpack3A_751 = tpu.unpack_subelements %bitcast3A_750, 0 {pack_format = #tpu.pack_format<interleaved>} : vector<32xbf16> -> vector<16xf32>
        %unpack3A_752 = tpu.unpack_subelements %bitcast3A_750, 1 {pack_format = #tpu.pack_format<interleaved>} : vector<32xbf16> -> vector<16xf32>
        %bitcast3A_753 = vector.bitcast %gather3A_749 : vector<16xi32> to vector<32xbf16>
        %unpack3A_754 = tpu.unpack_subelements %bitcast3A_753, 0 {pack_format = #tpu.pack_format<interleaved>} : vector<32xbf16> -> vector<16xf32>
        %unpack3A_755 = tpu.unpack_subelements %bitcast3A_753, 1 {pack_format = #tpu.pack_format<interleaved>} : vector<32xbf16> -> vector<16xf32>
        %mul3A_756 = arith.mulf %unpack3A_751, %unpack3A_754 : vector<16xf32>
        %mul3A_757 = arith.mulf %unpack3A_752, %unpack3A_755 : vector<16xf32>
        %add3A_758 = arith.addf %mul3A_756, %mul3A_757 : vector<16xf32>
        %add3A_759 = arith.addf %add3A_741, %add3A_758 : vector<16xf32>
        %add3A_760 = arith.constant 30000 : i32
        %add3A_761 = vector.broadcast %add3A_760 : i32 to vector<16xi32>
        %add3A_762 = arith.addi %get3A_704, %add3A_761 : vector<16xi32>
        %gather3A_763 = tpu.vector_load_idx %arg7[%add3A_762] : memref<40000xi32, #tpu.memory_space<vmem>>[vector<16xi32>], vector<16xi32>,
        %add3A_764 = arith.constant 30000 : i32
        %add3A_765 = vector.broadcast %add3A_764 : i32 to vector<16xi32>
        %add3A_766 = arith.addi %get3A_706, %add3A_765 : vector<16xi32>
        %gather3A_767 = tpu.vector_load_idx %arg7[%add3A_766] : memref<40000xi32, #tpu.memory_space<vmem>>[vector<16xi32>], vector<16xi32>,
        %bitcast3A_768 = vector.bitcast %gather3A_763 : vector<16xi32> to vector<32xbf16>
        %unpack3A_769 = tpu.unpack_subelements %bitcast3A_768, 0 {pack_format = #tpu.pack_format<interleaved>} : vector<32xbf16> -> vector<16xf32>
        %unpack3A_770 = tpu.unpack_subelements %bitcast3A_768, 1 {pack_format = #tpu.pack_format<interleaved>} : vector<32xbf16> -> vector<16xf32>
        %bitcast3A_771 = vector.bitcast %gather3A_767 : vector<16xi32> to vector<32xbf16>
        %unpack3A_772 = tpu.unpack_subelements %bitcast3A_771, 0 {pack_format = #tpu.pack_format<interleaved>} : vector<32xbf16> -> vector<16xf32>
        %unpack3A_773 = tpu.unpack_subelements %bitcast3A_771, 1 {pack_format = #tpu.pack_format<interleaved>} : vector<32xbf16> -> vector<16xf32>
        %mul3A_774 = arith.mulf %unpack3A_769, %unpack3A_772 : vector<16xf32>
        %mul3A_775 = arith.mulf %unpack3A_770, %unpack3A_773 : vector<16xf32>
        %add3A_776 = arith.addf %mul3A_774, %mul3A_775 : vector<16xf32>
        %add3A_777 = arith.addf %add3A_759, %add3A_776 : vector<16xf32>
        %swap3A_778 = arith.index_cast %scan3A_292 : i32 to index
        %swap3A_779 = arith.constant 80 : index
        %swap3A_780 = tpu.vector_load %arg12[%swap3A_778, %swap3A_779] {strides = array<i32>} : memref<64x128xf32, #tpu.memory_space<vmem>>, vector<16xf32>,
        tpu.vector_store %arg12[%swap3A_778, %swap3A_779], %add3A_777 {strides = array<i32>} : memref<64x128xf32, #tpu.memory_space<vmem>>, vector<16xf32>,
        %mul3A_781 = arith.constant 128 : i32
        %mul3A_782 = arith.muli %scan3A_292, %mul3A_781 : i32
        %add3A_783 = arith.constant 96 : i32
        %add3A_784 = arith.addi %mul3A_782, %add3A_783 : i32
        %get3A_785 = arith.index_cast %add3A_784 : i32 to index
        %get3A_786 = tpu.vector_load %arg9[%get3A_785] {strides = array<i32>} : memref<8192xi32, #tpu.memory_space<vmem>>, vector<16xi32>,
        %get3A_787 = arith.index_cast %add3A_784 : i32 to index
        %get3A_788 = tpu.vector_load %arg11[%get3A_787] {strides = array<i32>} : memref<8192xi32, #tpu.memory_space<vmem>>, vector<16xi32>,
        %add3A_789 = arith.constant 0 : i32
        %add3A_790 = vector.broadcast %add3A_789 : i32 to vector<16xi32>
        %add3A_791 = arith.addi %get3A_786, %add3A_790 : vector<16xi32>
        %gather3A_792 = tpu.vector_load_idx %arg7[%add3A_791] : memref<40000xi32, #tpu.memory_space<vmem>>[vector<16xi32>], vector<16xi32>,
        %add3A_793 = arith.constant 0 : i32
        %add3A_794 = vector.broadcast %add3A_793 : i32 to vector<16xi32>
        %add3A_795 = arith.addi %get3A_788, %add3A_794 : vector<16xi32>
        %gather3A_796 = tpu.vector_load_idx %arg7[%add3A_795] : memref<40000xi32, #tpu.memory_space<vmem>>[vector<16xi32>], vector<16xi32>,
        %bitcast3A_797 = vector.bitcast %gather3A_792 : vector<16xi32> to vector<32xbf16>
        %unpack3A_798 = tpu.unpack_subelements %bitcast3A_797, 0 {pack_format = #tpu.pack_format<interleaved>} : vector<32xbf16> -> vector<16xf32>
        %unpack3A_799 = tpu.unpack_subelements %bitcast3A_797, 1 {pack_format = #tpu.pack_format<interleaved>} : vector<32xbf16> -> vector<16xf32>
        %bitcast3A_800 = vector.bitcast %gather3A_796 : vector<16xi32> to vector<32xbf16>
        %unpack3A_801 = tpu.unpack_subelements %bitcast3A_800, 0 {pack_format = #tpu.pack_format<interleaved>} : vector<32xbf16> -> vector<16xf32>
        %unpack3A_802 = tpu.unpack_subelements %bitcast3A_800, 1 {pack_format = #tpu.pack_format<interleaved>} : vector<32xbf16> -> vector<16xf32>
        %mul3A_803 = arith.mulf %unpack3A_798, %unpack3A_801 : vector<16xf32>
        %mul3A_804 = arith.mulf %unpack3A_799, %unpack3A_802 : vector<16xf32>
        %add3A_805 = arith.addf %mul3A_803, %mul3A_804 : vector<16xf32>
        %add3A_806 = arith.constant 10000 : i32
        %add3A_807 = vector.broadcast %add3A_806 : i32 to vector<16xi32>
        %add3A_808 = arith.addi %get3A_786, %add3A_807 : vector<16xi32>
        %gather3A_809 = tpu.vector_load_idx %arg7[%add3A_808] : memref<40000xi32, #tpu.memory_space<vmem>>[vector<16xi32>], vector<16xi32>,
        %add3A_810 = arith.constant 10000 : i32
        %add3A_811 = vector.broadcast %add3A_810 : i32 to vector<16xi32>
        %add3A_812 = arith.addi %get3A_788, %add3A_811 : vector<16xi32>
        %gather3A_813 = tpu.vector_load_idx %arg7[%add3A_812] : memref<40000xi32, #tpu.memory_space<vmem>>[vector<16xi32>], vector<16xi32>,
        %bitcast3A_814 = vector.bitcast %gather3A_809 : vector<16xi32> to vector<32xbf16>
        %unpack3A_815 = tpu.unpack_subelements %bitcast3A_814, 0 {pack_format = #tpu.pack_format<interleaved>} : vector<32xbf16> -> vector<16xf32>
        %unpack3A_816 = tpu.unpack_subelements %bitcast3A_814, 1 {pack_format = #tpu.pack_format<interleaved>} : vector<32xbf16> -> vector<16xf32>
        %bitcast3A_817 = vector.bitcast %gather3A_813 : vector<16xi32> to vector<32xbf16>
        %unpack3A_818 = tpu.unpack_subelements %bitcast3A_817, 0 {pack_format = #tpu.pack_format<interleaved>} : vector<32xbf16> -> vector<16xf32>
        %unpack3A_819 = tpu.unpack_subelements %bitcast3A_817, 1 {pack_format = #tpu.pack_format<interleaved>} : vector<32xbf16> -> vector<16xf32>
        %mul3A_820 = arith.mulf %unpack3A_815, %unpack3A_818 : vector<16xf32>
        %mul3A_821 = arith.mulf %unpack3A_816, %unpack3A_819 : vector<16xf32>
        %add3A_822 = arith.addf %mul3A_820, %mul3A_821 : vector<16xf32>
        %add3A_823 = arith.addf %add3A_805, %add3A_822 : vector<16xf32>
        %add3A_824 = arith.constant 20000 : i32
        %add3A_825 = vector.broadcast %add3A_824 : i32 to vector<16xi32>
        %add3A_826 = arith.addi %get3A_786, %add3A_825 : vector<16xi32>
        %gather3A_827 = tpu.vector_load_idx %arg7[%add3A_826] : memref<40000xi32, #tpu.memory_space<vmem>>[vector<16xi32>], vector<16xi32>,
        %add3A_828 = arith.constant 20000 : i32
        %add3A_829 = vector.broadcast %add3A_828 : i32 to vector<16xi32>
        %add3A_830 = arith.addi %get3A_788, %add3A_829 : vector<16xi32>
        %gather3A_831 = tpu.vector_load_idx %arg7[%add3A_830] : memref<40000xi32, #tpu.memory_space<vmem>>[vector<16xi32>], vector<16xi32>,
        %bitcast3A_832 = vector.bitcast %gather3A_827 : vector<16xi32> to vector<32xbf16>
        %unpack3A_833 = tpu.unpack_subelements %bitcast3A_832, 0 {pack_format = #tpu.pack_format<interleaved>} : vector<32xbf16> -> vector<16xf32>
        %unpack3A_834 = tpu.unpack_subelements %bitcast3A_832, 1 {pack_format = #tpu.pack_format<interleaved>} : vector<32xbf16> -> vector<16xf32>
        %bitcast3A_835 = vector.bitcast %gather3A_831 : vector<16xi32> to vector<32xbf16>
        %unpack3A_836 = tpu.unpack_subelements %bitcast3A_835, 0 {pack_format = #tpu.pack_format<interleaved>} : vector<32xbf16> -> vector<16xf32>
        %unpack3A_837 = tpu.unpack_subelements %bitcast3A_835, 1 {pack_format = #tpu.pack_format<interleaved>} : vector<32xbf16> -> vector<16xf32>
        %mul3A_838 = arith.mulf %unpack3A_833, %unpack3A_836 : vector<16xf32>
        %mul3A_839 = arith.mulf %unpack3A_834, %unpack3A_837 : vector<16xf32>
        %add3A_840 = arith.addf %mul3A_838, %mul3A_839 : vector<16xf32>
        %add3A_841 = arith.addf %add3A_823, %add3A_840 : vector<16xf32>
        %add3A_842 = arith.constant 30000 : i32
        %add3A_843 = vector.broadcast %add3A_842 : i32 to vector<16xi32>
        %add3A_844 = arith.addi %get3A_786, %add3A_843 : vector<16xi32>
        %gather3A_845 = tpu.vector_load_idx %arg7[%add3A_844] : memref<40000xi32, #tpu.memory_space<vmem>>[vector<16xi32>], vector<16xi32>,
        %add3A_846 = arith.constant 30000 : i32
        %add3A_847 = vector.broadcast %add3A_846 : i32 to vector<16xi32>
        %add3A_848 = arith.addi %get3A_788, %add3A_847 : vector<16xi32>
        %gather3A_849 = tpu.vector_load_idx %arg7[%add3A_848] : memref<40000xi32, #tpu.memory_space<vmem>>[vector<16xi32>], vector<16xi32>,
        %bitcast3A_850 = vector.bitcast %gather3A_845 : vector<16xi32> to vector<32xbf16>
        %unpack3A_851 = tpu.unpack_subelements %bitcast3A_850, 0 {pack_format = #tpu.pack_format<interleaved>} : vector<32xbf16> -> vector<16xf32>
        %unpack3A_852 = tpu.unpack_subelements %bitcast3A_850, 1 {pack_format = #tpu.pack_format<interleaved>} : vector<32xbf16> -> vector<16xf32>
        %bitcast3A_853 = vector.bitcast %gather3A_849 : vector<16xi32> to vector<32xbf16>
        %unpack3A_854 = tpu.unpack_subelements %bitcast3A_853, 0 {pack_format = #tpu.pack_format<interleaved>} : vector<32xbf16> -> vector<16xf32>
        %unpack3A_855 = tpu.unpack_subelements %bitcast3A_853, 1 {pack_format = #tpu.pack_format<interleaved>} : vector<32xbf16> -> vector<16xf32>
        %mul3A_856 = arith.mulf %unpack3A_851, %unpack3A_854 : vector<16xf32>
        %mul3A_857 = arith.mulf %unpack3A_852, %unpack3A_855 : vector<16xf32>
        %add3A_858 = arith.addf %mul3A_856, %mul3A_857 : vector<16xf32>
        %add3A_859 = arith.addf %add3A_841, %add3A_858 : vector<16xf32>
        %swap3A_860 = arith.index_cast %scan3A_292 : i32 to index
        %swap3A_861 = arith.constant 96 : index
        %swap3A_862 = tpu.vector_load %arg12[%swap3A_860, %swap3A_861] {strides = array<i32>} : memref<64x128xf32, #tpu.memory_space<vmem>>, vector<16xf32>,
        tpu.vector_store %arg12[%swap3A_860, %swap3A_861], %add3A_859 {strides = array<i32>} : memref<64x128xf32, #tpu.memory_space<vmem>>, vector<16xf32>,
        %mul3A_863 = arith.constant 128 : i32
        %mul3A_864 = arith.muli %scan3A_292, %mul3A_863 : i32
        %add3A_865 = arith.constant 112 : i32
        %add3A_866 = arith.addi %mul3A_864, %add3A_865 : i32
        %get3A_867 = arith.index_cast %add3A_866 : i32 to index
        %get3A_868 = tpu.vector_load %arg9[%get3A_867] {strides = array<i32>} : memref<8192xi32, #tpu.memory_space<vmem>>, vector<16xi32>,
        %get3A_869 = arith.index_cast %add3A_866 : i32 to index
        %get3A_870 = tpu.vector_load %arg11[%get3A_869] {strides = array<i32>} : memref<8192xi32, #tpu.memory_space<vmem>>, vector<16xi32>,
        %add3A_871 = arith.constant 0 : i32
        %add3A_872 = vector.broadcast %add3A_871 : i32 to vector<16xi32>
        %add3A_873 = arith.addi %get3A_868, %add3A_872 : vector<16xi32>
        %gather3A_874 = tpu.vector_load_idx %arg7[%add3A_873] : memref<40000xi32, #tpu.memory_space<vmem>>[vector<16xi32>], vector<16xi32>,
        %add3A_875 = arith.constant 0 : i32
        %add3A_876 = vector.broadcast %add3A_875 : i32 to vector<16xi32>
        %add3A_877 = arith.addi %get3A_870, %add3A_876 : vector<16xi32>
        %gather3A_878 = tpu.vector_load_idx %arg7[%add3A_877] : memref<40000xi32, #tpu.memory_space<vmem>>[vector<16xi32>], vector<16xi32>,
        %bitcast3A_879 = vector.bitcast %gather3A_874 : vector<16xi32> to vector<32xbf16>
        %unpack3A_880 = tpu.unpack_subelements %bitcast3A_879, 0 {pack_format = #tpu.pack_format<interleaved>} : vector<32xbf16> -> vector<16xf32>
        %unpack3A_881 = tpu.unpack_subelements %bitcast3A_879, 1 {pack_format = #tpu.pack_format<interleaved>} : vector<32xbf16> -> vector<16xf32>
        %bitcast3A_882 = vector.bitcast %gather3A_878 : vector<16xi32> to vector<32xbf16>
        %unpack3A_883 = tpu.unpack_subelements %bitcast3A_882, 0 {pack_format = #tpu.pack_format<interleaved>} : vector<32xbf16> -> vector<16xf32>
        %unpack3A_884 = tpu.unpack_subelements %bitcast3A_882, 1 {pack_format = #tpu.pack_format<interleaved>} : vector<32xbf16> -> vector<16xf32>
        %mul3A_885 = arith.mulf %unpack3A_880, %unpack3A_883 : vector<16xf32>
        %mul3A_886 = arith.mulf %unpack3A_881, %unpack3A_884 : vector<16xf32>
        %add3A_887 = arith.addf %mul3A_885, %mul3A_886 : vector<16xf32>
        %add3A_888 = arith.constant 10000 : i32
        %add3A_889 = vector.broadcast %add3A_888 : i32 to vector<16xi32>
        %add3A_890 = arith.addi %get3A_868, %add3A_889 : vector<16xi32>
        %gather3A_891 = tpu.vector_load_idx %arg7[%add3A_890] : memref<40000xi32, #tpu.memory_space<vmem>>[vector<16xi32>], vector<16xi32>,
        %add3A_892 = arith.constant 10000 : i32
        %add3A_893 = vector.broadcast %add3A_892 : i32 to vector<16xi32>
        %add3A_894 = arith.addi %get3A_870, %add3A_893 : vector<16xi32>
        %gather3A_895 = tpu.vector_load_idx %arg7[%add3A_894] : memref<40000xi32, #tpu.memory_space<vmem>>[vector<16xi32>], vector<16xi32>,
        %bitcast3A_896 = vector.bitcast %gather3A_891 : vector<16xi32> to vector<32xbf16>
        %unpack3A_897 = tpu.unpack_subelements %bitcast3A_896, 0 {pack_format = #tpu.pack_format<interleaved>} : vector<32xbf16> -> vector<16xf32>
        %unpack3A_898 = tpu.unpack_subelements %bitcast3A_896, 1 {pack_format = #tpu.pack_format<interleaved>} : vector<32xbf16> -> vector<16xf32>
        %bitcast3A_899 = vector.bitcast %gather3A_895 : vector<16xi32> to vector<32xbf16>
        %unpack3A_900 = tpu.unpack_subelements %bitcast3A_899, 0 {pack_format = #tpu.pack_format<interleaved>} : vector<32xbf16> -> vector<16xf32>
        %unpack3A_901 = tpu.unpack_subelements %bitcast3A_899, 1 {pack_format = #tpu.pack_format<interleaved>} : vector<32xbf16> -> vector<16xf32>
        %mul3A_902 = arith.mulf %unpack3A_897, %unpack3A_900 : vector<16xf32>
        %mul3A_903 = arith.mulf %unpack3A_898, %unpack3A_901 : vector<16xf32>
        %add3A_904 = arith.addf %mul3A_902, %mul3A_903 : vector<16xf32>
        %add3A_905 = arith.addf %add3A_887, %add3A_904 : vector<16xf32>
        %add3A_906 = arith.constant 20000 : i32
        %add3A_907 = vector.broadcast %add3A_906 : i32 to vector<16xi32>
        %add3A_908 = arith.addi %get3A_868, %add3A_907 : vector<16xi32>
        %gather3A_909 = tpu.vector_load_idx %arg7[%add3A_908] : memref<40000xi32, #tpu.memory_space<vmem>>[vector<16xi32>], vector<16xi32>,
        %add3A_910 = arith.constant 20000 : i32
        %add3A_911 = vector.broadcast %add3A_910 : i32 to vector<16xi32>
        %add3A_912 = arith.addi %get3A_870, %add3A_911 : vector<16xi32>
        %gather3A_913 = tpu.vector_load_idx %arg7[%add3A_912] : memref<40000xi32, #tpu.memory_space<vmem>>[vector<16xi32>], vector<16xi32>,
        %bitcast3A_914 = vector.bitcast %gather3A_909 : vector<16xi32> to vector<32xbf16>
        %unpack3A_915 = tpu.unpack_subelements %bitcast3A_914, 0 {pack_format = #tpu.pack_format<interleaved>} : vector<32xbf16> -> vector<16xf32>
        %unpack3A_916 = tpu.unpack_subelements %bitcast3A_914, 1 {pack_format = #tpu.pack_format<interleaved>} : vector<32xbf16> -> vector<16xf32>
        %bitcast3A_917 = vector.bitcast %gather3A_913 : vector<16xi32> to vector<32xbf16>
        %unpack3A_918 = tpu.unpack_subelements %bitcast3A_917, 0 {pack_format = #tpu.pack_format<interleaved>} : vector<32xbf16> -> vector<16xf32>
        %unpack3A_919 = tpu.unpack_subelements %bitcast3A_917, 1 {pack_format = #tpu.pack_format<interleaved>} : vector<32xbf16> -> vector<16xf32>
        %mul3A_920 = arith.mulf %unpack3A_915, %unpack3A_918 : vector<16xf32>
        %mul3A_921 = arith.mulf %unpack3A_916, %unpack3A_919 : vector<16xf32>
        %add3A_922 = arith.addf %mul3A_920, %mul3A_921 : vector<16xf32>
        %add3A_923 = arith.addf %add3A_905, %add3A_922 : vector<16xf32>
        %add3A_924 = arith.constant 30000 : i32
        %add3A_925 = vector.broadcast %add3A_924 : i32 to vector<16xi32>
        %add3A_926 = arith.addi %get3A_868, %add3A_925 : vector<16xi32>
        %gather3A_927 = tpu.vector_load_idx %arg7[%add3A_926] : memref<40000xi32, #tpu.memory_space<vmem>>[vector<16xi32>], vector<16xi32>,
        %add3A_928 = arith.constant 30000 : i32
        %add3A_929 = vector.broadcast %add3A_928 : i32 to vector<16xi32>
        %add3A_930 = arith.addi %get3A_870, %add3A_929 : vector<16xi32>
        %gather3A_931 = tpu.vector_load_idx %arg7[%add3A_930] : memref<40000xi32, #tpu.memory_space<vmem>>[vector<16xi32>], vector<16xi32>,
        %bitcast3A_932 = vector.bitcast %gather3A_927 : vector<16xi32> to vector<32xbf16>
        %unpack3A_933 = tpu.unpack_subelements %bitcast3A_932, 0 {pack_format = #tpu.pack_format<interleaved>} : vector<32xbf16> -> vector<16xf32>
        %unpack3A_934 = tpu.unpack_subelements %bitcast3A_932, 1 {pack_format = #tpu.pack_format<interleaved>} : vector<32xbf16> -> vector<16xf32>
        %bitcast3A_935 = vector.bitcast %gather3A_931 : vector<16xi32> to vector<32xbf16>
        %unpack3A_936 = tpu.unpack_subelements %bitcast3A_935, 0 {pack_format = #tpu.pack_format<interleaved>} : vector<32xbf16> -> vector<16xf32>
        %unpack3A_937 = tpu.unpack_subelements %bitcast3A_935, 1 {pack_format = #tpu.pack_format<interleaved>} : vector<32xbf16> -> vector<16xf32>
        %mul3A_938 = arith.mulf %unpack3A_933, %unpack3A_936 : vector<16xf32>
        %mul3A_939 = arith.mulf %unpack3A_934, %unpack3A_937 : vector<16xf32>
        %add3A_940 = arith.addf %mul3A_938, %mul3A_939 : vector<16xf32>
        %add3A_941 = arith.addf %add3A_923, %add3A_940 : vector<16xf32>
        %swap3A_942 = arith.index_cast %scan3A_292 : i32 to index
        %swap3A_943 = arith.constant 112 : index
        %swap3A_944 = tpu.vector_load %arg12[%swap3A_942, %swap3A_943] {strides = array<i32>} : memref<64x128xf32, #tpu.memory_space<vmem>>, vector<16xf32>,
        tpu.vector_store %arg12[%swap3A_942, %swap3A_943], %add3A_941 {strides = array<i32>} : memref<64x128xf32, #tpu.memory_space<vmem>>, vector<16xf32>,
      }
      %scan3A_283 = arith.constant 64 : i32
      %barrier3A_284 = arith.constant 0 : index
      tpu.barrier barrier_id(%barrier3A_284)
      "tpu.region"() ({
        %run_scoped3A = tpu.sem_alloc : memref<!tpu.dma_semaphore, #tpu.memory_space<semaphore_mem>>
        %dma_start3A_292 = arith.constant 0 : i32
        %dma_start3A_293 = arith.constant 0 : i32
        %dma_start3A_294 = tpu.memref_slice %arg6[%dma_start3A_292, %dma_start3A_293] : memref<64x128xf32, #tpu.memory_space<vmem_shared>> -> memref<64x128xf32, #tpu.memory_space<vmem_shared>>
        tpu.enqueue_indirect_dma source(%arg12 : memref<64x128xf32, #tpu.memory_space<vmem>>) target(%dma_start3A_294 : memref<64x128xf32, #tpu.memory_space<vmem_shared>>) offsets(%arg14 : memref<64xi32, #tpu.memory_space<vmem>>) semaphore(%run_scoped3A : memref<!tpu.dma_semaphore, #tpu.memory_space<semaphore_mem>>) {add = true}
        %dma_wait3A_295 = arith.constant 0 : i32
        %dma_wait3A_296 = arith.constant 0 : i32
        %dma_wait3A_297 = tpu.memref_slice %arg6[%dma_wait3A_295, %dma_wait3A_296] : memref<64x128xf32, #tpu.memory_space<vmem_shared>> -> memref<64x128xf32, #tpu.memory_space<vmem_shared>>
        tpu.wait_indirect_dma semaphore(%run_scoped3A : memref<!tpu.dma_semaphore, #tpu.memory_space<semaphore_mem>>) src(%arg12 : memref<64x128xf32, #tpu.memory_space<vmem>>) dst(%dma_wait3A_297 : memref<64x128xf32, #tpu.memory_space<vmem_shared>>)
        tpu.yield
      }) : () -> ()
      %barrier3A_285 = arith.constant 0 : index
      tpu.barrier barrier_id(%barrier3A_285)
      %mul3A_286 = arith.constant 4 : i32
      %mul3A_287 = arith.muli %arg1, %mul3A_286 : i32
      %mul3A_288 = arith.constant 64 : i32
      %mul3A_289 = arith.muli %add3A_266, %mul3A_288 : i32
      %add3A_290 = arith.addi %mul3A_2, %mul3A_289 : i32
      %add3A_291 = arith.addi %add3A_290, %mul3A_287 : i32
      "tpu.region"() ({
        %run_scoped3A = tpu.sem_alloc : memref<!tpu.dma_semaphore, #tpu.memory_space<semaphore_mem>>
        %dma_start3A_292 = arith.constant 0 : i32
        %dma_start3A_293 = tpu.memref_slice %arg5[%add3A_291, %dma_start3A_292] : memref<2560x128xf32, #tpu.memory_space<hbm>> -> memref<4x128xf32, #tpu.memory_space<hbm>>
        %dma_start3A_294 = arith.constant 0 : i32
        %dma_start3A_295 = tpu.memref_slice %arg6[%mul3A_287, %dma_start3A_294] : memref<64x128xf32, #tpu.memory_space<vmem_shared>> -> memref<4x128xf32, #tpu.memory_space<vmem_shared>>
        tpu.enqueue_dma source(%dma_start3A_295 : memref<4x128xf32, #tpu.memory_space<vmem_shared>>) target(%dma_start3A_293 : memref<4x128xf32, #tpu.memory_space<hbm>>) target_semaphore(%run_scoped3A : memref<!tpu.dma_semaphore, #tpu.memory_space<semaphore_mem>>)
        %dma_wait3A_296 = arith.constant 0 : i32
        %dma_wait3A_297 = tpu.memref_slice %arg5[%add3A_291, %dma_wait3A_296] : memref<2560x128xf32, #tpu.memory_space<hbm>> -> memref<4x128xf32, #tpu.memory_space<hbm>>
        %dma_wait3A_298 = arith.constant 0 : i32
        %dma_wait3A_299 = tpu.memref_slice %arg6[%mul3A_287, %dma_wait3A_298] : memref<64x128xf32, #tpu.memory_space<vmem_shared>> -> memref<4x128xf32, #tpu.memory_space<vmem_shared>>
        tpu.wait_dma2 semaphore(%run_scoped3A : memref<!tpu.dma_semaphore, #tpu.memory_space<semaphore_mem>>) src(%dma_wait3A_299 : memref<4x128xf32, #tpu.memory_space<vmem_shared>>) dst(%dma_wait3A_297 : memref<4x128xf32, #tpu.memory_space<hbm>>)
        tpu.yield
      }) : () -> ()
      "tpu.region"() ({
        %run_scoped3A = tpu.sem_alloc : memref<!tpu.dma_semaphore, #tpu.memory_space<semaphore_mem>>
        %dma_start3A_292 = arith.constant 0 : i32
        %dma_start3A_293 = tpu.memref_slice %arg6[%mul3A_287, %dma_start3A_292] : memref<64x128xf32, #tpu.memory_space<vmem_shared>> -> memref<4x128xf32, #tpu.memory_space<vmem_shared>>
        %dma_start3A_294 = arith.constant 0 : i32
        %dma_start3A_295 = tpu.memref_slice %arg6[%mul3A_287, %dma_start3A_294] : memref<64x128xf32, #tpu.memory_space<vmem_shared>> -> memref<4x128xf32, #tpu.memory_space<vmem_shared>>
        tpu.enqueue_dma source(%arg13 : memref<4x128xf32, #tpu.memory_space<vmem>>) target(%dma_start3A_295 : memref<4x128xf32, #tpu.memory_space<vmem_shared>>) target_semaphore(%run_scoped3A : memref<!tpu.dma_semaphore, #tpu.memory_space<semaphore_mem>>)
        %dma_wait3A_296 = arith.constant 0 : i32
        %dma_wait3A_297 = tpu.memref_slice %arg6[%mul3A_287, %dma_wait3A_296] : memref<64x128xf32, #tpu.memory_space<vmem_shared>> -> memref<4x128xf32, #tpu.memory_space<vmem_shared>>
        %dma_wait3A_298 = arith.constant 0 : i32
        %dma_wait3A_299 = tpu.memref_slice %arg6[%mul3A_287, %dma_wait3A_298] : memref<64x128xf32, #tpu.memory_space<vmem_shared>> -> memref<4x128xf32, #tpu.memory_space<vmem_shared>>
        tpu.wait_dma2 semaphore(%run_scoped3A : memref<!tpu.dma_semaphore, #tpu.memory_space<semaphore_mem>>) src(%arg13 : memref<4x128xf32, #tpu.memory_space<vmem>>) dst(%dma_wait3A_299 : memref<4x128xf32, #tpu.memory_space<vmem_shared>>)
        tpu.yield
      }) : () -> ()
    }
    %scan3A_237 = arith.constant 10 : i32
    return
  }
}

module attributes {stable_mosaic.version = 14 : i64} {
  func.func @_mlp_body(%arg0: memref<10000x128xf32, #tpu.memory_space<vmem>>, %arg1: memref<128x128xf32, #tpu.memory_space<vmem>>, %arg2: memref<1x128xf32, #tpu.memory_space<vmem>>, %arg3: memref<128x128xf32, #tpu.memory_space<vmem>>, %arg4: memref<1x128xf32, #tpu.memory_space<vmem>>, %arg5: memref<128x10000xbf16, #tpu.memory_space<vmem>>) attributes {dimension_semantics = [], scalar_prefetch = 0 : i64, scratch_operands = 0 : i64, tpu.core_type = #tpu.core_type<tc>} {
    %get3A = arith.constant 0 : index
    %get3A_0 = arith.constant 0 : index
    %get3A_1 = vector.load %arg0[%get3A, %get3A_0] : memref<10000x128xf32, #tpu.memory_space<vmem>>, vector<10000x128xf32>
    %get3A_2 = arith.constant 0 : index
    %get3A_3 = arith.constant 0 : index
    %get3A_4 = vector.load %arg1[%get3A_2, %get3A_3] : memref<128x128xf32, #tpu.memory_space<vmem>>, vector<128x128xf32>
    %dot_general3A = arith.constant dense<0.000000e+00> : vector<10000x128xf32>
    %dot_general3A_5 = tpu.matmul %get3A_1, %get3A_4, %dot_general3A {dimension_numbers = #tpu.dot_dimension_numbers<[1], [0], [0], [1], [0, 0, 1, 1], [], []>, transpose_lhs_hint = false} : vector<10000x128xf32>, vector<128x128xf32>, vector<10000x128xf32> -> vector<10000x128xf32>
    %get3A_6 = arith.constant 0 : index
    %get3A_7 = arith.constant 0 : index
    %get3A_8 = vector.load %arg2[%get3A_6, %get3A_7] : memref<1x128xf32, #tpu.memory_space<vmem>>, vector<1x128xf32>
    %add3A = vector.broadcast %get3A_8 : vector<1x128xf32> to vector<10000x128xf32>
    %add3A_9 = arith.addf %dot_general3A_5, %add3A : vector<10000x128xf32>
    %max3A = arith.constant 0.000000e+00 : f32
    %max3A_10 = vector.broadcast %max3A : f32 to vector<10000x128xf32>
    %max3A_11 = arith.maximumf %add3A_9, %max3A_10 : vector<10000x128xf32>
    %get3A_12 = arith.constant 0 : index
    %get3A_13 = arith.constant 0 : index
    %get3A_14 = vector.load %arg3[%get3A_12, %get3A_13] : memref<128x128xf32, #tpu.memory_space<vmem>>, vector<128x128xf32>
    %dot_general3A_15 = arith.constant dense<0.000000e+00> : vector<10000x128xf32>
    %dot_general3A_16 = tpu.matmul %max3A_11, %get3A_14, %dot_general3A_15 {dimension_numbers = #tpu.dot_dimension_numbers<[1], [0], [0], [1], [0, 0, 1, 1], [], []>, transpose_lhs_hint = false} : vector<10000x128xf32>, vector<128x128xf32>, vector<10000x128xf32> -> vector<10000x128xf32>
    %get3A_17 = arith.constant 0 : index
    %get3A_18 = arith.constant 0 : index
    %get3A_19 = vector.load %arg4[%get3A_17, %get3A_18] : memref<1x128xf32, #tpu.memory_space<vmem>>, vector<1x128xf32>
    %add3A_20 = vector.broadcast %get3A_19 : vector<1x128xf32> to vector<10000x128xf32>
    %add3A_21 = arith.addf %dot_general3A_16, %add3A_20 : vector<10000x128xf32>
    %max3A_22 = arith.constant 0.000000e+00 : f32
    %max3A_23 = vector.broadcast %max3A_22 : f32 to vector<10000x128xf32>
    %max3A_24 = arith.maximumf %add3A_21, %max3A_23 : vector<10000x128xf32>
    %transpose3A = tpu.transpose %max3A_24, [1, 0] : vector<10000x128xf32> -> vector<128x10000xf32>
    %convert_element_type3A = arith.truncf %transpose3A : vector<128x10000xf32> to vector<128x10000xbf16>
    %swap3A = arith.constant 0 : index
    %swap3A_25 = arith.constant 0 : index
    %swap3A_26 = vector.load %arg5[%swap3A, %swap3A_25] : memref<128x10000xbf16, #tpu.memory_space<vmem>>, vector<128x10000xbf16>
    tpu.vector_store %arg5[%swap3A, %swap3A_25], %convert_element_type3A {strides = array<i32>} : memref<128x10000xbf16, #tpu.memory_space<vmem>>, vector<128x10000xbf16>,
    return
  }
}

</mosaic_0001>

<sc_bundles>
// kernel: kernel.4.cloned.1.call-start
scs
__scs_entry_jumppad:
0x0: {  	(pc) =	sbr.rel $0x88, $3  }
0x1: {  	(tag) =	ssettag $0x0;
	lr =	simm.s32 $0x1  }
0x2: {  	[smem:$0x3F9A] =	sst lr;
	_ =	strace $0xD0000000  }
0x3: {  	_ = 	snop  }
0x4: {  	_ = 	snop  }
0x5: {  	_ = 	snop  }
0x6: {  	_ = 	snop  }
0x7: {  	_ = 	snop  }
__scs_overlays_trampoline_lowered:
0x8: {  	[smem:$0x3FA9] =	sst s0  }
0x9: {  	[smem:$0x3FAA] =	sst s1  }
0xa: {  	[smem:$0x3FAB] =	sst s2  }
0xb: {  	[smem:$0x3FAC] =	sst s3  }
0xc: {  	[smem:$0x3FAD] =	sst s4  }
0xd: {  	[smem:$0x3FAE] =	sst s5  }
0xe: {  	[smem:$0x3FAF] =	sst s6  }
0xf: {  	[smem:$0x3FB0] =	sst s7  }
0x10: {  	[smem:$0x3FB1] =	sst s8  }
0x11: {  	[smem:$0x3FB2] =	sst s9;
	s0 =	simm.s32 @!p0 $0x0  }
0x12: {  	s1 =	sld [smem:$0x3F98];
	s0 =	simm.s32 @p0 $0x1  }
0x13: {  	[smem:$0x3FB3] =	sst s0;
	s0 =	simm.s32 @!p1 $0x0  }
0x14: {  	s2 =	sld [smem:$0x3F97];
	s0 =	simm.s32 @p1 $0x1  }
0x15: {  	[smem:$0x3FB4] =	sst s0;
	s0 =	simm.s32 @!p2 $0x0  }
0x16: {  	s3 =	sld [smem:$0x3FDB];
	s0 =	simm.s32 @p2 $0x1  }
0x17: {  	s4 =	simm.s32 $0x1BF5;
	[smem:$0x3FB6] =	sst s0  }
0x18: {  	s0 =	sld [smem:$0x3F99];
	_ =	swait.ge [sflag:s4], $0x0  }
0x19: {  	s7 =	sld [smem:$0x3F9A]  }
0x1a: {  	s8 =	sadd.s32 $0xFFFFE003, lr  }
0x1b: {  	s9 =	sadd.s32 $0xFFFFFEF7, lr;
	s5 =	simm.s32 $0xFFFFFFFF;
	p2 =	slt.u32 s8, $0xFFFFF086  }
0x1c: {  	p1 =	slt.u32 s9, $0xF7A;
	s5 =	simm.s32 @!p2 $0x0  }
0x1d: {  	s5 =	simm.s32 @p1 $0x1;
	p0 =	seq.s32 s7, s2  }
0x1e: {  	s7 =	smul.u32 @!p0 $0xF7A, s2;
	p2 =	seq.s32 @!p0 s5, $0x0  }
0x1f: {  	s9 =	smul.u32 $0xF7A, s1;
	s8 =	simm.s32 @!p0 $0x1BF5;
	p2 =	por !p2, p0  }
0x20: {  	[sflag:s8] =	ssyncset.s32 @!p0 $0xFFFFF086;
	s6 =	sadd.s32 @!p0 s3, s7;
	s7 =	simm.s32 @!p0 $0x108  }
0x21: {  	s3 =	sadd.s32 s3, s9;
	s6 =	sadd.s32 @!p0 $0x88, s6;
	s7 =	simm.s32 @p2 $0x1082  }
0x22: {  	[simem:s7], [sflag:s8] =	dma.local @!p0 [hbm:s6], $0xF7A  }
0x23: {  	s9 =	sor.u32 $0xD0000000, s2;
	s6 =	simm.s32 $0x108;
	_ =	swait.ge @!p0 [sflag:s8], $0x0  }
0x24: {  	s3 =	sadd.s32 $0x88, s3;
	s6 =	simm.s32 @!p1 $0x1082;
	[sflag:s4] =	ssyncset.s32 $0xFFFFF086  }
0x25: {  	[simem:s6], [sflag:s4] =	dma.local [hbm:s3], $0xF7A  }
0x26: {  	[smem:$0x3F9A] =	sst s1;
	(tag) =	ssettag s2;
	_ =	strace s9  }
0x27: {  	s1 =	sld [smem:$0x3FAA]  }
0x28: {  	s2 =	sld [smem:$0x3FAB]  }
0x29: {  	s4 =	sld [smem:$0x3FAD]  }
0x2a: {  	p0 =	seq.s32 s5, $0x0;
	s5 =	sld [smem:$0x3FAE]  }
0x2b: {  	s6 =	sld [smem:$0x3FAF]  }
0x2c: {  	s7 =	sld [smem:$0x3FB0]  }
0x2d: {  	s3 =	simm.s32 $0x108;
	s8 =	sld [smem:$0x3FB1]  }
0x2e: {  	s3 =	simm.s32 @!p0 $0x1082;
	s9 =	sld [smem:$0x3FB2]  }
0x2f: {  	lr =	sadd.s32 s0, s3;
	s0 =	sld [smem:$0x3FA9]  }
0x30: {  	s3 =	sld [smem:$0x3FAC]  }
0x31: {  	[smem:$0x3FB5] =	sst s10  }
0x32: {  	s10 =	sld [smem:$0x3FB3];
	_ =	sdelay $0x3  }
0x33: {  	p0 =	seq.s32 s10, $0x1;
	s10 =	sld [smem:$0x3FB5];
	_ =	sdelay $0x3  }
0x34: {  	[smem:$0x3FB5] =	sst s10  }
0x35: {  	s10 =	sld [smem:$0x3FB4];
	_ =	sdelay $0x3  }
0x36: {  	p1 =	seq.s32 s10, $0x1;
	s10 =	sld [smem:$0x3FB5];
	_ =	sdelay $0x3  }
0x37: {  	[smem:$0x3FB5] =	sst s10  }
0x38: {  	s10 =	sld [smem:$0x3FB6]  }
0x39: {  	_ = 	snop;
	(pc) =	sbr.ind lr, $3  }
0x3a: {  	_ = 	snop  }
0x3b: {  	_ = 	snop  }
0x3c: {  	p2 =	seq.s32 s10, $0x1;
	s10 =	sld [smem:$0x3FB5]  }
0x3d: {  	_ =	shalt  }
0x3e: {  	_ =	shalt  }
0x3f: {  	_ =	shalt  }
0x40: {  	_ =	shalt  }
0x41: {  	_ =	shalt  }
0x42: {  	_ =	shalt  }
0x43: {  	_ =	shalt  }
0x44: {  	_ =	shalt  }
0x45: {  	_ =	shalt  }
0x46: {  	_ =	shalt  }
0x47: {  	_ =	shalt  }
0x48: {  	_ =	shalt  }
0x49: {  	_ =	shalt  }
0x4a: {  	_ =	shalt  }
0x4b: {  	_ =	shalt  }
0x4c: {  	_ =	shalt  }
0x4d: {  	_ =	shalt  }
0x4e: {  	_ =	shalt  }
0x4f: {  	_ =	shalt  }
0x50: {  	_ =	shalt  }
0x51: {  	_ =	shalt  }
0x52: {  	_ =	shalt  }
0x53: {  	_ =	shalt  }
0x54: {  	_ =	shalt  }
0x55: {  	_ =	shalt  }
0x56: {  	_ =	shalt  }
0x57: {  	_ =	shalt  }
0x58: {  	_ =	shalt  }
0x59: {  	_ =	shalt  }
0x5a: {  	_ =	shalt  }
0x5b: {  	_ =	shalt  }
0x5c: {  	_ =	shalt  }
0x5d: {  	_ =	shalt  }
0x5e: {  	_ =	shalt  }
0x5f: {  	_ =	shalt  }
0x60: {  	_ =	shalt  }
0x61: {  	_ =	shalt  }
0x62: {  	_ =	shalt  }
0x63: {  	_ =	shalt  }
0x64: {  	_ =	shalt  }
0x65: {  	_ =	shalt  }
0x66: {  	_ =	shalt  }
0x67: {  	_ =	shalt  }
0x68: {  	_ =	shalt  }
0x69: {  	_ =	shalt  }
0x6a: {  	_ =	shalt  }
0x6b: {  	_ =	shalt  }
0x6c: {  	_ =	shalt  }
0x6d: {  	_ =	shalt  }
0x6e: {  	_ =	shalt  }
0x6f: {  	_ =	shalt  }
0x70: {  	_ =	shalt  }
0x71: {  	_ =	shalt  }
0x72: {  	_ =	shalt  }
0x73: {  	_ =	shalt  }
0x74: {  	_ =	shalt  }
0x75: {  	_ =	shalt  }
0x76: {  	_ =	shalt  }
0x77: {  	_ =	shalt  }
0x78: {  	_ =	shalt  }
0x79: {  	_ =	shalt  }
0x7a: {  	_ =	shalt  }
0x7b: {  	_ =	shalt  }
0x7c: {  	_ =	shalt  }
0x7d: {  	_ =	shalt  }
0x7e: {  	_ =	shalt  }
0x7f: {  	_ =	shalt  }
0x80: {  	_ =	shalt  }
0x81: {  	_ =	shalt  }
0x82: {  	_ =	shalt  }
0x83: {  	_ =	shalt  }
0x84: {  	_ =	shalt  }
0x85: {  	_ =	shalt  }
0x86: {  	_ =	shalt  }
0x87: {  	_ =	shalt  }
.Lfunc_end0:
.L_simem_size_0:
called_computation_lowered:
.L_overlay_start_0:
0x88: {  	s2 =	sld [smem:$0x3FD9]  }
0x89: {  	s3 =	sld [smem:$0x3FFE];
	_ =	sdelay $0x1  }
0x8a: {  	s1 =	srdreg.scid  }
0x8b: {  	s0 =	sand.u32 $0x1, s1  }
0x8c: {  	s16 =	sshll.u32 s0, $0xA;
	s2 =	sadd.s32 s3, s2  }
0x8d: {  	s2 =	sadd.s32 s2, s16  }
0x8e: {  	[smem:$0x3FC1] =	sst s2  }
0x8f: {  	_ = 	snop  }
0x90: {  	(tm) =	ssettm $0x1  }
0x91: {  	s17 =	sld [smem:$0x3FFB];
	_ =	sdelay $0x3  }
0x92: {  	_ =	strace s17  }
0x93: {  	s2 =	sld [smem:$0x3FFC];
	_ =	sdelay $0x3  }
0x94: {  	_ =	strace s2  }
0x95: {  	s2 =	sld [smem:$0x3FFD];
	_ =	sdelay $0x3  }
0x96: {  	_ =	strace s2  }
0x97: {  	_ =	strace $0x8FFFFFFF  }
0x98: {  	s18 =	sld [smem:$0x3FDB];
	_ =	sdelay $0x1  }
0x99: {  	s19 =	simm.s32 $_scs_section_size  }
0x9a: {  	s4 =	simm.s32 $_size__tile_overlayer_lowered;
	s5 =	simm.s32 $_tile_overlayer_lowered  }
0x9b: {  	s22 =	simm.s32 $0x1BFF;
	s21 =	sshll.u32 s5, $0x1;
	s2 =	sadd.s32 s19, s18  }
0x9c: {  	s6 =	simm.s32 $0x0;
	s20 =	sshll.u32 s4, $0x1;
	s4 =	sadd.s32 s21, s2  }
0x9d: {  	[timem:s6], [sflag:s22] =	dma.local [hbm:s4], s20  }
0x9e: {  	_ =	swait.ge [sflag:s22], s20  }
0x9f: {  	s3 =	ssub.s32 $0x0, s20;
	[sflag:s22] =	ssyncset.done $0x0  }
0xa0: {  	[sflag:s22] =	ssyncadd.s32 s3;
	_ =	sdelay $0x1  }
0xa1: {  	s23 =	simm.s32 $0x1B8B  }
0xa2: {  	_ =	swait.ge [sflag:s23], $0x1  }
0xa3: {  	[sflag:s23] =	ssyncset.done $0x0  }
0xa4: {  	s25 =	simm.s32 $0x1B8E;
	s24 =	sld [smem:$0x3FFE];
	[sflag:s23] =	ssyncadd.s32 $0xFFFFFFFF  }
0xa5: {  	s26 =	simm.s32 $execute0_lowered;
	[smem:$0x3FD2] =	sst s25  }
0xa6: {  	s4 =	sshll.u32 s26, $0x1;
	_ =	strace $0x80000046;
	[dreg:$0x1] =	wrdreg $0xFFFFFFFF  }
0xa7: {  	s28 =	simm.s32 $_size_execute0_lowered;
	s2 =	sadd.s32 s2, s4;
	[dreg:$0x0] =	wrdreg $0x0  }
0xa8: {  	s4 =	sshll.u32 s28, $0x1;
	[dreg:$0x2] =	wrdreg s2  }
0xa9: {  	[dreg:$0x3] =	wrdreg s4  }
0xaa: {  	[dreg:$0x4] =	wrdreg $0xC0  }
0xab: {  	_ =	task [dreg:s6], $0x5FFFF  }
0xac: {  	[dreg:$0x1] =	wrdreg $0xFFFFFFFF  }
0xad: {  	[dreg:$0x0] =	wrdreg $0x60  }
0xae: {  	[dreg:$0x2] =	wrdreg s24  }
0xaf: {  	[dreg:$0x3] =	wrdreg $0x0  }
0xb0: {  	[dreg:$0x4] =	wrdreg $0x9  }
0xb1: {  	_ =	task.clear_ibuf [dreg:s6], $0x5FFFF;
	_ =	strace $0x90000046  }
0xb2: {  	s29 =	simm.s32 $0x9;
	_ =	strace $0x80000048  }
0xb3: {  	_ =	swait.ge [sflag:s29], $0x1  }
0xb4: {  	[sflag:s29] =	ssyncadd.s32 $0xFFFFFFFF  }
0xb5: {  	_ =	strace $0x90000048  }
0xb6: {  	_ =	sfence  }
0xb7: {  	s30 =	sld [smem:$0x0];
	_ =	sdelay $0x2  }
0xb8: {  	s31 =	sshll.u32 s1, $0xD;
	s1 =	sshrl.u32 s1, $0x2  }
0xb9: {  	s3 =	sand.u32 $0x4000, s31;
	s1 =	sadd.s32 s1, s30  }
0xba: {  	s0 =	sor.u32 s3, s0;
	s1 =	sshll.u32 s1, $0x11  }
0xbb: {  	s0 =	sor.u32 s1, s0  }
0xbc: {  	s0 =	sadd.s32 $0x8F2B, s0  }
0xbd: {  	[sflag:s0] =	ssyncadd.remote.s32 $0x1  }
0xbe: {  	_ =	sfence.sel $0xFFFF  }
0xbf: {  	[dreg:$0x0] =	wrdreg $0xFFFFFFFF;
	(pc) =	sbr.abs _section_cstart, $3  }
0xc0: {  	[dreg:$0x1] =	wrdreg $0xFFFFFFFF  }
0xc1: {  	_ =	task.clear_ibuf [dreg:s6], $0x2FFFF;
	_ =	strace $0x9FFFFFFF  }
0xc2: {  	(tm) =	ssettm $0x7FFFFFFF  }
0xc3: {  	_ =	shalt  }
tec
execute0_lowered:
.L_overlay_start_1:
0x0: {  	(tag) =	ssettag $0x1  }
0x1: {  	s0 =	rddreg [dreg:$0x0]  }
0x2: {  	s1 =	rddreg [dreg:$0x1];
	s3 =	simm.s32 $0x0  }
0x3: {  	s2 =	srdreg.scid;
	s12 =	stileid.u32;
	s18 =	simm.s32 $0x200  }
0x4: {  	s28 =	simm.s32 $0xFE40;
	s29 =	simm.s32 $0x1;
	s30 =	simm.s32 $0x3  }
0x5: {  	s31 =	simm.s32 $0x40;
	[smem:$0x7FF] =	sst s3;
	s2 =	sand.u32 $0x1, s2  }
0x6: {  	s8 =	sadd.s32 $0x400, s0;
	s4 =	sshll.u32 s12, $0x6;
	s9 =	smul.u32 $0x9C40, s12  }
0x7: {  	s5 =	sadd.s32 $0x13E00, s0;
	s11 =	smul.u32 $0x1388, s12;
	s23 =	sshll.u32 s12, $0x9  }
0x8: {  	s6 =	smul.u32 $0x5000, s2;
	_ =	strace $0x80000047;
	s19 =	ssub.s32 $0x2, s2  }
0x9: {  	s12 =	sadd.s32 s23, s1;
	s23 =	simm.s32 $0x13E40;
	s10 =	sshrl.u32 s19, $0x1  }
0xa: {  	s9 =	sshrl.u32 s9, $0x3;
	s7 =	sor.u32 s6, s4;
	s6 =	sadd.s32 $0x1DE00, s0  }
0xb: {  	s10 =	ssub.s32 s19, s10;
	s20 =	sadd.s32 s8, s9;
	s8 =	sadd.s32 s8, s11  }
0xc: {  	s19 =	simm.s32 $0x5;
	[dreg:$0x3] =	wrdreg s8;
	s21 =	sadd.s32 $0x4E2, s20  }
0xd: {  	s0 =	sadd.s32 s7, s0;
	s22 =	sadd.s32 $0x9C4, s20;
	[dreg:$0x4] =	wrdreg s21  }
0xe: {  	s7 =	smul.u32 $0x28000, s2;
	s2 =	sadd.s32 $0xEA6, s20;
	[dreg:$0x5] =	wrdreg s22  }
0xf: {  	s16 =	smax.u32 s10, $0x1;
	s20 =	simm.s32 $0x2;
	[dreg:$0x6] =	wrdreg s2  }
0x10: {  	s17 =	sadd.s32 $0x27E00, s0;
	s0 =	simm.s32 $0x14040;
	s24 =	sshrl.u32 s7, $0x3  }
0x11: {  	s2 =	simm.s32 $0x11E40;
	s21 =	simm.s32 $0x4;
	s25 =	sadd.s32 s5, s24  }
0x12: {  	v0 =	vlaneseq.u32;
	v4 =	vimm.f32 $0.0e+00;
	s22 =	simm.s32 $0x0;
	s26 =	sadd.s32 s6, s24;
	[dreg:$0x7] =	wrdreg s25  }
0x13: {  	v1 =	vor.u32 $0x10, v0;
	v2 =	vor.u32 $0x20, v0;
	v3 =	vor.u32 $0x30, v0;
	s15 =	sor.u32 $0x4000, s7;
	[dreg:$0x8] =	wrdreg s26;
	s26 =	simm.s32 $0xBE40  }
.LBB2_1:
0x14: {  	s8 =	rddreg [dreg:$0x3]  }
0x15: {  	[tilespmem:s18], [sflag:$0x5] =	stream.linear.gather [hbm4b:s8+s3], $0x2710, $0x38;
	[tilespmem:$0x14080] =	vst v63  }
0x16: {  	_ =	swait.ge [sflag:s19], $0x2710  }
0x17: {  	[sflag:s19] =	ssyncset.done $0x0  }
0x18: {  	s9 =	simm.s32 $0x2910;
	s14 =	rddreg [dreg:$0x4];
	[sflag:s19] =	ssyncadd.s32 $0xFFFFD8F0  }
0x19: {  	[tilespmem:s9], [sflag:$0x5] =	stream.linear.gather [hbm4b:s14+s3], $0x2710, $0x38;
	[tilespmem:$0x14080] =	vst v63  }
0x1a: {  	_ =	swait.ge [sflag:s19], $0x2710  }
0x1b: {  	[sflag:s19] =	ssyncset.done $0x0  }
0x1c: {  	s25 =	simm.s32 $0x5020;
	s24 =	rddreg [dreg:$0x5];
	[sflag:s19] =	ssyncadd.s32 $0xFFFFD8F0  }
0x1d: {  	[tilespmem:s25], [sflag:$0x5] =	stream.linear.gather [hbm4b:s24+s3], $0x2710, $0x38;
	[tilespmem:$0x14080] =	vst v63  }
0x1e: {  	_ =	swait.ge [sflag:s19], $0x2710  }
0x1f: {  	[sflag:s19] =	ssyncset.done $0x0  }
0x20: {  	s11 =	simm.s32 $0x7730;
	s10 =	rddreg [dreg:$0x6];
	[sflag:s19] =	ssyncadd.s32 $0xFFFFD8F0  }
0x21: {  	[tilespmem:s11], [sflag:$0x5] =	stream.linear.gather [hbm4b:s10+s3], $0x2710, $0x38;
	[tilespmem:$0x14080] =	vst v63  }
0x22: {  	_ =	swait.ge [sflag:s19], $0x2710  }
0x23: {  	[sflag:s19] =	ssyncset.done $0x0  }
0x24: {  	[sflag:s19] =	ssyncadd.s32 $0xFFFFD8F0  }
0x25: {  	[tilespmem:$0x14040] =	vst v0  }
0x26: {  	[tilespmem:$0x14050] =	vst v1  }
0x27: {  	[tilespmem:$0x14060] =	vst v2  }
0x28: {  	[tilespmem:$0x14070] =	vst v3  }
0x29: {  	[tilespmem:$0x13E40] =	vst v4  }
0x2a: {  	[tilespmem:$0x13E50] =	vst v4  }
0x2b: {  	[tilespmem:$0x13E60] =	vst v4  }
0x2c: {  	[tilespmem:$0x13E70] =	vst v4  }
0x2d: {  	[tilespmem:$0x13E80] =	vst v4  }
0x2e: {  	[tilespmem:$0x13E90] =	vst v4  }
0x2f: {  	[tilespmem:$0x13EA0] =	vst v4  }
0x30: {  	[tilespmem:$0x13EB0] =	vst v4  }
0x31: {  	[tilespmem:$0x13EC0] =	vst v4  }
0x32: {  	[tilespmem:$0x13ED0] =	vst v4  }
0x33: {  	[tilespmem:$0x13EE0] =	vst v4  }
0x34: {  	[tilespmem:$0x13EF0] =	vst v4  }
0x35: {  	[tilespmem:$0x13F00] =	vst v4  }
0x36: {  	[tilespmem:$0x13F10] =	vst v4  }
0x37: {  	[tilespmem:$0x13F20] =	vst v4  }
0x38: {  	[tilespmem:$0x13F30] =	vst v4  }
0x39: {  	[tilespmem:$0x13F40] =	vst v4  }
0x3a: {  	[tilespmem:$0x13F50] =	vst v4  }
0x3b: {  	[tilespmem:$0x13F60] =	vst v4  }
0x3c: {  	[tilespmem:$0x13F70] =	vst v4  }
0x3d: {  	[tilespmem:$0x13F80] =	vst v4  }
0x3e: {  	[tilespmem:$0x13F90] =	vst v4  }
0x3f: {  	[tilespmem:$0x13FA0] =	vst v4  }
0x40: {  	[tilespmem:$0x13FB0] =	vst v4  }
0x41: {  	[tilespmem:$0x13FC0] =	vst v4  }
0x42: {  	[tilespmem:$0x13FD0] =	vst v4  }
0x43: {  	[tilespmem:$0x13FE0] =	vst v4  }
0x44: {  	[tilespmem:$0x13FF0] =	vst v4  }
0x45: {  	[tilespmem:$0x14000] =	vst v4  }
0x46: {  	[tilespmem:$0x14010] =	vst v4  }
0x47: {  	[tilespmem:$0x14020] =	vst v4  }
0x48: {  	[tilespmem:$0x14030] =	vst v4  }
0x49: {  	[spmem:s12] =	stream.linear.scatter [tilespmem:s23], [sflag:$0x5], $0x200, $0x38;
	[tilespmem:$0x14080] =	vst v63  }
0x4a: {  	_ =	swait.ge [sflag:s19], $0x200  }
0x4b: {  	[sflag:s19] =	ssyncset.done $0x0  }
0x4c: {  	s14 =	simm.s32 $0x9E40;
	s13 =	rddreg [dreg:$0x7];
	[sflag:s19] =	ssyncadd.s32 $0xFFFFFE00  }
0x4d: {  	[tilespmem:s14], [sflag:$0x1] =	stream.linear.gather [hbm4b:s13+s3], $0x2000, $0x38;
	[tilespmem:$0x14080] =	vst v63  }
0x4e: {  	s25 =	simm.s32 $0xDE40;
	s24 =	rddreg [dreg:$0x8]  }
0x4f: {  	[tilespmem:s25], [sflag:$0x3] =	stream.linear.gather [hbm4b:s24+s3], $0x2000, $0x38;
	[tilespmem:$0x14080] =	vst v63  }
0x50: {  	s24 =	simm.s32 $0x0  }
.LBB2_2:
0x51: {  	s25 =	sshllo.u32 s24, $0x1  }
0x52: {  	s8 =	sshll.u32 s25, $0xD  }
0x53: {  	s8 =	sadd.s32 s7, s8  }
0x54: {  	s9 =	sshrl.u32 s8, $0x3  }
0x55: {  	s8 =	simm.s32 $0x0;
	s10 =	sadd.s32 s5, s9  }
0x56: {  	[tilespmem:s26], [sflag:$0x2] =	stream.linear.gather [hbm4b:s10+s8], $0x2000, $0x38;
	[tilespmem:$0x14080] =	vst v63  }
0x57: {  	s9 =	sadd.s32 s6, s9  }
0x58: {  	[tilespmem:s28], [sflag:$0x4] =	stream.linear.gather [hbm4b:s9+s8], $0x2000, $0x38;
	[tilespmem:$0x14080] =	vst v63  }
0x59: {  	_ =	swait.ge [sflag:s29], $0x2000  }
0x5a: {  	[sflag:s29] =	ssyncset.done $0x0  }
0x5b: {  	[sflag:s29] =	ssyncadd.s32 $0xFFFFE000  }
0x5c: {  	_ =	swait.ge [sflag:s30], $0x2000  }
0x5d: {  	[sflag:s30] =	ssyncset.done $0x0  }
0x5e: {  	[sflag:s30] =	ssyncadd.s32 $0xFFFFE000  }
.LBB2_3:
0x5f: {  	s9 =	sshra.s32 s8, $0x2  }
0x60: {  	v5 =	vld [tilespmem:s9+$0x9E40]  }
0x61: {  	v6 =	vld [tilespmem:s9+$0xDE40];
	_ =	sdelay $0x3  }
0x62: {  	v7 =	vadd.s32 $0x2710, v5  }
0x63: {  	v8 =	vadd.s32 $0x2710, v6;
	_ =	sdelay $0x1  }
0x64: {  	v11 =	vadd.s32 $0x4E20, v5;
	v9 =	vld.idx.msk [tilespmem:v5+s18+$0x0], $0xffff  }
0x65: {  	v12 =	vadd.s32 $0x4E20, v6;
	v10 =	vld.idx.msk [tilespmem:v6+s18+$0x0], $0xffff  }
0x66: {  	v7 =	vld.idx.msk [tilespmem:v7+s18+$0x0], $0xffff  }
0x67: {  	v5 =	vadd.s32 $0x7530, v5;
	v8 =	vld.idx.msk [tilespmem:v8+s18+$0x0], $0xffff  }
0x68: {  	v6 =	vadd.s32 $0x7530, v6  }
0x69: {  	v11 =	vld.idx.msk [tilespmem:v11+s18+$0x0], $0xffff;
	v13 =	vunpack.i.u.bf16.f32 v9  }
0x6a: {  	v12 =	vld.idx.msk [tilespmem:v12+s18+$0x0], $0xffff;
	v9 =	vunpack.i.l.bf16.f32 v9;
	v14 =	vunpack.i.u.bf16.f32 v10;
	v10 =	vunpack.i.l.bf16.f32 v10  }
0x6b: {  	v9 =	vmul.f32 v10, v9;
	v31 =	vmul.f32 v14, v13;
	v32 =	vunpack.i.u.bf16.f32 v7  }
0x6c: {  	v5 =	vld.idx.msk [tilespmem:v5+s18+$0x0], $0xffff;
	v7 =	vunpack.i.l.bf16.f32 v7;
	v33 =	vunpack.i.u.bf16.f32 v8;
	v8 =	vunpack.i.l.bf16.f32 v8  }
0x6d: {  	v6 =	vld.idx.msk [tilespmem:v6+s18+$0x0], $0xffff;
	v7 =	vmul.f32 v8, v7;
	v34 =	vmul.f32 v33, v32  }
0x6e: {  	v35 =	vunpack.i.u.bf16.f32 v11  }
0x6f: {  	v37 =	vunpack.i.u.bf16.f32 v12;
	v9 =	vadd.f32 v9, v31;
	v7 =	vadd.f32 v7, v34  }
0x70: {  	v36 =	vunpack.i.l.bf16.f32 v11;
	v38 =	vunpack.i.l.bf16.f32 v12;
	v8 =	vmul.f32 v37, v35  }
0x71: {  	v39 =	vunpack.i.u.bf16.f32 v5;
	v7 =	vadd.f32 v7, v9;
	v9 =	vmul.f32 v38, v36  }
0x72: {  	v41 =	vld [tilespmem:s9+$0x9E50];
	v5 =	vunpack.i.l.bf16.f32 v5;
	v40 =	vunpack.i.u.bf16.f32 v6;
	v6 =	vunpack.i.l.bf16.f32 v6  }
0x73: {  	v42 =	vld [tilespmem:s9+$0xDE50];
	v5 =	vmul.f32 v6, v5;
	v6 =	vmul.f32 v40, v39;
	v8 =	vadd.f32 v9, v8;
	_ =	sdelay $0x1  }
0x74: {  	v5 =	vadd.f32 v5, v6;
	v7 =	vadd.f32 v8, v7;
	_ =	sdelay $0x1  }
0x75: {  	v6 =	vadd.s32 $0x2710, v41;
	v5 =	vadd.f32 v5, v7  }
0x76: {  	v7 =	vadd.s32 $0x2710, v42  }
0x77: {  	[tilespmem:s9+$0x11E40] =	vst v5  }
0x78: {  	v5 =	vld.idx.msk [tilespmem:v41+s18+$0x0], $0xffff  }
0x79: {  	v43 =	vld.idx.msk [tilespmem:v42+s18+$0x0], $0xffff  }
0x7a: {  	v44 =	vadd.s32 $0x4E20, v41;
	v6 =	vld.idx.msk [tilespmem:v6+s18+$0x0], $0xffff  }
0x7b: {  	v45 =	vadd.s32 $0x4E20, v42;
	v7 =	vld.idx.msk [tilespmem:v7+s18+$0x0], $0xffff;
	_ =	sdelay $0x1  }
0x7c: {  	v12 =	vadd.s32 $0x7530, v41  }
0x7d: {  	v9 =	vadd.s32 $0x7530, v42;
	v46 =	vunpack.i.u.bf16.f32 v5  }
0x7e: {  	v10 =	vld.idx.msk [tilespmem:v44+s18+$0x0], $0xffff;
	v5 =	vunpack.i.l.bf16.f32 v5;
	v47 =	vunpack.i.u.bf16.f32 v43;
	v49 =	vunpack.i.u.bf16.f32 v6  }
0x7f: {  	v11 =	vld.idx.msk [tilespmem:v45+s18+$0x0], $0xffff;
	v6 =	vunpack.i.l.bf16.f32 v6;
	v50 =	vunpack.i.u.bf16.f32 v7;
	v7 =	vunpack.i.l.bf16.f32 v7  }
0x80: {  	v8 =	vunpack.i.l.bf16.f32 v43;
	v6 =	vmul.f32 v7, v6;
	v7 =	vmul.f32 v50, v49  }
0x81: {  	v12 =	vld.idx.msk [tilespmem:v12+s18+$0x0], $0xffff;
	v5 =	vmul.f32 v8, v5;
	v48 =	vmul.f32 v47, v46  }
0x82: {  	v6 =	vadd.f32 v6, v7;
	v7 =	vld.idx.msk [tilespmem:v9+s18+$0x0], $0xffff  }
0x83: {  	v5 =	vadd.f32 v5, v48  }
0x84: {  	v51 =	vunpack.i.l.bf16.f32 v10;
	v52 =	vunpack.i.u.bf16.f32 v11  }
0x85: {  	v53 =	vunpack.i.l.bf16.f32 v11;
	v5 =	vadd.f32 v6, v5;
	v6 =	vunpack.i.u.bf16.f32 v10  }
0x86: {  	v57 =	vld [tilespmem:s9+$0x9E60];
	v54 =	vunpack.i.u.bf16.f32 v12;
	v8 =	vmul.f32 v53, v51;
	v6 =	vmul.f32 v52, v6  }
0x87: {  	v59 =	vld [tilespmem:s9+$0xDE60];
	v55 =	vunpack.i.l.bf16.f32 v12;
	v56 =	vunpack.i.u.bf16.f32 v7;
	v7 =	vunpack.i.l.bf16.f32 v7  }
0x88: {  	v6 =	vadd.f32 v8, v6;
	v7 =	vmul.f32 v7, v55;
	v58 =	vmul.f32 v56, v54;
	_ =	sdelay $0x1  }
0x89: {  	v5 =	vadd.f32 v6, v5;
	v6 =	vadd.f32 v7, v58;
	_ =	sdelay $0x1  }
0x8a: {  	v7 =	vadd.s32 $0x2710, v59;
	v5 =	vadd.f32 v6, v5  }
0x8b: {  	v6 =	vadd.s32 $0x2710, v57  }
0x8c: {  	[tilespmem:s9+$0x11E50] =	vst v5  }
0x8d: {  	v5 =	vld.idx.msk [tilespmem:v57+s18+$0x0], $0xffff  }
0x8e: {  	v60 =	vld.idx.msk [tilespmem:v59+s18+$0x0], $0xffff  }
0x8f: {  	v61 =	vadd.s32 $0x4E20, v57;
	v7 =	vld.idx.msk [tilespmem:v7+s18+$0x0], $0xffff  }
0x90: {  	v62 =	vadd.s32 $0x4E20, v59;
	v6 =	vld.idx.msk [tilespmem:v6+s18+$0x0], $0xffff;
	_ =	sdelay $0x1  }
0x91: {  	v12 =	vadd.s32 $0x7530, v57  }
0x92: {  	v9 =	vadd.s32 $0x7530, v59;
	v63 =	vunpack.i.u.bf16.f32 v5  }
0x93: {  	v10 =	vld.idx.msk [tilespmem:v61+s18+$0x0], $0xffff;
	v5 =	vunpack.i.l.bf16.f32 v5;
	v16 =	vunpack.i.u.bf16.f32 v60;
	v19 =	vunpack.i.u.bf16.f32 v7  }
0x94: {  	v11 =	vld.idx.msk [tilespmem:v62+s18+$0x0], $0xffff;
	v7 =	vunpack.i.l.bf16.f32 v7;
	v18 =	vunpack.i.u.bf16.f32 v6;
	v6 =	vunpack.i.l.bf16.f32 v6  }
0x95: {  	v8 =	vunpack.i.l.bf16.f32 v60;
	v6 =	vmul.f32 v7, v6;
	v7 =	vmul.f32 v19, v18  }
0x96: {  	v12 =	vld.idx.msk [tilespmem:v12+s18+$0x0], $0xffff;
	v5 =	vmul.f32 v8, v5;
	v17 =	vmul.f32 v16, v63  }
0x97: {  	v6 =	vadd.f32 v6, v7;
	v7 =	vld.idx.msk [tilespmem:v9+s18+$0x0], $0xffff  }
0x98: {  	v5 =	vadd.f32 v5, v17  }
0x99: {  	v20 =	vunpack.i.l.bf16.f32 v10;
	v21 =	vunpack.i.u.bf16.f32 v11  }
0x9a: {  	v22 =	vunpack.i.l.bf16.f32 v11;
	v5 =	vadd.f32 v6, v5;
	v6 =	vunpack.i.u.bf16.f32 v10  }
0x9b: {  	v26 =	vld [tilespmem:s9+$0x9E70];
	v23 =	vunpack.i.u.bf16.f32 v12;
	v8 =	vmul.f32 v22, v20;
	v6 =	vmul.f32 v21, v6  }
0x9c: {  	v28 =	vld [tilespmem:s9+$0xDE70];
	v24 =	vunpack.i.l.bf16.f32 v12;
	v25 =	vunpack.i.u.bf16.f32 v7;
	v7 =	vunpack.i.l.bf16.f32 v7  }
0x9d: {  	v6 =	vadd.f32 v8, v6;
	v7 =	vmul.f32 v7, v24;
	v27 =	vmul.f32 v25, v23;
	_ =	sdelay $0x1  }
0x9e: {  	v5 =	vadd.f32 v6, v5;
	v6 =	vadd.f32 v7, v27;
	_ =	sdelay $0x1  }
0x9f: {  	v7 =	vadd.s32 $0x2710, v28;
	v5 =	vadd.f32 v6, v5  }
0xa0: {  	v6 =	vadd.s32 $0x2710, v26  }
0xa1: {  	[tilespmem:s9+$0x11E60] =	vst v5  }
0xa2: {  	v5 =	vld.idx.msk [tilespmem:v26+s18+$0x0], $0xffff  }
0xa3: {  	v29 =	vld.idx.msk [tilespmem:v28+s18+$0x0], $0xffff  }
0xa4: {  	v30 =	vadd.s32 $0x4E20, v26;
	v7 =	vld.idx.msk [tilespmem:v7+s18+$0x0], $0xffff  }
0xa5: {  	v31 =	vadd.s32 $0x4E20, v28;
	v6 =	vld.idx.msk [tilespmem:v6+s18+$0x0], $0xffff;
	_ =	sdelay $0x1  }
0xa6: {  	v12 =	vadd.s32 $0x7530, v26  }
0xa7: {  	v9 =	vadd.s32 $0x7530, v28;
	v32 =	vunpack.i.u.bf16.f32 v5  }
0xa8: {  	v10 =	vld.idx.msk [tilespmem:v30+s18+$0x0], $0xffff;
	v5 =	vunpack.i.l.bf16.f32 v5;
	v33 =	vunpack.i.u.bf16.f32 v29;
	v36 =	vunpack.i.u.bf16.f32 v7  }
0xa9: {  	v11 =	vld.idx.msk [tilespmem:v31+s18+$0x0], $0xffff;
	v7 =	vunpack.i.l.bf16.f32 v7;
	v35 =	vunpack.i.u.bf16.f32 v6;
	v6 =	vunpack.i.l.bf16.f32 v6  }
0xaa: {  	v8 =	vunpack.i.l.bf16.f32 v29;
	v6 =	vmul.f32 v7, v6;
	v7 =	vmul.f32 v36, v35  }
0xab: {  	v12 =	vld.idx.msk [tilespmem:v12+s18+$0x0], $0xffff;
	v5 =	vmul.f32 v8, v5;
	v34 =	vmul.f32 v33, v32  }
0xac: {  	v6 =	vadd.f32 v6, v7;
	v7 =	vld.idx.msk [tilespmem:v9+s18+$0x0], $0xffff  }
0xad: {  	v5 =	vadd.f32 v5, v34  }
0xae: {  	v37 =	vunpack.i.l.bf16.f32 v10;
	v38 =	vunpack.i.u.bf16.f32 v11  }
0xaf: {  	v39 =	vunpack.i.l.bf16.f32 v11;
	v5 =	vadd.f32 v6, v5;
	v6 =	vunpack.i.u.bf16.f32 v10  }
0xb0: {  	v45 =	vld [tilespmem:s9+$0xDE80];
	v40 =	vunpack.i.u.bf16.f32 v12;
	v8 =	vmul.f32 v39, v37;
	v6 =	vmul.f32 v38, v6  }
0xb1: {  	v43 =	vld [tilespmem:s9+$0x9E80];
	v41 =	vunpack.i.l.bf16.f32 v12;
	v42 =	vunpack.i.u.bf16.f32 v7;
	v7 =	vunpack.i.l.bf16.f32 v7  }
0xb2: {  	v6 =	vadd.f32 v8, v6;
	v7 =	vmul.f32 v7, v41;
	v44 =	vmul.f32 v42, v40;
	_ =	sdelay $0x1  }
0xb3: {  	v5 =	vadd.f32 v6, v5;
	v6 =	vadd.f32 v7, v44;
	_ =	sdelay $0x1  }
0xb4: {  	v7 =	vadd.s32 $0x2710, v45;
	v5 =	vadd.f32 v6, v5  }
0xb5: {  	v6 =	vadd.s32 $0x2710, v43  }
0xb6: {  	[tilespmem:s9+$0x11E70] =	vst v5  }
0xb7: {  	v5 =	vld.idx.msk [tilespmem:v43+s18+$0x0], $0xffff  }
0xb8: {  	v46 =	vld.idx.msk [tilespmem:v45+s18+$0x0], $0xffff  }
0xb9: {  	v47 =	vadd.s32 $0x4E20, v43;
	v7 =	vld.idx.msk [tilespmem:v7+s18+$0x0], $0xffff  }
0xba: {  	v48 =	vadd.s32 $0x4E20, v45;
	v6 =	vld.idx.msk [tilespmem:v6+s18+$0x0], $0xffff;
	_ =	sdelay $0x1  }
0xbb: {  	v12 =	vadd.s32 $0x7530, v43  }
0xbc: {  	v9 =	vadd.s32 $0x7530, v45;
	v49 =	vunpack.i.u.bf16.f32 v5  }
0xbd: {  	v10 =	vld.idx.msk [tilespmem:v47+s18+$0x0], $0xffff;
	v5 =	vunpack.i.l.bf16.f32 v5;
	v50 =	vunpack.i.u.bf16.f32 v46;
	v53 =	vunpack.i.u.bf16.f32 v7  }
0xbe: {  	v11 =	vld.idx.msk [tilespmem:v48+s18+$0x0], $0xffff;
	v7 =	vunpack.i.l.bf16.f32 v7;
	v52 =	vunpack.i.u.bf16.f32 v6;
	v6 =	vunpack.i.l.bf16.f32 v6  }
0xbf: {  	v8 =	vunpack.i.l.bf16.f32 v46;
	v6 =	vmul.f32 v7, v6;
	v7 =	vmul.f32 v53, v52  }
0xc0: {  	v12 =	vld.idx.msk [tilespmem:v12+s18+$0x0], $0xffff;
	v5 =	vmul.f32 v8, v5;
	v51 =	vmul.f32 v50, v49  }
0xc1: {  	v6 =	vadd.f32 v6, v7;
	v7 =	vld.idx.msk [tilespmem:v9+s18+$0x0], $0xffff  }
0xc2: {  	v5 =	vadd.f32 v5, v51  }
0xc3: {  	v54 =	vunpack.i.l.bf16.f32 v10;
	v55 =	vunpack.i.u.bf16.f32 v11  }
0xc4: {  	v56 =	vunpack.i.l.bf16.f32 v11;
	v5 =	vadd.f32 v6, v5;
	v6 =	vunpack.i.u.bf16.f32 v10  }
0xc5: {  	v62 =	vld [tilespmem:s9+$0xDE90];
	v57 =	vunpack.i.u.bf16.f32 v12;
	v8 =	vmul.f32 v56, v54;
	v6 =	vmul.f32 v55, v6  }
0xc6: {  	v60 =	vld [tilespmem:s9+$0x9E90];
	v58 =	vunpack.i.l.bf16.f32 v12;
	v59 =	vunpack.i.u.bf16.f32 v7;
	v7 =	vunpack.i.l.bf16.f32 v7  }
0xc7: {  	v6 =	vadd.f32 v8, v6;
	v7 =	vmul.f32 v7, v58;
	v61 =	vmul.f32 v59, v57;
	_ =	sdelay $0x1  }
0xc8: {  	v5 =	vadd.f32 v6, v5;
	v6 =	vadd.f32 v7, v61;
	_ =	sdelay $0x1  }
0xc9: {  	v7 =	vadd.s32 $0x2710, v62;
	v5 =	vadd.f32 v6, v5  }
0xca: {  	v6 =	vadd.s32 $0x2710, v60  }
0xcb: {  	[tilespmem:s9+$0x11E80] =	vst v5  }
0xcc: {  	v5 =	vld.idx.msk [tilespmem:v60+s18+$0x0], $0xffff  }
0xcd: {  	v63 =	vld.idx.msk [tilespmem:v62+s18+$0x0], $0xffff  }
0xce: {  	v16 =	vadd.s32 $0x4E20, v60;
	v7 =	vld.idx.msk [tilespmem:v7+s18+$0x0], $0xffff  }
0xcf: {  	v17 =	vadd.s32 $0x4E20, v62;
	v6 =	vld.idx.msk [tilespmem:v6+s18+$0x0], $0xffff;
	_ =	sdelay $0x1  }
0xd0: {  	v12 =	vadd.s32 $0x7530, v60  }
0xd1: {  	v9 =	vadd.s32 $0x7530, v62;
	v18 =	vunpack.i.u.bf16.f32 v5  }
0xd2: {  	v10 =	vld.idx.msk [tilespmem:v16+s18+$0x0], $0xffff;
	v5 =	vunpack.i.l.bf16.f32 v5;
	v19 =	vunpack.i.u.bf16.f32 v63;
	v22 =	vunpack.i.u.bf16.f32 v7  }
0xd3: {  	v11 =	vld.idx.msk [tilespmem:v17+s18+$0x0], $0xffff;
	v7 =	vunpack.i.l.bf16.f32 v7;
	v21 =	vunpack.i.u.bf16.f32 v6;
	v6 =	vunpack.i.l.bf16.f32 v6  }
0xd4: {  	v8 =	vunpack.i.l.bf16.f32 v63;
	v6 =	vmul.f32 v7, v6;
	v7 =	vmul.f32 v22, v21  }
0xd5: {  	v12 =	vld.idx.msk [tilespmem:v12+s18+$0x0], $0xffff;
	v5 =	vmul.f32 v8, v5;
	v20 =	vmul.f32 v19, v18  }
0xd6: {  	v6 =	vadd.f32 v6, v7;
	v7 =	vld.idx.msk [tilespmem:v9+s18+$0x0], $0xffff  }
0xd7: {  	v5 =	vadd.f32 v5, v20  }
0xd8: {  	v23 =	vunpack.i.l.bf16.f32 v10;
	v24 =	vunpack.i.u.bf16.f32 v11  }
0xd9: {  	v25 =	vunpack.i.l.bf16.f32 v11;
	v5 =	vadd.f32 v6, v5;
	v6 =	vunpack.i.u.bf16.f32 v10  }
0xda: {  	v31 =	vld [tilespmem:s9+$0xDEA0];
	v26 =	vunpack.i.u.bf16.f32 v12;
	v8 =	vmul.f32 v25, v23;
	v6 =	vmul.f32 v24, v6  }
0xdb: {  	v29 =	vld [tilespmem:s9+$0x9EA0];
	v27 =	vunpack.i.l.bf16.f32 v12;
	v28 =	vunpack.i.u.bf16.f32 v7;
	v7 =	vunpack.i.l.bf16.f32 v7  }
0xdc: {  	v6 =	vadd.f32 v8, v6;
	v7 =	vmul.f32 v7, v27;
	v30 =	vmul.f32 v28, v26;
	_ =	sdelay $0x1  }
0xdd: {  	v5 =	vadd.f32 v6, v5;
	v6 =	vadd.f32 v7, v30;
	_ =	sdelay $0x1  }
0xde: {  	v7 =	vadd.s32 $0x2710, v31;
	v5 =	vadd.f32 v6, v5  }
0xdf: {  	v6 =	vadd.s32 $0x2710, v29  }
0xe0: {  	[tilespmem:s9+$0x11E90] =	vst v5  }
0xe1: {  	v5 =	vld.idx.msk [tilespmem:v29+s18+$0x0], $0xffff  }
0xe2: {  	v32 =	vld.idx.msk [tilespmem:v31+s18+$0x0], $0xffff  }
0xe3: {  	v33 =	vadd.s32 $0x4E20, v29;
	v7 =	vld.idx.msk [tilespmem:v7+s18+$0x0], $0xffff  }
0xe4: {  	v34 =	vadd.s32 $0x4E20, v31;
	v6 =	vld.idx.msk [tilespmem:v6+s18+$0x0], $0xffff;
	_ =	sdelay $0x1  }
0xe5: {  	v12 =	vadd.s32 $0x7530, v29  }
0xe6: {  	v9 =	vadd.s32 $0x7530, v31;
	v35 =	vunpack.i.u.bf16.f32 v5  }
0xe7: {  	v10 =	vld.idx.msk [tilespmem:v33+s18+$0x0], $0xffff;
	v5 =	vunpack.i.l.bf16.f32 v5;
	v36 =	vunpack.i.u.bf16.f32 v32;
	v39 =	vunpack.i.u.bf16.f32 v7  }
0xe8: {  	v11 =	vld.idx.msk [tilespmem:v34+s18+$0x0], $0xffff;
	v7 =	vunpack.i.l.bf16.f32 v7;
	v38 =	vunpack.i.u.bf16.f32 v6;
	v6 =	vunpack.i.l.bf16.f32 v6  }
0xe9: {  	v8 =	vunpack.i.l.bf16.f32 v32;
	v6 =	vmul.f32 v7, v6;
	v7 =	vmul.f32 v39, v38  }
0xea: {  	v12 =	vld.idx.msk [tilespmem:v12+s18+$0x0], $0xffff;
	v5 =	vmul.f32 v8, v5;
	v37 =	vmul.f32 v36, v35  }
0xeb: {  	v6 =	vadd.f32 v6, v7;
	v7 =	vld.idx.msk [tilespmem:v9+s18+$0x0], $0xffff  }
0xec: {  	v5 =	vadd.f32 v5, v37  }
0xed: {  	v40 =	vunpack.i.l.bf16.f32 v10;
	v41 =	vunpack.i.u.bf16.f32 v11  }
0xee: {  	v42 =	vunpack.i.l.bf16.f32 v11;
	v5 =	vadd.f32 v6, v5;
	v6 =	vunpack.i.u.bf16.f32 v10  }
0xef: {  	v48 =	vld [tilespmem:s9+$0xDEB0];
	v43 =	vunpack.i.u.bf16.f32 v12;
	v8 =	vmul.f32 v42, v40;
	v6 =	vmul.f32 v41, v6  }
0xf0: {  	v46 =	vld [tilespmem:s9+$0x9EB0];
	v44 =	vunpack.i.l.bf16.f32 v12;
	v45 =	vunpack.i.u.bf16.f32 v7;
	v7 =	vunpack.i.l.bf16.f32 v7  }
0xf1: {  	v6 =	vadd.f32 v8, v6;
	v7 =	vmul.f32 v7, v44;
	v47 =	vmul.f32 v45, v43;
	_ =	sdelay $0x1  }
0xf2: {  	v5 =	vadd.f32 v6, v5;
	v6 =	vadd.f32 v7, v47;
	_ =	sdelay $0x1  }
0xf3: {  	v7 =	vadd.s32 $0x2710, v48;
	v5 =	vadd.f32 v6, v5  }
0xf4: {  	v6 =	vadd.s32 $0x2710, v46  }
0xf5: {  	[tilespmem:s9+$0x11EA0] =	vst v5  }
0xf6: {  	v5 =	vld.idx.msk [tilespmem:v46+s18+$0x0], $0xffff  }
0xf7: {  	v49 =	vld.idx.msk [tilespmem:v48+s18+$0x0], $0xffff  }
0xf8: {  	v50 =	vadd.s32 $0x4E20, v46;
	v7 =	vld.idx.msk [tilespmem:v7+s18+$0x0], $0xffff  }
0xf9: {  	v51 =	vadd.s32 $0x4E20, v48;
	v6 =	vld.idx.msk [tilespmem:v6+s18+$0x0], $0xffff;
	_ =	sdelay $0x1  }
0xfa: {  	v12 =	vadd.s32 $0x7530, v46  }
0xfb: {  	v9 =	vadd.s32 $0x7530, v48;
	v52 =	vunpack.i.u.bf16.f32 v5  }
0xfc: {  	v10 =	vld.idx.msk [tilespmem:v50+s18+$0x0], $0xffff;
	v5 =	vunpack.i.l.bf16.f32 v5;
	v53 =	vunpack.i.u.bf16.f32 v49;
	v56 =	vunpack.i.u.bf16.f32 v7  }
0xfd: {  	v11 =	vld.idx.msk [tilespmem:v51+s18+$0x0], $0xffff;
	v7 =	vunpack.i.l.bf16.f32 v7;
	v55 =	vunpack.i.u.bf16.f32 v6;
	v6 =	vunpack.i.l.bf16.f32 v6  }
0xfe: {  	v8 =	vunpack.i.l.bf16.f32 v49;
	v6 =	vmul.f32 v7, v6;
	v7 =	vmul.f32 v56, v55  }
0xff: {  	v12 =	vld.idx.msk [tilespmem:v12+s18+$0x0], $0xffff;
	v5 =	vmul.f32 v8, v5;
	v54 =	vmul.f32 v53, v52  }
0x100: {  	v6 =	vadd.f32 v6, v7;
	v7 =	vld.idx.msk [tilespmem:v9+s18+$0x0], $0xffff  }
0x101: {  	v5 =	vadd.f32 v5, v54  }
0x102: {  	v57 =	vunpack.i.l.bf16.f32 v10;
	v58 =	vunpack.i.u.bf16.f32 v11  }
0x103: {  	v59 =	vunpack.i.l.bf16.f32 v11;
	v5 =	vadd.f32 v6, v5;
	v6 =	vunpack.i.u.bf16.f32 v10  }
0x104: {  	v60 =	vunpack.i.u.bf16.f32 v12;
	v8 =	vmul.f32 v59, v57;
	v6 =	vmul.f32 v58, v6  }
0x105: {  	v61 =	vunpack.i.l.bf16.f32 v12;
	v62 =	vunpack.i.u.bf16.f32 v7;
	v7 =	vunpack.i.l.bf16.f32 v7  }
0x106: {  	v6 =	vadd.f32 v8, v6;
	v7 =	vmul.f32 v7, v61;
	v63 =	vmul.f32 v62, v60  }
0x107: {  	p0 =	sne.s32 s8, $0x7E00  }
.Ltmp0:
0x108: {  	v5 =	vadd.f32 v6, v5;
	v6 =	vadd.f32 v7, v63;
	(pc) =	sbr.rel @p0 .LBB2_3-.Ltmp0, $3  }
0x109: {  	_ = 	snop  }
0x10a: {  	v5 =	vadd.f32 v6, v5;
	_ =	sdelay $0x1  }
0x10b: {  	s8 =	sadd.s32 $0x200, s8;
	[tilespmem:s9+$0x11EB0] =	vst v5  }
0x10c: {  	[bflag:$0x0] =	sbarrier.arrive $0xFFFF  }
0x10d: {  	[spmem:s1] =	stream.indirect.scatter.add.f32 [tilespmem:s2], [sflag:$0x5], $0x80, s0, s31, $0xb8;
	[tilespmem:$0x14080] =	vst v63  }
0x10e: {  	_ =	swait.ge [sflag:s19], $0x2000  }
0x10f: {  	[sflag:s19] =	ssyncset.done $0x0  }
0x110: {  	s8 =	sshll.u32 s24, $0xB;
	s9 =	sshrl.u32 s12, $0x3;
	[sflag:s19] =	ssyncadd.s32 $0xFFFFE000  }
0x111: {  	s10 =	sadd.s32 s17, s8;
	s8 =	sor.u32 $0x1C05, s4;
	[bflag:$0x0] =	sbarrier.arrive $0xFFFF  }
0x112: {  	[hbm:s10], [sflag:s8] =	dma.local [spmem:s9], $0x40  }
0x113: {  	_ =	swait.ge [sflag:s19], $0x40  }
0x114: {  	p0 =	seq.s32 s24, $0x9;
	[sflag:s19] =	ssyncset.done $0x0  }
0x115: {  	s10 =	sshll.u32 @!p0 s24, $0xE;
	[sflag:s19] =	ssyncadd.s32 $0xFFFFFFC0  }
0x116: {  	[spmem:s12] =	stream.linear.scatter [tilespmem:s23], [sflag:$0x5], $0x200, $0x38;
	[tilespmem:$0x14080] =	vst v63  }
0x117: {  	s10 =	sadd.s32 @!p0 s10, s15;
	_ =	swait.ge [sflag:s19], $0x200  }
0x118: {  	s13 =	simm.s32 @!p0 $0x0;
	s10 =	sshrl.u32 @!p0 s10, $0x3;
	[sflag:s19] =	ssyncset.done $0x0  }
0x119: {  	s14 =	simm.s32 @!p0 $0x9E40;
	s11 =	sadd.s32 @!p0 s5, s10;
	[sflag:s19] =	ssyncadd.s32 $0xFFFFFE00  }
0x11a: {  	[tilespmem:s14], [sflag:$0x1] =	stream.linear.gather @!p0 [hbm4b:s11+s13], $0x2000, $0x38;
	[tilespmem:$0x14080] =	vst v63  }
0x11b: {  	s10 =	sadd.s32 @!p0 s6, s10;
	s11 =	simm.s32 @!p0 $0xDE40  }
0x11c: {  	[tilespmem:s11], [sflag:$0x3] =	stream.linear.gather @!p0 [hbm4b:s10+s13], $0x2000, $0x38;
	[tilespmem:$0x14080] =	vst v63  }
0x11d: {  	_ =	swait.ge [sflag:s20], $0x2000  }
0x11e: {  	[sflag:s20] =	ssyncset.done $0x0  }
0x11f: {  	[sflag:s20] =	ssyncadd.s32 $0xFFFFE000  }
0x120: {  	_ =	swait.ge [sflag:s21], $0x2000  }
0x121: {  	[sflag:s21] =	ssyncset.done $0x0  }
0x122: {  	s10 =	simm.s32 $0x0;
	[sflag:s21] =	ssyncadd.s32 $0xFFFFE000  }
.LBB2_5:
0x123: {  	s11 =	sshra.s32 s10, $0x2  }
0x124: {  	v5 =	vld [tilespmem:s11+$0xBE40]  }
0x125: {  	v6 =	vld [tilespmem:s11+$0xFE40];
	_ =	sdelay $0x3  }
0x126: {  	v7 =	vadd.s32 $0x2710, v5  }
0x127: {  	v8 =	vadd.s32 $0x2710, v6;
	_ =	sdelay $0x1  }
0x128: {  	v11 =	vadd.s32 $0x4E20, v5;
	v9 =	vld.idx.msk [tilespmem:v5+s18+$0x0], $0xffff  }
0x129: {  	v12 =	vadd.s32 $0x4E20, v6;
	v10 =	vld.idx.msk [tilespmem:v6+s18+$0x0], $0xffff  }
0x12a: {  	v7 =	vld.idx.msk [tilespmem:v7+s18+$0x0], $0xffff  }
0x12b: {  	v5 =	vadd.s32 $0x7530, v5;
	v8 =	vld.idx.msk [tilespmem:v8+s18+$0x0], $0xffff  }
0x12c: {  	v6 =	vadd.s32 $0x7530, v6  }
0x12d: {  	v11 =	vld.idx.msk [tilespmem:v11+s18+$0x0], $0xffff;
	v13 =	vunpack.i.u.bf16.f32 v9  }
0x12e: {  	v12 =	vld.idx.msk [tilespmem:v12+s18+$0x0], $0xffff;
	v9 =	vunpack.i.l.bf16.f32 v9;
	v14 =	vunpack.i.u.bf16.f32 v10;
	v10 =	vunpack.i.l.bf16.f32 v10  }
0x12f: {  	v9 =	vmul.f32 v10, v9;
	v31 =	vmul.f32 v14, v13;
	v32 =	vunpack.i.u.bf16.f32 v7  }
0x130: {  	v5 =	vld.idx.msk [tilespmem:v5+s18+$0x0], $0xffff;
	v7 =	vunpack.i.l.bf16.f32 v7;
	v33 =	vunpack.i.u.bf16.f32 v8;
	v8 =	vunpack.i.l.bf16.f32 v8  }
0x131: {  	v6 =	vld.idx.msk [tilespmem:v6+s18+$0x0], $0xffff;
	v7 =	vmul.f32 v8, v7;
	v34 =	vmul.f32 v33, v32  }
0x132: {  	v35 =	vunpack.i.u.bf16.f32 v11  }
0x133: {  	v37 =	vunpack.i.u.bf16.f32 v12;
	v9 =	vadd.f32 v9, v31;
	v7 =	vadd.f32 v7, v34  }
0x134: {  	v36 =	vunpack.i.l.bf16.f32 v11;
	v38 =	vunpack.i.l.bf16.f32 v12;
	v8 =	vmul.f32 v37, v35  }
0x135: {  	v39 =	vunpack.i.u.bf16.f32 v5;
	v7 =	vadd.f32 v7, v9;
	v9 =	vmul.f32 v38, v36  }
0x136: {  	v41 =	vld [tilespmem:s11+$0xBE50];
	v5 =	vunpack.i.l.bf16.f32 v5;
	v40 =	vunpack.i.u.bf16.f32 v6;
	v6 =	vunpack.i.l.bf16.f32 v6  }
0x137: {  	v42 =	vld [tilespmem:s11+$0xFE50];
	v5 =	vmul.f32 v6, v5;
	v6 =	vmul.f32 v40, v39;
	v8 =	vadd.f32 v9, v8;
	_ =	sdelay $0x1  }
0x138: {  	v5 =	vadd.f32 v5, v6;
	v7 =	vadd.f32 v8, v7;
	_ =	sdelay $0x1  }
0x139: {  	v6 =	vadd.s32 $0x2710, v41;
	v5 =	vadd.f32 v5, v7  }
0x13a: {  	v7 =	vadd.s32 $0x2710, v42  }
0x13b: {  	[tilespmem:s11+$0x11E40] =	vst v5  }
0x13c: {  	v5 =	vld.idx.msk [tilespmem:v41+s18+$0x0], $0xffff  }
0x13d: {  	v43 =	vld.idx.msk [tilespmem:v42+s18+$0x0], $0xffff  }
0x13e: {  	v44 =	vadd.s32 $0x4E20, v41;
	v6 =	vld.idx.msk [tilespmem:v6+s18+$0x0], $0xffff  }
0x13f: {  	v45 =	vadd.s32 $0x4E20, v42;
	v7 =	vld.idx.msk [tilespmem:v7+s18+$0x0], $0xffff;
	_ =	sdelay $0x1  }
0x140: {  	v12 =	vadd.s32 $0x7530, v41  }
0x141: {  	v9 =	vadd.s32 $0x7530, v42;
	v46 =	vunpack.i.u.bf16.f32 v5  }
0x142: {  	v10 =	vld.idx.msk [tilespmem:v44+s18+$0x0], $0xffff;
	v5 =	vunpack.i.l.bf16.f32 v5;
	v47 =	vunpack.i.u.bf16.f32 v43;
	v49 =	vunpack.i.u.bf16.f32 v6  }
0x143: {  	v11 =	vld.idx.msk [tilespmem:v45+s18+$0x0], $0xffff;
	v6 =	vunpack.i.l.bf16.f32 v6;
	v50 =	vunpack.i.u.bf16.f32 v7;
	v7 =	vunpack.i.l.bf16.f32 v7  }
0x144: {  	v8 =	vunpack.i.l.bf16.f32 v43;
	v6 =	vmul.f32 v7, v6;
	v7 =	vmul.f32 v50, v49  }
0x145: {  	v12 =	vld.idx.msk [tilespmem:v12+s18+$0x0], $0xffff;
	v5 =	vmul.f32 v8, v5;
	v48 =	vmul.f32 v47, v46  }
0x146: {  	v6 =	vadd.f32 v6, v7;
	v7 =	vld.idx.msk [tilespmem:v9+s18+$0x0], $0xffff  }
0x147: {  	v5 =	vadd.f32 v5, v48  }
0x148: {  	v51 =	vunpack.i.l.bf16.f32 v10;
	v52 =	vunpack.i.u.bf16.f32 v11  }
0x149: {  	v53 =	vunpack.i.l.bf16.f32 v11;
	v5 =	vadd.f32 v6, v5;
	v6 =	vunpack.i.u.bf16.f32 v10  }
0x14a: {  	v57 =	vld [tilespmem:s11+$0xBE60];
	v54 =	vunpack.i.u.bf16.f32 v12;
	v8 =	vmul.f32 v53, v51;
	v6 =	vmul.f32 v52, v6  }
0x14b: {  	v59 =	vld [tilespmem:s11+$0xFE60];
	v55 =	vunpack.i.l.bf16.f32 v12;
	v56 =	vunpack.i.u.bf16.f32 v7;
	v7 =	vunpack.i.l.bf16.f32 v7  }
0x14c: {  	v6 =	vadd.f32 v8, v6;
	v7 =	vmul.f32 v7, v55;
	v58 =	vmul.f32 v56, v54;
	_ =	sdelay $0x1  }
0x14d: {  	v5 =	vadd.f32 v6, v5;
	v6 =	vadd.f32 v7, v58;
	_ =	sdelay $0x1  }
0x14e: {  	v7 =	vadd.s32 $0x2710, v59;
	v5 =	vadd.f32 v6, v5  }
0x14f: {  	v6 =	vadd.s32 $0x2710, v57  }
0x150: {  	[tilespmem:s11+$0x11E50] =	vst v5  }
0x151: {  	v5 =	vld.idx.msk [tilespmem:v57+s18+$0x0], $0xffff  }
0x152: {  	v60 =	vld.idx.msk [tilespmem:v59+s18+$0x0], $0xffff  }
0x153: {  	v61 =	vadd.s32 $0x4E20, v57;
	v7 =	vld.idx.msk [tilespmem:v7+s18+$0x0], $0xffff  }
0x154: {  	v62 =	vadd.s32 $0x4E20, v59;
	v6 =	vld.idx.msk [tilespmem:v6+s18+$0x0], $0xffff;
	_ =	sdelay $0x1  }
0x155: {  	v12 =	vadd.s32 $0x7530, v57  }
0x156: {  	v9 =	vadd.s32 $0x7530, v59;
	v63 =	vunpack.i.u.bf16.f32 v5  }
0x157: {  	v10 =	vld.idx.msk [tilespmem:v61+s18+$0x0], $0xffff;
	v5 =	vunpack.i.l.bf16.f32 v5;
	v16 =	vunpack.i.u.bf16.f32 v60;
	v19 =	vunpack.i.u.bf16.f32 v7  }
0x158: {  	v11 =	vld.idx.msk [tilespmem:v62+s18+$0x0], $0xffff;
	v7 =	vunpack.i.l.bf16.f32 v7;
	v18 =	vunpack.i.u.bf16.f32 v6;
	v6 =	vunpack.i.l.bf16.f32 v6  }
0x159: {  	v8 =	vunpack.i.l.bf16.f32 v60;
	v6 =	vmul.f32 v7, v6;
	v7 =	vmul.f32 v19, v18  }
0x15a: {  	v12 =	vld.idx.msk [tilespmem:v12+s18+$0x0], $0xffff;
	v5 =	vmul.f32 v8, v5;
	v17 =	vmul.f32 v16, v63  }
0x15b: {  	v6 =	vadd.f32 v6, v7;
	v7 =	vld.idx.msk [tilespmem:v9+s18+$0x0], $0xffff  }
0x15c: {  	v5 =	vadd.f32 v5, v17  }
0x15d: {  	v20 =	vunpack.i.l.bf16.f32 v10;
	v21 =	vunpack.i.u.bf16.f32 v11  }
0x15e: {  	v22 =	vunpack.i.l.bf16.f32 v11;
	v5 =	vadd.f32 v6, v5;
	v6 =	vunpack.i.u.bf16.f32 v10  }
0x15f: {  	v26 =	vld [tilespmem:s11+$0xBE70];
	v23 =	vunpack.i.u.bf16.f32 v12;
	v8 =	vmul.f32 v22, v20;
	v6 =	vmul.f32 v21, v6  }
0x160: {  	v28 =	vld [tilespmem:s11+$0xFE70];
	v24 =	vunpack.i.l.bf16.f32 v12;
	v25 =	vunpack.i.u.bf16.f32 v7;
	v7 =	vunpack.i.l.bf16.f32 v7  }
0x161: {  	v6 =	vadd.f32 v8, v6;
	v7 =	vmul.f32 v7, v24;
	v27 =	vmul.f32 v25, v23;
	_ =	sdelay $0x1  }
0x162: {  	v5 =	vadd.f32 v6, v5;
	v6 =	vadd.f32 v7, v27;
	_ =	sdelay $0x1  }
0x163: {  	v7 =	vadd.s32 $0x2710, v28;
	v5 =	vadd.f32 v6, v5  }
0x164: {  	v6 =	vadd.s32 $0x2710, v26  }
0x165: {  	[tilespmem:s11+$0x11E60] =	vst v5  }
0x166: {  	v5 =	vld.idx.msk [tilespmem:v26+s18+$0x0], $0xffff  }
0x167: {  	v29 =	vld.idx.msk [tilespmem:v28+s18+$0x0], $0xffff  }
0x168: {  	v30 =	vadd.s32 $0x4E20, v26;
	v7 =	vld.idx.msk [tilespmem:v7+s18+$0x0], $0xffff  }
0x169: {  	v31 =	vadd.s32 $0x4E20, v28;
	v6 =	vld.idx.msk [tilespmem:v6+s18+$0x0], $0xffff;
	_ =	sdelay $0x1  }
0x16a: {  	v12 =	vadd.s32 $0x7530, v26  }
0x16b: {  	v9 =	vadd.s32 $0x7530, v28;
	v32 =	vunpack.i.u.bf16.f32 v5  }
0x16c: {  	v10 =	vld.idx.msk [tilespmem:v30+s18+$0x0], $0xffff;
	v5 =	vunpack.i.l.bf16.f32 v5;
	v33 =	vunpack.i.u.bf16.f32 v29;
	v36 =	vunpack.i.u.bf16.f32 v7  }
0x16d: {  	v11 =	vld.idx.msk [tilespmem:v31+s18+$0x0], $0xffff;
	v7 =	vunpack.i.l.bf16.f32 v7;
	v35 =	vunpack.i.u.bf16.f32 v6;
	v6 =	vunpack.i.l.bf16.f32 v6  }
0x16e: {  	v8 =	vunpack.i.l.bf16.f32 v29;
	v6 =	vmul.f32 v7, v6;
	v7 =	vmul.f32 v36, v35  }
0x16f: {  	v12 =	vld.idx.msk [tilespmem:v12+s18+$0x0], $0xffff;
	v5 =	vmul.f32 v8, v5;
	v34 =	vmul.f32 v33, v32  }
0x170: {  	v6 =	vadd.f32 v6, v7;
	v7 =	vld.idx.msk [tilespmem:v9+s18+$0x0], $0xffff  }
0x171: {  	v5 =	vadd.f32 v5, v34  }
0x172: {  	v37 =	vunpack.i.l.bf16.f32 v10;
	v38 =	vunpack.i.u.bf16.f32 v11  }
0x173: {  	v39 =	vunpack.i.l.bf16.f32 v11;
	v5 =	vadd.f32 v6, v5;
	v6 =	vunpack.i.u.bf16.f32 v10  }
0x174: {  	v45 =	vld [tilespmem:s11+$0xFE80];
	v40 =	vunpack.i.u.bf16.f32 v12;
	v8 =	vmul.f32 v39, v37;
	v6 =	vmul.f32 v38, v6  }
0x175: {  	v43 =	vld [tilespmem:s11+$0xBE80];
	v41 =	vunpack.i.l.bf16.f32 v12;
	v42 =	vunpack.i.u.bf16.f32 v7;
	v7 =	vunpack.i.l.bf16.f32 v7  }
0x176: {  	v6 =	vadd.f32 v8, v6;
	v7 =	vmul.f32 v7, v41;
	v44 =	vmul.f32 v42, v40;
	_ =	sdelay $0x1  }
0x177: {  	v5 =	vadd.f32 v6, v5;
	v6 =	vadd.f32 v7, v44;
	_ =	sdelay $0x1  }
0x178: {  	v7 =	vadd.s32 $0x2710, v45;
	v5 =	vadd.f32 v6, v5  }
0x179: {  	v6 =	vadd.s32 $0x2710, v43  }
0x17a: {  	[tilespmem:s11+$0x11E70] =	vst v5  }
0x17b: {  	v5 =	vld.idx.msk [tilespmem:v43+s18+$0x0], $0xffff  }
0x17c: {  	v46 =	vld.idx.msk [tilespmem:v45+s18+$0x0], $0xffff  }
0x17d: {  	v47 =	vadd.s32 $0x4E20, v43;
	v7 =	vld.idx.msk [tilespmem:v7+s18+$0x0], $0xffff  }
0x17e: {  	v48 =	vadd.s32 $0x4E20, v45;
	v6 =	vld.idx.msk [tilespmem:v6+s18+$0x0], $0xffff;
	_ =	sdelay $0x1  }
0x17f: {  	v12 =	vadd.s32 $0x7530, v43  }
0x180: {  	v9 =	vadd.s32 $0x7530, v45;
	v49 =	vunpack.i.u.bf16.f32 v5  }
0x181: {  	v10 =	vld.idx.msk [tilespmem:v47+s18+$0x0], $0xffff;
	v5 =	vunpack.i.l.bf16.f32 v5;
	v50 =	vunpack.i.u.bf16.f32 v46;
	v53 =	vunpack.i.u.bf16.f32 v7  }
0x182: {  	v11 =	vld.idx.msk [tilespmem:v48+s18+$0x0], $0xffff;
	v7 =	vunpack.i.l.bf16.f32 v7;
	v52 =	vunpack.i.u.bf16.f32 v6;
	v6 =	vunpack.i.l.bf16.f32 v6  }
0x183: {  	v8 =	vunpack.i.l.bf16.f32 v46;
	v6 =	vmul.f32 v7, v6;
	v7 =	vmul.f32 v53, v52  }
0x184: {  	v12 =	vld.idx.msk [tilespmem:v12+s18+$0x0], $0xffff;
	v5 =	vmul.f32 v8, v5;
	v51 =	vmul.f32 v50, v49  }
0x185: {  	v6 =	vadd.f32 v6, v7;
	v7 =	vld.idx.msk [tilespmem:v9+s18+$0x0], $0xffff  }
0x186: {  	v5 =	vadd.f32 v5, v51  }
0x187: {  	v54 =	vunpack.i.l.bf16.f32 v10;
	v55 =	vunpack.i.u.bf16.f32 v11  }
0x188: {  	v56 =	vunpack.i.l.bf16.f32 v11;
	v5 =	vadd.f32 v6, v5;
	v6 =	vunpack.i.u.bf16.f32 v10  }
0x189: {  	v62 =	vld [tilespmem:s11+$0xFE90];
	v57 =	vunpack.i.u.bf16.f32 v12;
	v8 =	vmul.f32 v56, v54;
	v6 =	vmul.f32 v55, v6  }
0x18a: {  	v60 =	vld [tilespmem:s11+$0xBE90];
	v58 =	vunpack.i.l.bf16.f32 v12;
	v59 =	vunpack.i.u.bf16.f32 v7;
	v7 =	vunpack.i.l.bf16.f32 v7  }
0x18b: {  	v6 =	vadd.f32 v8, v6;
	v7 =	vmul.f32 v7, v58;
	v61 =	vmul.f32 v59, v57;
	_ =	sdelay $0x1  }
0x18c: {  	v5 =	vadd.f32 v6, v5;
	v6 =	vadd.f32 v7, v61;
	_ =	sdelay $0x1  }
0x18d: {  	v7 =	vadd.s32 $0x2710, v62;
	v5 =	vadd.f32 v6, v5  }
0x18e: {  	v6 =	vadd.s32 $0x2710, v60  }
0x18f: {  	[tilespmem:s11+$0x11E80] =	vst v5  }
0x190: {  	v5 =	vld.idx.msk [tilespmem:v60+s18+$0x0], $0xffff  }
0x191: {  	v63 =	vld.idx.msk [tilespmem:v62+s18+$0x0], $0xffff  }
0x192: {  	v16 =	vadd.s32 $0x4E20, v60;
	v7 =	vld.idx.msk [tilespmem:v7+s18+$0x0], $0xffff  }
0x193: {  	v17 =	vadd.s32 $0x4E20, v62;
	v6 =	vld.idx.msk [tilespmem:v6+s18+$0x0], $0xffff;
	_ =	sdelay $0x1  }
0x194: {  	v12 =	vadd.s32 $0x7530, v60  }
0x195: {  	v9 =	vadd.s32 $0x7530, v62;
	v18 =	vunpack.i.u.bf16.f32 v5  }
0x196: {  	v10 =	vld.idx.msk [tilespmem:v16+s18+$0x0], $0xffff;
	v5 =	vunpack.i.l.bf16.f32 v5;
	v19 =	vunpack.i.u.bf16.f32 v63;
	v22 =	vunpack.i.u.bf16.f32 v7  }
0x197: {  	v11 =	vld.idx.msk [tilespmem:v17+s18+$0x0], $0xffff;
	v7 =	vunpack.i.l.bf16.f32 v7;
	v21 =	vunpack.i.u.bf16.f32 v6;
	v6 =	vunpack.i.l.bf16.f32 v6  }
0x198: {  	v8 =	vunpack.i.l.bf16.f32 v63;
	v6 =	vmul.f32 v7, v6;
	v7 =	vmul.f32 v22, v21  }
0x199: {  	v12 =	vld.idx.msk [tilespmem:v12+s18+$0x0], $0xffff;
	v5 =	vmul.f32 v8, v5;
	v20 =	vmul.f32 v19, v18  }
0x19a: {  	v6 =	vadd.f32 v6, v7;
	v7 =	vld.idx.msk [tilespmem:v9+s18+$0x0], $0xffff  }
0x19b: {  	v5 =	vadd.f32 v5, v20  }
0x19c: {  	v23 =	vunpack.i.l.bf16.f32 v10;
	v24 =	vunpack.i.u.bf16.f32 v11  }
0x19d: {  	v25 =	vunpack.i.l.bf16.f32 v11;
	v5 =	vadd.f32 v6, v5;
	v6 =	vunpack.i.u.bf16.f32 v10  }
0x19e: {  	v31 =	vld [tilespmem:s11+$0xFEA0];
	v26 =	vunpack.i.u.bf16.f32 v12;
	v8 =	vmul.f32 v25, v23;
	v6 =	vmul.f32 v24, v6  }
0x19f: {  	v29 =	vld [tilespmem:s11+$0xBEA0];
	v27 =	vunpack.i.l.bf16.f32 v12;
	v28 =	vunpack.i.u.bf16.f32 v7;
	v7 =	vunpack.i.l.bf16.f32 v7  }
0x1a0: {  	v6 =	vadd.f32 v8, v6;
	v7 =	vmul.f32 v7, v27;
	v30 =	vmul.f32 v28, v26;
	_ =	sdelay $0x1  }
0x1a1: {  	v5 =	vadd.f32 v6, v5;
	v6 =	vadd.f32 v7, v30;
	_ =	sdelay $0x1  }
0x1a2: {  	v7 =	vadd.s32 $0x2710, v31;
	v5 =	vadd.f32 v6, v5  }
0x1a3: {  	v6 =	vadd.s32 $0x2710, v29  }
0x1a4: {  	[tilespmem:s11+$0x11E90] =	vst v5  }
0x1a5: {  	v5 =	vld.idx.msk [tilespmem:v29+s18+$0x0], $0xffff  }
0x1a6: {  	v32 =	vld.idx.msk [tilespmem:v31+s18+$0x0], $0xffff  }
0x1a7: {  	v33 =	vadd.s32 $0x4E20, v29;
	v7 =	vld.idx.msk [tilespmem:v7+s18+$0x0], $0xffff  }
0x1a8: {  	v34 =	vadd.s32 $0x4E20, v31;
	v6 =	vld.idx.msk [tilespmem:v6+s18+$0x0], $0xffff;
	_ =	sdelay $0x1  }
0x1a9: {  	v12 =	vadd.s32 $0x7530, v29  }
0x1aa: {  	v9 =	vadd.s32 $0x7530, v31;
	v35 =	vunpack.i.u.bf16.f32 v5  }
0x1ab: {  	v10 =	vld.idx.msk [tilespmem:v33+s18+$0x0], $0xffff;
	v5 =	vunpack.i.l.bf16.f32 v5;
	v36 =	vunpack.i.u.bf16.f32 v32;
	v39 =	vunpack.i.u.bf16.f32 v7  }
0x1ac: {  	v11 =	vld.idx.msk [tilespmem:v34+s18+$0x0], $0xffff;
	v7 =	vunpack.i.l.bf16.f32 v7;
	v38 =	vunpack.i.u.bf16.f32 v6;
	v6 =	vunpack.i.l.bf16.f32 v6  }
0x1ad: {  	v8 =	vunpack.i.l.bf16.f32 v32;
	v6 =	vmul.f32 v7, v6;
	v7 =	vmul.f32 v39, v38  }
0x1ae: {  	v12 =	vld.idx.msk [tilespmem:v12+s18+$0x0], $0xffff;
	v5 =	vmul.f32 v8, v5;
	v37 =	vmul.f32 v36, v35  }
0x1af: {  	v6 =	vadd.f32 v6, v7;
	v7 =	vld.idx.msk [tilespmem:v9+s18+$0x0], $0xffff  }
0x1b0: {  	v5 =	vadd.f32 v5, v37  }
0x1b1: {  	v40 =	vunpack.i.l.bf16.f32 v10;
	v41 =	vunpack.i.u.bf16.f32 v11  }
0x1b2: {  	v42 =	vunpack.i.l.bf16.f32 v11;
	v5 =	vadd.f32 v6, v5;
	v6 =	vunpack.i.u.bf16.f32 v10  }
0x1b3: {  	v48 =	vld [tilespmem:s11+$0xFEB0];
	v43 =	vunpack.i.u.bf16.f32 v12;
	v8 =	vmul.f32 v42, v40;
	v6 =	vmul.f32 v41, v6  }
0x1b4: {  	v46 =	vld [tilespmem:s11+$0xBEB0];
	v44 =	vunpack.i.l.bf16.f32 v12;
	v45 =	vunpack.i.u.bf16.f32 v7;
	v7 =	vunpack.i.l.bf16.f32 v7  }
0x1b5: {  	v6 =	vadd.f32 v8, v6;
	v7 =	vmul.f32 v7, v44;
	v47 =	vmul.f32 v45, v43;
	_ =	sdelay $0x1  }
0x1b6: {  	v5 =	vadd.f32 v6, v5;
	v6 =	vadd.f32 v7, v47;
	_ =	sdelay $0x1  }
0x1b7: {  	v7 =	vadd.s32 $0x2710, v48;
	v5 =	vadd.f32 v6, v5  }
0x1b8: {  	v6 =	vadd.s32 $0x2710, v46  }
0x1b9: {  	[tilespmem:s11+$0x11EA0] =	vst v5  }
0x1ba: {  	v5 =	vld.idx.msk [tilespmem:v46+s18+$0x0], $0xffff  }
0x1bb: {  	v49 =	vld.idx.msk [tilespmem:v48+s18+$0x0], $0xffff  }
0x1bc: {  	v50 =	vadd.s32 $0x4E20, v46;
	v7 =	vld.idx.msk [tilespmem:v7+s18+$0x0], $0xffff  }
0x1bd: {  	v51 =	vadd.s32 $0x4E20, v48;
	v6 =	vld.idx.msk [tilespmem:v6+s18+$0x0], $0xffff;
	_ =	sdelay $0x1  }
0x1be: {  	v12 =	vadd.s32 $0x7530, v46  }
0x1bf: {  	v9 =	vadd.s32 $0x7530, v48;
	v52 =	vunpack.i.u.bf16.f32 v5  }
0x1c0: {  	v10 =	vld.idx.msk [tilespmem:v50+s18+$0x0], $0xffff;
	v5 =	vunpack.i.l.bf16.f32 v5;
	v53 =	vunpack.i.u.bf16.f32 v49;
	v56 =	vunpack.i.u.bf16.f32 v7  }
0x1c1: {  	v11 =	vld.idx.msk [tilespmem:v51+s18+$0x0], $0xffff;
	v7 =	vunpack.i.l.bf16.f32 v7;
	v55 =	vunpack.i.u.bf16.f32 v6;
	v6 =	vunpack.i.l.bf16.f32 v6  }
0x1c2: {  	v8 =	vunpack.i.l.bf16.f32 v49;
	v6 =	vmul.f32 v7, v6;
	v7 =	vmul.f32 v56, v55  }
0x1c3: {  	v12 =	vld.idx.msk [tilespmem:v12+s18+$0x0], $0xffff;
	v5 =	vmul.f32 v8, v5;
	v54 =	vmul.f32 v53, v52  }
0x1c4: {  	v6 =	vadd.f32 v6, v7;
	v7 =	vld.idx.msk [tilespmem:v9+s18+$0x0], $0xffff  }
0x1c5: {  	v5 =	vadd.f32 v5, v54  }
0x1c6: {  	v57 =	vunpack.i.l.bf16.f32 v10;
	v58 =	vunpack.i.u.bf16.f32 v11  }
0x1c7: {  	v59 =	vunpack.i.l.bf16.f32 v11;
	v5 =	vadd.f32 v6, v5;
	v6 =	vunpack.i.u.bf16.f32 v10  }
0x1c8: {  	v60 =	vunpack.i.u.bf16.f32 v12;
	v8 =	vmul.f32 v59, v57;
	v6 =	vmul.f32 v58, v6  }
0x1c9: {  	v61 =	vunpack.i.l.bf16.f32 v12;
	v62 =	vunpack.i.u.bf16.f32 v7;
	v7 =	vunpack.i.l.bf16.f32 v7  }
0x1ca: {  	v6 =	vadd.f32 v8, v6;
	v7 =	vmul.f32 v7, v61;
	v63 =	vmul.f32 v62, v60  }
0x1cb: {  	p0 =	sne.s32 s10, $0x7E00  }
.Ltmp1:
0x1cc: {  	v5 =	vadd.f32 v6, v5;
	v6 =	vadd.f32 v7, v63;
	(pc) =	sbr.rel @p0 .LBB2_5-.Ltmp1, $3  }
0x1cd: {  	_ = 	snop  }
0x1ce: {  	v5 =	vadd.f32 v6, v5;
	_ =	sdelay $0x1  }
0x1cf: {  	s10 =	sadd.s32 $0x200, s10;
	[tilespmem:s11+$0x11EB0] =	vst v5  }
0x1d0: {  	[bflag:$0x0] =	sbarrier.arrive $0xFFFF  }
0x1d1: {  	[spmem:s1] =	stream.indirect.scatter.add.f32 [tilespmem:s2], [sflag:$0x5], $0x80, s0, s31, $0xb8;
	[tilespmem:$0x14080] =	vst v63  }
0x1d2: {  	_ =	swait.ge [sflag:s19], $0x2000  }
0x1d3: {  	[sflag:s19] =	ssyncset.done $0x0  }
0x1d4: {  	s10 =	sshll.u32 s25, $0xA;
	[sflag:s19] =	ssyncadd.s32 $0xFFFFE000  }
0x1d5: {  	s10 =	sadd.s32 s17, s10;
	[bflag:$0x0] =	sbarrier.arrive $0xFFFF  }
0x1d6: {  	[hbm:s10], [sflag:s8] =	dma.local [spmem:s9], $0x40  }
0x1d7: {  	s24 =	sadd.s32 $0x1, s24;
	_ =	swait.ge [sflag:s19], $0x40  }
0x1d8: {  	p0 =	sne.s32 s24, $0xA;
	[sflag:s19] =	ssyncset.done $0x0  }
.Ltmp2:
0x1d9: {  	[sflag:s19] =	ssyncadd.s32 $0xFFFFFFC0;
	(pc) =	sbr.rel @p0 .LBB2_2-.Ltmp2, $4  }
0x1da: {  	[spmem:s12] =	stream.linear.scatter [tilespmem:s23], [sflag:$0x5], $0x200, $0x38;
	[tilespmem:$0x14080] =	vst v63  }
0x1db: {  	_ =	swait.ge [sflag:s19], $0x200  }
0x1dc: {  	[sflag:s19] =	ssyncset.done $0x0  }
0x1dd: {  	[sflag:s19] =	ssyncadd.s32 $0xFFFFFE00  }
0x1de: {  	s22 =	sadd.s32 $0x1, s22  }
0x1df: {  	p0 =	sne.s32 s22, s16  }
.Ltmp3:
0x1e0: {  	_ = 	snop;
	(pc) =	sbr.rel @p0 .LBB2_1-.Ltmp3, $1  }
0x1e1: {  	_ =	sdelay $0x3  }
0x1e2: {  	_ =	sfence.sel $0x180000  }
0x1e3: {  	[bflag:$0x0] =	sbarrier.arrive $0xFFFF  }
0x1e4: {  	_ =	strace $0x90000047  }
0x1e5: {  	s0 =	stileid.u32;
	[bflag:$0x2] =	sbarrier.arrive $0xFFFF  }
0x1e6: {  	p0 =	sne.s32 s0, $0x0;
	s0 =	rddreg [dreg:$0x2]  }
0x1e7: {  	s0 =	sadd.s32 @!p0 $0x100000, s0  }
0x1e8: {  	[sflag:s0] =	ssyncadd.tile.s32 @!p0 $0x1;
	_ =	shalt  }
.Lfunc_end2:
_tile_overlayer_lowered:
.L_overlay_start_2:
0x1e9: {  	(tag) =	ssettag $0x2  }
0x1ea: {  	s0 =	rddreg [dreg:$0x0];
	s2 =	stileid.u32  }
0x1eb: {  	s1 =	rddreg [dreg:$0x1];
	p0 =	sne.s32 s2, $0x0  }
0x1ec: {  	s3 =	rddreg [dreg:$0x2];
	[bflag:$0x3] =	sbarrier.arrive $0xFFFF;
	s2 =	simm.s32 @!p0 $0x1C05  }
0x1ed: {  	[timem:s3], [sflag:s2] =	dma.local @!p0 [hbm:s0], s1  }
0x1ee: {  	s0 =	simm.s32 @!p0 $0x5  }
0x1ef: {  	_ =	swait.ge @!p0 [sflag:s0], s1  }
0x1f0: {  	s1 =	ssub.s32 @!p0 $0x0, s1;
	[sflag:s0] =	ssyncset.done @!p0 $0x0  }
0x1f1: {  	[sflag:s0] =	ssyncadd.s32 @!p0 s1  }
0x1f2: {  	[bflag:$0x3] =	sbarrier.arrive $0xFFFF  }
0x1f3: {  	_ =	shalt  }

</sc_bundles>
